<compile_context>
chip_gen: v7x
topology: tpu7x:2x2x1
jax: 0.10.2.dev20260603
libtpu: 0.0.44.dev20260713+nightly
codegen_flags: <defaults>
</compile_context>

<pallas_src>
import functools

import jax
import jax.numpy as jnp
from jax import lax
from jax.experimental import pallas as pl
from jax.experimental.pallas import tpu as pltpu
from jax.experimental.pallas import tpu_sc as plsc

_NC = 2
_NS = 16
_LANES = 16
_CH = 128
_NBUF = 2


def _pad_chunks(e):
    per_tile = -(-e // (_CH * _NC * _NS))
    per_tile = -(-per_tile // 8) * 8
    n_chunks = per_tile * _NC * _NS
    return n_chunks, per_tile


def _row_split(n_nodes):
    rows_main = (n_nodes // _NS) // 8 * 8
    rows_tail = n_nodes - rows_main * _NS
    assert rows_tail % 8 == 0
    return rows_main, rows_tail


def _sc_degree(dst2, n_nodes, e_real):
    n_chunks = dst2.shape[0]
    per_tile = n_chunks // (_NC * _NS)
    rows_main, rows_tail = _row_split(n_nodes)
    zn = rows_main + rows_tail
    n_acc = n_nodes + _LANES

    mesh = plsc.VectorSubcoreMesh(core_axis_name="c", subcore_axis_name="s")

    @functools.partial(
        pl.kernel,
        out_type=(jax.ShapeDtypeStruct((n_nodes,), jnp.float32),
                  jax.ShapeDtypeStruct((n_nodes,), jnp.float32)),
        mesh=mesh,
        scratch_types=[
            pltpu.VMEM((per_tile, _CH), jnp.int32),
            pltpu.VMEM((_CH,), jnp.float32),
            pltpu.VMEM((zn,), jnp.float32),
            pltpu.VMEM_SHARED((n_acc,), jnp.float32),
            pltpu.SemaphoreType.DMA,
        ],
    )
    def k(dst_hbm, out0_hbm, out1_hbm, idx_v, ones_v, zero_v, acc_sh, sem):
        cid = lax.axis_index("c")
        sid = lax.axis_index("s")

        one16 = jnp.full((_LANES,), 1.0, jnp.float32)
        zero16 = jnp.zeros((_LANES,), jnp.float32)

        @pl.loop(0, _CH // _LANES)
        def _(i):
            ones_v[pl.ds(i * _LANES, _LANES)] = one16

        @pl.loop(0, zn // _LANES)
        def _(i):
            zero_v[pl.ds(i * _LANES, _LANES)] = zero16

        c0 = (cid * _NS + sid) * per_tile
        pltpu.sync_copy(dst_hbm.at[pl.ds(c0, per_tile)], idx_v)

        row0 = sid * rows_main
        pltpu.sync_copy(zero_v.at[pl.ds(0, rows_main)],
                        acc_sh.at[pl.ds(row0, rows_main)])

        @pl.when(sid == _NS - 1)
        def _():
            pltpu.sync_copy(zero_v.at[pl.ds(0, rows_tail)],
                            acc_sh.at[pl.ds(_NS * rows_main, rows_tail)])
            pltpu.sync_copy(zero_v.at[pl.ds(0, _LANES)],
                            acc_sh.at[pl.ds(n_nodes, _LANES)])

        plsc.subcore_barrier()

        wave = 8
        assert per_tile % wave == 0
        n_eff = -(-e_real // _CH)

        @pl.loop(0, per_tile // wave)
        def _(w):
            for j in range(wave):
                @pl.when(c0 + w * wave + j < n_eff)
                def _():
                    pltpu.async_copy(ones_v,
                                     acc_sh.at[idx_v.at[w * wave + j]],
                                     sem, add=True)
            for j in range(wave):
                @pl.when(c0 + w * wave + j < n_eff)
                def _():
                    pltpu.make_async_copy(
                        ones_v, acc_sh.at[idx_v.at[0]], sem).wait()

        plsc.subcore_barrier()

        def copy_out(out_hbm):
            pltpu.sync_copy(acc_sh.at[pl.ds(row0, rows_main)],
                            zero_v.at[pl.ds(0, rows_main)])
            pltpu.sync_copy(zero_v.at[pl.ds(0, rows_main)],
                            out_hbm.at[pl.ds(row0, rows_main)])

            @pl.when(sid == _NS - 1)
            def _():
                pltpu.sync_copy(
                    acc_sh.at[pl.ds(_NS * rows_main, rows_tail)],
                    zero_v.at[pl.ds(rows_main, rows_tail)],
                )
                pltpu.sync_copy(
                    zero_v.at[pl.ds(rows_main, rows_tail)],
                    out_hbm.at[pl.ds(_NS * rows_main, rows_tail)],
                )

        @pl.when(cid == 0)
        def _():
            copy_out(out0_hbm)

        @pl.when(cid == 1)
        def _():
            copy_out(out1_hbm)

    return k(dst2)


def _sc_aggregate(g, src_p, dst_p, zeros2, n_nodes, e_real):
    d = g.shape[1]
    e_pad = src_p.shape[0]
    n_chunks = e_pad // _CH
    per_tile = n_chunks // (_NC * _NS)
    assert per_tile % _NBUF == 0
    rows_main, rows_tail = _row_split(n_nodes)
    n_acc = n_nodes + 8

    mesh = plsc.VectorSubcoreMesh(core_axis_name="c", subcore_axis_name="s")

    @functools.partial(
        pl.kernel,
        out_type=jax.ShapeDtypeStruct((_NC, n_nodes, d), jnp.float32),
        mesh=mesh,
        scratch_types=[
            pltpu.VMEM((2 * _NBUF, _CH), jnp.int32),
            pltpu.VMEM((2 * _NBUF, _CH), jnp.int32),
            pltpu.VMEM((_CH, d), jnp.float32),
            pltpu.VMEM((_CH, d), jnp.float32),
            pltpu.VMEM_SHARED((n_acc, d), jnp.float32),
            [pltpu.SemaphoreType.DMA] * _NBUF,
            [pltpu.SemaphoreType.DMA] * _NBUF,
            [pltpu.SemaphoreType.DMA] * (2 * _NBUF),
        ],
    )
    def k(g_hbm, src_hbm, dst_hbm, zeros_hbm, out_hbm, sidx_v, didx_v,
          rows0_v, rows1_v, acc_sh, sem_g, sem_s, sem_i):
        rows_bufs = (rows0_v, rows1_v)
        cid = lax.axis_index("c")
        sid = lax.axis_index("s")

        c0 = (cid * _NS + sid) * per_tile

        def load_idx(t, j, sem):
            base = (c0 + t) * _CH
            pltpu.async_copy(src_hbm.at[pl.ds(base, _CH)], sidx_v.at[j], sem)
            pltpu.async_copy(dst_hbm.at[pl.ds(base, _CH)], didx_v.at[j], sem)

        def wait_idx(j, sem):
            pltpu.make_async_copy(
                src_hbm.at[pl.ds(0, _CH)], sidx_v.at[j], sem).wait()
            pltpu.make_async_copy(
                dst_hbm.at[pl.ds(0, _CH)], didx_v.at[j], sem).wait()

        pltpu.sync_copy(zeros_hbm, rows0_v)
        row0 = sid * rows_main
        nz_full = rows_main // _CH
        z_rem = rows_main - nz_full * _CH

        @pl.loop(0, nz_full)
        def _(j):
            pltpu.sync_copy(rows0_v,
                            acc_sh.at[pl.ds(row0 + j * _CH, _CH)])

        pltpu.sync_copy(rows0_v.at[pl.ds(0, z_rem)],
                        acc_sh.at[pl.ds(row0 + nz_full * _CH, z_rem)])

        @pl.when(sid == _NS - 1)
        def _():
            pltpu.sync_copy(
                rows0_v.at[pl.ds(0, rows_tail + 8)],
                acc_sh.at[pl.ds(_NS * rows_main, rows_tail + 8)],
            )

        n_eff = -(-e_real // _CH)

        nslot = 2 * _NBUF
        for s in range(_NBUF):
            @pl.when(c0 + s < n_eff)
            def _():
                load_idx(s, s, sem_i[s])

        plsc.subcore_barrier()

        assert per_tile % nslot == 0

        @pl.loop(0, per_tile // nslot)
        def _(i):
            t = i * nslot
            for jj in range(nslot):
                tj = t + jj
                buf = jj % _NBUF
                prev_buf = (jj - 1) % _NBUF
                refill = (jj + _NBUF) % nslot

                @pl.when(c0 + tj < n_eff)
                def _():
                    wait_idx(jj, sem_i[jj])
                    pltpu.async_copy(g_hbm.at[sidx_v.at[jj]],
                                     rows_bufs[buf], sem_g[buf]).wait()

                    @pl.when(tj >= 1)
                    def _():
                        pltpu.make_async_copy(
                            rows_bufs[prev_buf],
                            acc_sh.at[didx_v.at[0]], sem_s[0]).wait()

                    pltpu.async_copy(rows_bufs[buf],
                                     acc_sh.at[didx_v.at[jj]],
                                     sem_s[0], add=True)

                    @pl.when(jnp.logical_and(tj + _NBUF < per_tile,
                                             c0 + tj + _NBUF < n_eff))
                    def _():
                        load_idx(tj + _NBUF, refill, sem_i[refill])

        @pl.when(c0 < n_eff)
        def _():
            pltpu.make_async_copy(
                rows_bufs[0],
                acc_sh.at[didx_v.at[0]], sem_s[0]).wait()

        plsc.subcore_barrier()
        pltpu.sync_copy(
            acc_sh.at[pl.ds(row0, rows_main)],
            out_hbm.at[cid].at[pl.ds(row0, rows_main)],
        )

        @pl.when(sid == _NS - 1)
        def _():
            pltpu.sync_copy(
                acc_sh.at[pl.ds(_NS * rows_main, rows_tail)],
                out_hbm.at[cid].at[pl.ds(_NS * rows_main, rows_tail)],
            )

    return k(g, src_p, dst_p, zeros2)


def _dinv_from_parts(d0_ref, d1_ref):
    deg = d0_ref[...] + d1_ref[...]
    return jnp.where(deg > 0, lax.rsqrt(jnp.maximum(deg, 1e-12)), 0.0)


def _tc_prep(x, w, d0c, d1c):
    n, d = x.shape
    br = 2000
    assert n % br == 0

    def body(x_ref, w_ref, d0_ref, d1_ref, g_ref):
        dinv = _dinv_from_parts(d0_ref, d1_ref)
        h = jnp.dot(x_ref[...], w_ref[...], preferred_element_type=jnp.float32)
        g_ref[...] = h * dinv

    return pl.pallas_call(
        body,
        grid=(n // br,),
        in_specs=[
            pl.BlockSpec((br, d), lambda i: (i, 0)),
            pl.BlockSpec((d, d), lambda i: (0, 0)),
            pl.BlockSpec((br, 1), lambda i: (i, 0)),
            pl.BlockSpec((br, 1), lambda i: (i, 0)),
        ],
        out_specs=pl.BlockSpec((br, d), lambda i: (i, 0)),
        out_shape=jax.ShapeDtypeStruct((n, d), jnp.float32),
    )(x, w, d0c, d1c)


def _tc_finish(accp, d0c, d1c, b2):
    n, d = accp.shape[1], accp.shape[2]
    br = 2000
    assert n % br == 0

    def body(a_ref, d0_ref, d1_ref, b_ref, o_ref):
        dinv = _dinv_from_parts(d0_ref, d1_ref)
        o_ref[...] = (a_ref[0] + a_ref[1]) * dinv + b_ref[...]

    return pl.pallas_call(
        body,
        grid=(n // br,),
        in_specs=[
            pl.BlockSpec((_NC, br, d), lambda i: (0, i, 0)),
            pl.BlockSpec((br, 1), lambda i: (i, 0)),
            pl.BlockSpec((br, 1), lambda i: (i, 0)),
            pl.BlockSpec((1, d), lambda i: (0, 0)),
        ],
        out_specs=pl.BlockSpec((br, d), lambda i: (i, 0)),
        out_shape=jax.ShapeDtypeStruct((n, d), jnp.float32),
    )(accp, d0c, d1c, b2)


def kernel(x, edge_index, W, b):
    n, d = x.shape
    e = edge_index.shape[1]
    ei = edge_index.astype(jnp.int32)
    n_chunks, _ = _pad_chunks(e)
    pad = n_chunks * _CH - e
    src_p = jnp.concatenate([ei[0], jnp.zeros((pad,), jnp.int32)])
    dst_p = jnp.concatenate([ei[1], jnp.full((pad,), n, jnp.int32)])
    dst2 = dst_p.reshape(n_chunks, _CH)
    zeros2 = jnp.zeros((_CH, d), jnp.float32)

    deg0, deg1 = _sc_degree(dst2, n, e)
    d0c = deg0.reshape(n, 1)
    d1c = deg1.reshape(n, 1)
    g = _tc_prep(x, W, d0c, d1c)
    accp = _sc_aggregate(g, src_p, dst_p, zeros2, n, e)
    return _tc_finish(accp, d0c, d1c, b.reshape(1, d))

# --- scband reference (transcript-rebuilt; emitter-appended) ---
"""Pipeline reference for scband-gcn-38585986187785 (READ-ONLY COPY).

The authoritative reference and input builder live on the scoring server;
editing this copy changes nothing except your own understanding.
"""

import jax, jax.numpy as jnp
import numpy as np

N = 10000
E = 320000
D = 128

def setup_inputs(seed: int = 0) -> dict:
    key = jax.random.key(seed)
    k1, k2, k3 = jax.random.split(key, 3)
    x = jax.random.normal(k1, (N, D), dtype=jnp.float32)
    edge_index = jax.random.randint(k2, (2, E), 0, N, dtype=jnp.int64)
    # GCNConv learned parameters (glorot-style scale for weight, zero bias)
    W = jax.random.normal(k3, (D, D), dtype=jnp.float32) * (1.0 / np.sqrt(D))
    b = jnp.zeros((D,), dtype=jnp.float32)
    return {"x": x, "edge_index": edge_index, "W": W, "b": b}

def reference(x, edge_index, W, b):
    # Faithful GCNConv(normalize=True, add_self_loops=False), one message round,
    # single layer (two_layers=False, dropout=False).
    src = edge_index[0]
    dst = edge_index[1]
    ones = jnp.ones((E,), dtype=jnp.float32)
    # gcn_norm: degree computed over destination (col) with unit edge weights
    deg = jax.ops.segment_sum(ones, dst, num_segments=N)
    deg_inv_sqrt = jnp.where(deg > 0, jax.lax.rsqrt(jnp.maximum(deg, 1e-12)), 0.0)
    norm = deg_inv_sqrt[src] * deg_inv_sqrt[dst]
    h = x @ W
    msgs = jnp.take(h, src, axis=0) * norm[:, None]
    out = jax.ops.segment_sum(msgs, dst, num_segments=N)
    out = out + b
    return out

if __name__ == "__main__":
    import jax
    _d = setup_inputs()
    print(jax.jit(kernel)(*tuple(_d.values())))

</pallas_src>

<mosaic_0001>
#map = affine_map<(d0, d1) -> (0, 0)>
#map1 = affine_map<(d0, d1) -> (0)>
#map2 = affine_map<(d0, d1) -> (0, 0, 0)>
module attributes {stable_mosaic.version = 14 : i64} {
  func.func @k(%arg0: i32, %arg1: i32, %arg2: memref<10000x128xf32, #tpu.memory_space<hbm>>, %arg3: memref<327680xi32, #tpu.memory_space<hbm>>, %arg4: memref<327680xi32, #tpu.memory_space<hbm>>, %arg5: memref<128x128xf32, #tpu.memory_space<hbm>>, %arg6: memref<2x10000x128xf32, #tpu.memory_space<hbm>>, %arg7: memref<4x128xi32, #tpu.memory_space<vmem>>, %arg8: memref<4x128xi32, #tpu.memory_space<vmem>>, %arg9: memref<128x128xf32, #tpu.memory_space<vmem>>, %arg10: memref<128x128xf32, #tpu.memory_space<vmem>>, %arg11: memref<10008x128xf32, #tpu.memory_space<vmem_shared>>, %arg12: memref<!tpu.dma_semaphore, #tpu.memory_space<semaphore_mem>>, %arg13: memref<!tpu.dma_semaphore, #tpu.memory_space<semaphore_mem>>, %arg14: memref<!tpu.dma_semaphore, #tpu.memory_space<semaphore_mem>>, %arg15: memref<!tpu.dma_semaphore, #tpu.memory_space<semaphore_mem>>, %arg16: memref<!tpu.dma_semaphore, #tpu.memory_space<semaphore_mem>>, %arg17: memref<!tpu.dma_semaphore, #tpu.memory_space<semaphore_mem>>, %arg18: memref<!tpu.dma_semaphore, #tpu.memory_space<semaphore_mem>>, %arg19: memref<!tpu.dma_semaphore, #tpu.memory_space<semaphore_mem>>) attributes {dimension_semantics = [#tpu.dimension_semantics<core_parallel>, #tpu.dimension_semantics<subcore_parallel>], iteration_bounds = array<i64: 2, 16>, scalar_prefetch = 0 : i64, scratch_operands = 13 : i64, tpu.core_type = #tpu.core_type<sc_vector_subcore>, window_params = [{transform_indices = #map}, {transform_indices = #map1}, {transform_indices = #map1}, {transform_indices = #map}, {transform_indices = #map2}]} {
    %mul3A = arith.constant 16 : i32
    %mul3A_0 = arith.muli %arg0, %mul3A : i32
    %add3A = arith.addi %mul3A_0, %arg1 : i32
    %mul3A_1 = arith.constant 80 : i32
    %mul3A_2 = arith.muli %add3A, %mul3A_1 : i32
    "tpu.region"() ({
      %run_scoped3A = tpu.sem_alloc : memref<!tpu.dma_semaphore, #tpu.memory_space<semaphore_mem>>
      tpu.enqueue_dma source(%arg5 : memref<128x128xf32, #tpu.memory_space<hbm>>) target(%arg9 : memref<128x128xf32, #tpu.memory_space<vmem>>) target_semaphore(%run_scoped3A : memref<!tpu.dma_semaphore, #tpu.memory_space<semaphore_mem>>)
      tpu.wait_dma2 semaphore(%run_scoped3A : memref<!tpu.dma_semaphore, #tpu.memory_space<semaphore_mem>>) src(%arg5 : memref<128x128xf32, #tpu.memory_space<hbm>>) dst(%arg9 : memref<128x128xf32, #tpu.memory_space<vmem>>)
      tpu.yield
    }) : () -> ()
    %mul3A_3 = arith.constant 624 : i32
    %mul3A_4 = arith.muli %arg1, %mul3A_3 : i32
    %scan3A = arith.constant 0 : i32
    %scan3A_5 = arith.constant 4 : i32
    %scan3A_6 = arith.addi %scan3A, %scan3A_5 : i32
    %scan3A_7 = arith.constant 1 : i32
    scf.for %scan3A_42 = %scan3A to %scan3A_6 step %scan3A_7  : i32 {
      %mul3A_43 = arith.constant 1 : i32
      %mul3A_44 = arith.muli %scan3A_42, %mul3A_43 : i32
      %add3A_45 = arith.constant 0 : i32
      %add3A_46 = arith.addi %add3A_45, %mul3A_44 : i32
      %mul3A_47 = arith.constant 128 : i32
      %mul3A_48 = arith.muli %add3A_46, %mul3A_47 : i32
      %add3A_49 = arith.addi %mul3A_4, %mul3A_48 : i32
      "tpu.region"() ({
        %run_scoped3A = tpu.sem_alloc : memref<!tpu.dma_semaphore, #tpu.memory_space<semaphore_mem>>
        %dma_start3A = arith.constant 0 : i32
        %dma_start3A_50 = tpu.memref_slice %arg11[%add3A_49, %dma_start3A] : memref<10008x128xf32, #tpu.memory_space<vmem_shared>> -> memref<128x128xf32, #tpu.memory_space<vmem_shared>>
        %dma_start3A_51 = arith.constant 0 : i32
        %dma_start3A_52 = tpu.memref_slice %arg11[%add3A_49, %dma_start3A_51] : memref<10008x128xf32, #tpu.memory_space<vmem_shared>> -> memref<128x128xf32, #tpu.memory_space<vmem_shared>>
        tpu.enqueue_dma source(%arg9 : memref<128x128xf32, #tpu.memory_space<vmem>>) target(%dma_start3A_52 : memref<128x128xf32, #tpu.memory_space<vmem_shared>>) target_semaphore(%run_scoped3A : memref<!tpu.dma_semaphore, #tpu.memory_space<semaphore_mem>>)
        %dma_wait3A = arith.constant 0 : i32
        %dma_wait3A_53 = tpu.memref_slice %arg11[%add3A_49, %dma_wait3A] : memref<10008x128xf32, #tpu.memory_space<vmem_shared>> -> memref<128x128xf32, #tpu.memory_space<vmem_shared>>
        %dma_wait3A_54 = arith.constant 0 : i32
        %dma_wait3A_55 = tpu.memref_slice %arg11[%add3A_49, %dma_wait3A_54] : memref<10008x128xf32, #tpu.memory_space<vmem_shared>> -> memref<128x128xf32, #tpu.memory_space<vmem_shared>>
        tpu.wait_dma2 semaphore(%run_scoped3A : memref<!tpu.dma_semaphore, #tpu.memory_space<semaphore_mem>>) src(%arg9 : memref<128x128xf32, #tpu.memory_space<vmem>>) dst(%dma_wait3A_55 : memref<128x128xf32, #tpu.memory_space<vmem_shared>>)
        tpu.yield
      }) : () -> ()
    }
    %scan3A_8 = arith.constant 4 : i32
    %add3A_9 = arith.constant 512 : i32
    %add3A_10 = arith.addi %mul3A_4, %add3A_9 : i32
    "tpu.region"() ({
      %run_scoped3A = tpu.sem_alloc : memref<!tpu.dma_semaphore, #tpu.memory_space<semaphore_mem>>
      %dma_start3A = arith.constant 0 : i32
      %dma_start3A_42 = arith.constant 0 : i32
      %dma_start3A_43 = tpu.memref_slice %arg9[%dma_start3A, %dma_start3A_42] : memref<128x128xf32, #tpu.memory_space<vmem>> -> memref<112x128xf32, #tpu.memory_space<vmem>>
      %dma_start3A_44 = arith.constant 0 : i32
      %dma_start3A_45 = tpu.memref_slice %arg11[%add3A_10, %dma_start3A_44] : memref<10008x128xf32, #tpu.memory_space<vmem_shared>> -> memref<112x128xf32, #tpu.memory_space<vmem_shared>>
      %dma_start3A_46 = arith.constant 0 : i32
      %dma_start3A_47 = tpu.memref_slice %arg11[%add3A_10, %dma_start3A_46] : memref<10008x128xf32, #tpu.memory_space<vmem_shared>> -> memref<112x128xf32, #tpu.memory_space<vmem_shared>>
      %dma_start3A_48 = arith.constant 0 : i32
      %dma_start3A_49 = arith.constant 0 : i32
      %dma_start3A_50 = tpu.memref_slice %arg9[%dma_start3A_48, %dma_start3A_49] : memref<128x128xf32, #tpu.memory_space<vmem>> -> memref<112x128xf32, #tpu.memory_space<vmem>>
      tpu.enqueue_dma source(%dma_start3A_50 : memref<112x128xf32, #tpu.memory_space<vmem>>) target(%dma_start3A_47 : memref<112x128xf32, #tpu.memory_space<vmem_shared>>) target_semaphore(%run_scoped3A : memref<!tpu.dma_semaphore, #tpu.memory_space<semaphore_mem>>)
      %dma_wait3A = arith.constant 0 : i32
      %dma_wait3A_51 = arith.constant 0 : i32
      %dma_wait3A_52 = tpu.memref_slice %arg9[%dma_wait3A, %dma_wait3A_51] : memref<128x128xf32, #tpu.memory_space<vmem>> -> memref<112x128xf32, #tpu.memory_space<vmem>>
      %dma_wait3A_53 = arith.constant 0 : i32
      %dma_wait3A_54 = tpu.memref_slice %arg11[%add3A_10, %dma_wait3A_53] : memref<10008x128xf32, #tpu.memory_space<vmem_shared>> -> memref<112x128xf32, #tpu.memory_space<vmem_shared>>
      %dma_wait3A_55 = arith.constant 0 : i32
      %dma_wait3A_56 = tpu.memref_slice %arg11[%add3A_10, %dma_wait3A_55] : memref<10008x128xf32, #tpu.memory_space<vmem_shared>> -> memref<112x128xf32, #tpu.memory_space<vmem_shared>>
      %dma_wait3A_57 = arith.constant 0 : i32
      %dma_wait3A_58 = arith.constant 0 : i32
      %dma_wait3A_59 = tpu.memref_slice %arg9[%dma_wait3A_57, %dma_wait3A_58] : memref<128x128xf32, #tpu.memory_space<vmem>> -> memref<112x128xf32, #tpu.memory_space<vmem>>
      tpu.wait_dma2 semaphore(%run_scoped3A : memref<!tpu.dma_semaphore, #tpu.memory_space<semaphore_mem>>) src(%dma_wait3A_59 : memref<112x128xf32, #tpu.memory_space<vmem>>) dst(%dma_wait3A_56 : memref<112x128xf32, #tpu.memory_space<vmem_shared>>)
      tpu.yield
    }) : () -> ()
    %eq3A = arith.constant 15 : i32
    %eq3A_11 = arith.cmpi eq, %arg1, %eq3A : i32
    %convert_element_type3A = arith.extui %eq3A_11 : i1 to i32
    %cond3A = arith.constant 0 : i32
    %cond3A_12 = arith.cmpi ne, %convert_element_type3A, %cond3A : i32
    scf.if %cond3A_12 {
      "tpu.region"() ({
        %run_scoped3A = tpu.sem_alloc : memref<!tpu.dma_semaphore, #tpu.memory_space<semaphore_mem>>
        %dma_start3A = arith.constant 0 : i32
        %dma_start3A_42 = arith.constant 0 : i32
        %dma_start3A_43 = tpu.memref_slice %arg9[%dma_start3A, %dma_start3A_42] : memref<128x128xf32, #tpu.memory_space<vmem>> -> memref<24x128xf32, #tpu.memory_space<vmem>>
        %dma_start3A_44 = arith.constant 9984 : i32
        %dma_start3A_45 = arith.constant 0 : i32
        %dma_start3A_46 = tpu.memref_slice %arg11[%dma_start3A_44, %dma_start3A_45] : memref<10008x128xf32, #tpu.memory_space<vmem_shared>> -> memref<24x128xf32, #tpu.memory_space<vmem_shared>>
        %dma_start3A_47 = arith.constant 9984 : i32
        %dma_start3A_48 = arith.constant 0 : i32
        %dma_start3A_49 = tpu.memref_slice %arg11[%dma_start3A_47, %dma_start3A_48] : memref<10008x128xf32, #tpu.memory_space<vmem_shared>> -> memref<24x128xf32, #tpu.memory_space<vmem_shared>>
        %dma_start3A_50 = arith.constant 0 : i32
        %dma_start3A_51 = arith.constant 0 : i32
        %dma_start3A_52 = tpu.memref_slice %arg9[%dma_start3A_50, %dma_start3A_51] : memref<128x128xf32, #tpu.memory_space<vmem>> -> memref<24x128xf32, #tpu.memory_space<vmem>>
        tpu.enqueue_dma source(%dma_start3A_52 : memref<24x128xf32, #tpu.memory_space<vmem>>) target(%dma_start3A_49 : memref<24x128xf32, #tpu.memory_space<vmem_shared>>) target_semaphore(%run_scoped3A : memref<!tpu.dma_semaphore, #tpu.memory_space<semaphore_mem>>)
        %dma_wait3A = arith.constant 0 : i32
        %dma_wait3A_53 = arith.constant 0 : i32
        %dma_wait3A_54 = tpu.memref_slice %arg9[%dma_wait3A, %dma_wait3A_53] : memref<128x128xf32, #tpu.memory_space<vmem>> -> memref<24x128xf32, #tpu.memory_space<vmem>>
        %dma_wait3A_55 = arith.constant 9984 : i32
        %dma_wait3A_56 = arith.constant 0 : i32
        %dma_wait3A_57 = tpu.memref_slice %arg11[%dma_wait3A_55, %dma_wait3A_56] : memref<10008x128xf32, #tpu.memory_space<vmem_shared>> -> memref<24x128xf32, #tpu.memory_space<vmem_shared>>
        %dma_wait3A_58 = arith.constant 9984 : i32
        %dma_wait3A_59 = arith.constant 0 : i32
        %dma_wait3A_60 = tpu.memref_slice %arg11[%dma_wait3A_58, %dma_wait3A_59] : memref<10008x128xf32, #tpu.memory_space<vmem_shared>> -> memref<24x128xf32, #tpu.memory_space<vmem_shared>>
        %dma_wait3A_61 = arith.constant 0 : i32
        %dma_wait3A_62 = arith.constant 0 : i32
        %dma_wait3A_63 = tpu.memref_slice %arg9[%dma_wait3A_61, %dma_wait3A_62] : memref<128x128xf32, #tpu.memory_space<vmem>> -> memref<24x128xf32, #tpu.memory_space<vmem>>
        tpu.wait_dma2 semaphore(%run_scoped3A : memref<!tpu.dma_semaphore, #tpu.memory_space<semaphore_mem>>) src(%dma_wait3A_63 : memref<24x128xf32, #tpu.memory_space<vmem>>) dst(%dma_wait3A_60 : memref<24x128xf32, #tpu.memory_space<vmem_shared>>)
        tpu.yield
      }) : () -> ()
    } else {
    }
    %add3A_13 = arith.constant 0 : i32
    %add3A_14 = arith.addi %mul3A_2, %add3A_13 : i32
    %lt3A = arith.constant 2500 : i32
    %lt3A_15 = arith.cmpi slt, %add3A_14, %lt3A : i32
    %convert_element_type3A_16 = arith.extui %lt3A_15 : i1 to i32
    %cond3A_17 = arith.constant 0 : i32
    %cond3A_18 = arith.cmpi ne, %convert_element_type3A_16, %cond3A_17 : i32
    scf.if %cond3A_18 {
      %add3A_42 = arith.constant 0 : i32
      %add3A_43 = arith.addi %mul3A_2, %add3A_42 : i32
      %mul3A_44 = arith.constant 128 : i32
      %mul3A_45 = arith.muli %add3A_43, %mul3A_44 : i32
      %dma_start3A = arith.constant 0 : i32
      %dma_start3A_46 = arith.constant 0 : i32
      %dma_start3A_47 = tpu.memref_slice %arg7[%dma_start3A, %dma_start3A_46] : memref<4x128xi32, #tpu.memory_space<vmem>> -> memref<1x128xi32, #tpu.memory_space<vmem>>
      %dma_start3A_48 = tpu.memref_squeeze %dma_start3A_47 : memref<1x128xi32, #tpu.memory_space<vmem>> -> memref<128xi32, #tpu.memory_space<vmem>>
      %dma_start3A_49 = tpu.memref_slice %arg3[%mul3A_45] : memref<327680xi32, #tpu.memory_space<hbm>> -> memref<128xi32, #tpu.memory_space<hbm>>
      %dma_start3A_50 = arith.constant 0 : i32
      %dma_start3A_51 = tpu.memref_slice %arg7[%dma_start3A, %dma_start3A_50] : memref<4x128xi32, #tpu.memory_space<vmem>> -> memref<1x128xi32, #tpu.memory_space<vmem>>
      %dma_start3A_52 = tpu.memref_squeeze %dma_start3A_51 : memref<1x128xi32, #tpu.memory_space<vmem>> -> memref<128xi32, #tpu.memory_space<vmem>>
      %dma_start3A_53 = tpu.memref_slice %arg3[%mul3A_45] : memref<327680xi32, #tpu.memory_space<hbm>> -> memref<128xi32, #tpu.memory_space<hbm>>
      tpu.enqueue_dma source(%dma_start3A_53 : memref<128xi32, #tpu.memory_space<hbm>>) target(%dma_start3A_52 : memref<128xi32, #tpu.memory_space<vmem>>) target_semaphore(%arg16 : memref<!tpu.dma_semaphore, #tpu.memory_space<semaphore_mem>>)
      %dma_start3A_54 = arith.constant 0 : i32
      %dma_start3A_55 = arith.constant 0 : i32
      %dma_start3A_56 = tpu.memref_slice %arg8[%dma_start3A_54, %dma_start3A_55] : memref<4x128xi32, #tpu.memory_space<vmem>> -> memref<1x128xi32, #tpu.memory_space<vmem>>
      %dma_start3A_57 = tpu.memref_squeeze %dma_start3A_56 : memref<1x128xi32, #tpu.memory_space<vmem>> -> memref<128xi32, #tpu.memory_space<vmem>>
      %dma_start3A_58 = tpu.memref_slice %arg4[%mul3A_45] : memref<327680xi32, #tpu.memory_space<hbm>> -> memref<128xi32, #tpu.memory_space<hbm>>
      %dma_start3A_59 = arith.constant 0 : i32
      %dma_start3A_60 = tpu.memref_slice %arg8[%dma_start3A_54, %dma_start3A_59] : memref<4x128xi32, #tpu.memory_space<vmem>> -> memref<1x128xi32, #tpu.memory_space<vmem>>
      %dma_start3A_61 = tpu.memref_squeeze %dma_start3A_60 : memref<1x128xi32, #tpu.memory_space<vmem>> -> memref<128xi32, #tpu.memory_space<vmem>>
      %dma_start3A_62 = tpu.memref_slice %arg4[%mul3A_45] : memref<327680xi32, #tpu.memory_space<hbm>> -> memref<128xi32, #tpu.memory_space<hbm>>
      tpu.enqueue_dma source(%dma_start3A_62 : memref<128xi32, #tpu.memory_space<hbm>>) target(%dma_start3A_61 : memref<128xi32, #tpu.memory_space<vmem>>) target_semaphore(%arg16 : memref<!tpu.dma_semaphore, #tpu.memory_space<semaphore_mem>>)
    } else {
    }
    %add3A_19 = arith.constant 1 : i32
    %add3A_20 = arith.addi %mul3A_2, %add3A_19 : i32
    %lt3A_21 = arith.constant 2500 : i32
    %lt3A_22 = arith.cmpi slt, %add3A_20, %lt3A_21 : i32
    %convert_element_type3A_23 = arith.extui %lt3A_22 : i1 to i32
    %cond3A_24 = arith.constant 0 : i32
    %cond3A_25 = arith.cmpi ne, %convert_element_type3A_23, %cond3A_24 : i32
    scf.if %cond3A_25 {
      %add3A_42 = arith.constant 1 : i32
      %add3A_43 = arith.addi %mul3A_2, %add3A_42 : i32
      %mul3A_44 = arith.constant 128 : i32
      %mul3A_45 = arith.muli %add3A_43, %mul3A_44 : i32
      %dma_start3A = arith.constant 1 : i32
      %dma_start3A_46 = arith.constant 0 : i32
      %dma_start3A_47 = tpu.memref_slice %arg7[%dma_start3A, %dma_start3A_46] : memref<4x128xi32, #tpu.memory_space<vmem>> -> memref<1x128xi32, #tpu.memory_space<vmem>>
      %dma_start3A_48 = tpu.memref_squeeze %dma_start3A_47 : memref<1x128xi32, #tpu.memory_space<vmem>> -> memref<128xi32, #tpu.memory_space<vmem>>
      %dma_start3A_49 = tpu.memref_slice %arg3[%mul3A_45] : memref<327680xi32, #tpu.memory_space<hbm>> -> memref<128xi32, #tpu.memory_space<hbm>>
      %dma_start3A_50 = arith.constant 0 : i32
      %dma_start3A_51 = tpu.memref_slice %arg7[%dma_start3A, %dma_start3A_50] : memref<4x128xi32, #tpu.memory_space<vmem>> -> memref<1x128xi32, #tpu.memory_space<vmem>>
      %dma_start3A_52 = tpu.memref_squeeze %dma_start3A_51 : memref<1x128xi32, #tpu.memory_space<vmem>> -> memref<128xi32, #tpu.memory_space<vmem>>
      %dma_start3A_53 = tpu.memref_slice %arg3[%mul3A_45] : memref<327680xi32, #tpu.memory_space<hbm>> -> memref<128xi32, #tpu.memory_space<hbm>>
      tpu.enqueue_dma source(%dma_start3A_53 : memref<128xi32, #tpu.memory_space<hbm>>) target(%dma_start3A_52 : memref<128xi32, #tpu.memory_space<vmem>>) target_semaphore(%arg17 : memref<!tpu.dma_semaphore, #tpu.memory_space<semaphore_mem>>)
      %dma_start3A_54 = arith.constant 1 : i32
      %dma_start3A_55 = arith.constant 0 : i32
      %dma_start3A_56 = tpu.memref_slice %arg8[%dma_start3A_54, %dma_start3A_55] : memref<4x128xi32, #tpu.memory_space<vmem>> -> memref<1x128xi32, #tpu.memory_space<vmem>>
      %dma_start3A_57 = tpu.memref_squeeze %dma_start3A_56 : memref<1x128xi32, #tpu.memory_space<vmem>> -> memref<128xi32, #tpu.memory_space<vmem>>
      %dma_start3A_58 = tpu.memref_slice %arg4[%mul3A_45] : memref<327680xi32, #tpu.memory_space<hbm>> -> memref<128xi32, #tpu.memory_space<hbm>>
      %dma_start3A_59 = arith.constant 0 : i32
      %dma_start3A_60 = tpu.memref_slice %arg8[%dma_start3A_54, %dma_start3A_59] : memref<4x128xi32, #tpu.memory_space<vmem>> -> memref<1x128xi32, #tpu.memory_space<vmem>>
      %dma_start3A_61 = tpu.memref_squeeze %dma_start3A_60 : memref<1x128xi32, #tpu.memory_space<vmem>> -> memref<128xi32, #tpu.memory_space<vmem>>
      %dma_start3A_62 = tpu.memref_slice %arg4[%mul3A_45] : memref<327680xi32, #tpu.memory_space<hbm>> -> memref<128xi32, #tpu.memory_space<hbm>>
      tpu.enqueue_dma source(%dma_start3A_62 : memref<128xi32, #tpu.memory_space<hbm>>) target(%dma_start3A_61 : memref<128xi32, #tpu.memory_space<vmem>>) target_semaphore(%arg17 : memref<!tpu.dma_semaphore, #tpu.memory_space<semaphore_mem>>)
    } else {
    }
    %barrier3A = arith.constant 0 : index
    tpu.barrier barrier_id(%barrier3A)
    %scan3A_26 = arith.constant 0 : i32
    %scan3A_27 = arith.constant 20 : i32
    %scan3A_28 = arith.addi %scan3A_26, %scan3A_27 : i32
    %scan3A_29 = arith.constant 1 : i32
    scf.for %scan3A_42 = %scan3A_26 to %scan3A_28 step %scan3A_29  : i32 {
      %mul3A_43 = arith.constant 1 : i32
      %mul3A_44 = arith.muli %scan3A_42, %mul3A_43 : i32
      %add3A_45 = arith.constant 0 : i32
      %add3A_46 = arith.addi %add3A_45, %mul3A_44 : i32
      %mul3A_47 = arith.constant 4 : i32
      %mul3A_48 = arith.muli %add3A_46, %mul3A_47 : i32
      %add3A_49 = arith.constant 0 : i32
      %add3A_50 = arith.addi %mul3A_48, %add3A_49 : i32
      %add3A_51 = arith.addi %mul3A_2, %add3A_50 : i32
      %lt3A_52 = arith.constant 2500 : i32
      %lt3A_53 = arith.cmpi slt, %add3A_51, %lt3A_52 : i32
      %convert_element_type3A_54 = arith.extui %lt3A_53 : i1 to i32
      %cond3A_55 = arith.constant 0 : i32
      %cond3A_56 = arith.cmpi ne, %convert_element_type3A_54, %cond3A_55 : i32
      scf.if %cond3A_56 {
        %dma_wait3A = arith.constant 0 : i32
        %dma_wait3A_81 = arith.constant 0 : i32
        %dma_wait3A_82 = tpu.memref_slice %arg7[%dma_wait3A, %dma_wait3A_81] : memref<4x128xi32, #tpu.memory_space<vmem>> -> memref<1x128xi32, #tpu.memory_space<vmem>>
        %dma_wait3A_83 = tpu.memref_squeeze %dma_wait3A_82 : memref<1x128xi32, #tpu.memory_space<vmem>> -> memref<128xi32, #tpu.memory_space<vmem>>
        %dma_wait3A_84 = arith.constant 0 : i32
        %dma_wait3A_85 = tpu.memref_slice %arg3[%dma_wait3A_84] : memref<327680xi32, #tpu.memory_space<hbm>> -> memref<128xi32, #tpu.memory_space<hbm>>
        %dma_wait3A_86 = arith.constant 0 : i32
        %dma_wait3A_87 = tpu.memref_slice %arg7[%dma_wait3A, %dma_wait3A_86] : memref<4x128xi32, #tpu.memory_space<vmem>> -> memref<1x128xi32, #tpu.memory_space<vmem>>
        %dma_wait3A_88 = tpu.memref_squeeze %dma_wait3A_87 : memref<1x128xi32, #tpu.memory_space<vmem>> -> memref<128xi32, #tpu.memory_space<vmem>>
        %dma_wait3A_89 = arith.constant 0 : i32
        %dma_wait3A_90 = tpu.memref_slice %arg3[%dma_wait3A_89] : memref<327680xi32, #tpu.memory_space<hbm>> -> memref<128xi32, #tpu.memory_space<hbm>>
        tpu.wait_dma2 semaphore(%arg16 : memref<!tpu.dma_semaphore, #tpu.memory_space<semaphore_mem>>) src(%dma_wait3A_90 : memref<128xi32, #tpu.memory_space<hbm>>) dst(%dma_wait3A_88 : memref<128xi32, #tpu.memory_space<vmem>>)
        %dma_wait3A_91 = arith.constant 0 : i32
        %dma_wait3A_92 = arith.constant 0 : i32
        %dma_wait3A_93 = tpu.memref_slice %arg8[%dma_wait3A_91, %dma_wait3A_92] : memref<4x128xi32, #tpu.memory_space<vmem>> -> memref<1x128xi32, #tpu.memory_space<vmem>>
        %dma_wait3A_94 = tpu.memref_squeeze %dma_wait3A_93 : memref<1x128xi32, #tpu.memory_space<vmem>> -> memref<128xi32, #tpu.memory_space<vmem>>
        %dma_wait3A_95 = arith.constant 0 : i32
        %dma_wait3A_96 = tpu.memref_slice %arg4[%dma_wait3A_95] : memref<327680xi32, #tpu.memory_space<hbm>> -> memref<128xi32, #tpu.memory_space<hbm>>
        %dma_wait3A_97 = arith.constant 0 : i32
        %dma_wait3A_98 = tpu.memref_slice %arg8[%dma_wait3A_91, %dma_wait3A_97] : memref<4x128xi32, #tpu.memory_space<vmem>> -> memref<1x128xi32, #tpu.memory_space<vmem>>
        %dma_wait3A_99 = tpu.memref_squeeze %dma_wait3A_98 : memref<1x128xi32, #tpu.memory_space<vmem>> -> memref<128xi32, #tpu.memory_space<vmem>>
        %dma_wait3A_100 = arith.constant 0 : i32
        %dma_wait3A_101 = tpu.memref_slice %arg4[%dma_wait3A_100] : memref<327680xi32, #tpu.memory_space<hbm>> -> memref<128xi32, #tpu.memory_space<hbm>>
        tpu.wait_dma2 semaphore(%arg16 : memref<!tpu.dma_semaphore, #tpu.memory_space<semaphore_mem>>) src(%dma_wait3A_101 : memref<128xi32, #tpu.memory_space<hbm>>) dst(%dma_wait3A_99 : memref<128xi32, #tpu.memory_space<vmem>>)
        %dma_start3A = arith.constant 0 : i32
        %dma_start3A_102 = arith.constant 0 : i32
        %dma_start3A_103 = tpu.memref_slice %arg7[%dma_start3A, %dma_start3A_102] : memref<4x128xi32, #tpu.memory_space<vmem>> -> memref<1x128xi32, #tpu.memory_space<vmem>>
        %dma_start3A_104 = tpu.memref_squeeze %dma_start3A_103 : memref<1x128xi32, #tpu.memory_space<vmem>> -> memref<128xi32, #tpu.memory_space<vmem>>
        %dma_start3A_105 = arith.constant 0 : i32
        %dma_start3A_106 = arith.constant 0 : i32
        %dma_start3A_107 = tpu.memref_slice %arg2[%dma_start3A_105, %dma_start3A_106] : memref<10000x128xf32, #tpu.memory_space<hbm>> -> memref<10000x128xf32, #tpu.memory_space<hbm>>
        tpu.enqueue_indirect_dma source(%dma_start3A_107 : memref<10000x128xf32, #tpu.memory_space<hbm>>) target(%arg9 : memref<128x128xf32, #tpu.memory_space<vmem>>) offsets(%dma_start3A_104 : memref<128xi32, #tpu.memory_space<vmem>>) semaphore(%arg12 : memref<!tpu.dma_semaphore, #tpu.memory_space<semaphore_mem>>)
        %dma_wait3A_108 = arith.constant 0 : i32
        %dma_wait3A_109 = arith.constant 0 : i32
        %dma_wait3A_110 = tpu.memref_slice %arg7[%dma_wait3A_108, %dma_wait3A_109] : memref<4x128xi32, #tpu.memory_space<vmem>> -> memref<1x128xi32, #tpu.memory_space<vmem>>
        %dma_wait3A_111 = tpu.memref_squeeze %dma_wait3A_110 : memref<1x128xi32, #tpu.memory_space<vmem>> -> memref<128xi32, #tpu.memory_space<vmem>>
        %dma_wait3A_112 = arith.constant 0 : i32
        %dma_wait3A_113 = arith.constant 0 : i32
        %dma_wait3A_114 = tpu.memref_slice %arg2[%dma_wait3A_112, %dma_wait3A_113] : memref<10000x128xf32, #tpu.memory_space<hbm>> -> memref<10000x128xf32, #tpu.memory_space<hbm>>
        tpu.wait_indirect_dma semaphore(%arg12 : memref<!tpu.dma_semaphore, #tpu.memory_space<semaphore_mem>>) src(%dma_wait3A_114 : memref<10000x128xf32, #tpu.memory_space<hbm>>) dst(%arg9 : memref<128x128xf32, #tpu.memory_space<vmem>>)
        %ge3A = arith.constant 1 : i32
        %ge3A_115 = arith.cmpi sge, %add3A_50, %ge3A : i32
        %convert_element_type3A_116 = arith.extui %ge3A_115 : i1 to i32
        %cond3A_117 = arith.constant 0 : i32
        %cond3A_118 = arith.cmpi ne, %convert_element_type3A_116, %cond3A_117 : i32
        scf.if %cond3A_118 {
          %dma_wait3A_138 = arith.constant 0 : i32
          %dma_wait3A_139 = arith.constant 0 : i32
          %dma_wait3A_140 = tpu.memref_slice %arg8[%dma_wait3A_138, %dma_wait3A_139] : memref<4x128xi32, #tpu.memory_space<vmem>> -> memref<1x128xi32, #tpu.memory_space<vmem>>
          %dma_wait3A_141 = tpu.memref_squeeze %dma_wait3A_140 : memref<1x128xi32, #tpu.memory_space<vmem>> -> memref<128xi32, #tpu.memory_space<vmem>>
          %dma_wait3A_142 = arith.constant 0 : i32
          %dma_wait3A_143 = arith.constant 0 : i32
          %dma_wait3A_144 = tpu.memref_slice %arg11[%dma_wait3A_142, %dma_wait3A_143] : memref<10008x128xf32, #tpu.memory_space<vmem_shared>> -> memref<10008x128xf32, #tpu.memory_space<vmem_shared>>
          tpu.wait_indirect_dma semaphore(%arg14 : memref<!tpu.dma_semaphore, #tpu.memory_space<semaphore_mem>>) src(%arg10 : memref<128x128xf32, #tpu.memory_space<vmem>>) dst(%dma_wait3A_144 : memref<10008x128xf32, #tpu.memory_space<vmem_shared>>)
        } else {
        }
        %dma_start3A_119 = arith.constant 0 : i32
        %dma_start3A_120 = arith.constant 0 : i32
        %dma_start3A_121 = tpu.memref_slice %arg8[%dma_start3A_119, %dma_start3A_120] : memref<4x128xi32, #tpu.memory_space<vmem>> -> memref<1x128xi32, #tpu.memory_space<vmem>>
        %dma_start3A_122 = tpu.memref_squeeze %dma_start3A_121 : memref<1x128xi32, #tpu.memory_space<vmem>> -> memref<128xi32, #tpu.memory_space<vmem>>
        %dma_start3A_123 = arith.constant 0 : i32
        %dma_start3A_124 = arith.constant 0 : i32
        %dma_start3A_125 = tpu.memref_slice %arg11[%dma_start3A_123, %dma_start3A_124] : memref<10008x128xf32, #tpu.memory_space<vmem_shared>> -> memref<10008x128xf32, #tpu.memory_space<vmem_shared>>
        tpu.enqueue_indirect_dma source(%arg9 : memref<128x128xf32, #tpu.memory_space<vmem>>) target(%dma_start3A_125 : memref<10008x128xf32, #tpu.memory_space<vmem_shared>>) offsets(%dma_start3A_122 : memref<128xi32, #tpu.memory_space<vmem>>) semaphore(%arg14 : memref<!tpu.dma_semaphore, #tpu.memory_space<semaphore_mem>>) {add = true}
        %add3A_126 = arith.constant 2 : i32
        %add3A_127 = arith.addi %add3A_50, %add3A_126 : i32
        %lt3A_128 = arith.constant 80 : i32
        %lt3A_129 = arith.cmpi slt, %add3A_127, %lt3A_128 : i32
        %add3A_130 = arith.addi %mul3A_2, %add3A_50 : i32
        %add3A_131 = arith.constant 2 : i32
        %add3A_132 = arith.addi %add3A_130, %add3A_131 : i32
        %lt3A_133 = arith.constant 2500 : i32
        %lt3A_134 = arith.cmpi slt, %add3A_132, %lt3A_133 : i32
        %and3A = arith.andi %lt3A_129, %lt3A_134 : i1
        %convert_element_type3A_135 = arith.extui %and3A : i1 to i32
        %cond3A_136 = arith.constant 0 : i32
        %cond3A_137 = arith.cmpi ne, %convert_element_type3A_135, %cond3A_136 : i32
        scf.if %cond3A_137 {
          %add3A_138 = arith.constant 2 : i32
          %add3A_139 = arith.addi %add3A_50, %add3A_138 : i32
          %add3A_140 = arith.addi %mul3A_2, %add3A_139 : i32
          %mul3A_141 = arith.constant 128 : i32
          %mul3A_142 = arith.muli %add3A_140, %mul3A_141 : i32
          %dma_start3A_143 = arith.constant 2 : i32
          %dma_start3A_144 = arith.constant 0 : i32
          %dma_start3A_145 = tpu.memref_slice %arg7[%dma_start3A_143, %dma_start3A_144] : memref<4x128xi32, #tpu.memory_space<vmem>> -> memref<1x128xi32, #tpu.memory_space<vmem>>
          %dma_start3A_146 = tpu.memref_squeeze %dma_start3A_145 : memref<1x128xi32, #tpu.memory_space<vmem>> -> memref<128xi32, #tpu.memory_space<vmem>>
          %dma_start3A_147 = tpu.memref_slice %arg3[%mul3A_142] : memref<327680xi32, #tpu.memory_space<hbm>> -> memref<128xi32, #tpu.memory_space<hbm>>
          %dma_start3A_148 = arith.constant 0 : i32
          %dma_start3A_149 = tpu.memref_slice %arg7[%dma_start3A_143, %dma_start3A_148] : memref<4x128xi32, #tpu.memory_space<vmem>> -> memref<1x128xi32, #tpu.memory_space<vmem>>
          %dma_start3A_150 = tpu.memref_squeeze %dma_start3A_149 : memref<1x128xi32, #tpu.memory_space<vmem>> -> memref<128xi32, #tpu.memory_space<vmem>>
          %dma_start3A_151 = tpu.memref_slice %arg3[%mul3A_142] : memref<327680xi32, #tpu.memory_space<hbm>> -> memref<128xi32, #tpu.memory_space<hbm>>
          tpu.enqueue_dma source(%dma_start3A_151 : memref<128xi32, #tpu.memory_space<hbm>>) target(%dma_start3A_150 : memref<128xi32, #tpu.memory_space<vmem>>) target_semaphore(%arg18 : memref<!tpu.dma_semaphore, #tpu.memory_space<semaphore_mem>>)
          %dma_start3A_152 = arith.constant 2 : i32
          %dma_start3A_153 = arith.constant 0 : i32
          %dma_start3A_154 = tpu.memref_slice %arg8[%dma_start3A_152, %dma_start3A_153] : memref<4x128xi32, #tpu.memory_space<vmem>> -> memref<1x128xi32, #tpu.memory_space<vmem>>
          %dma_start3A_155 = tpu.memref_squeeze %dma_start3A_154 : memref<1x128xi32, #tpu.memory_space<vmem>> -> memref<128xi32, #tpu.memory_space<vmem>>
          %dma_start3A_156 = tpu.memref_slice %arg4[%mul3A_142] : memref<327680xi32, #tpu.memory_space<hbm>> -> memref<128xi32, #tpu.memory_space<hbm>>
          %dma_start3A_157 = arith.constant 0 : i32
          %dma_start3A_158 = tpu.memref_slice %arg8[%dma_start3A_152, %dma_start3A_157] : memref<4x128xi32, #tpu.memory_space<vmem>> -> memref<1x128xi32, #tpu.memory_space<vmem>>
          %dma_start3A_159 = tpu.memref_squeeze %dma_start3A_158 : memref<1x128xi32, #tpu.memory_space<vmem>> -> memref<128xi32, #tpu.memory_space<vmem>>
          %dma_start3A_160 = tpu.memref_slice %arg4[%mul3A_142] : memref<327680xi32, #tpu.memory_space<hbm>> -> memref<128xi32, #tpu.memory_space<hbm>>
          tpu.enqueue_dma source(%dma_start3A_160 : memref<128xi32, #tpu.memory_space<hbm>>) target(%dma_start3A_159 : memref<128xi32, #tpu.memory_space<vmem>>) target_semaphore(%arg18 : memref<!tpu.dma_semaphore, #tpu.memory_space<semaphore_mem>>)
        } else {
        }
      } else {
      }
      %add3A_57 = arith.constant 1 : i32
      %add3A_58 = arith.addi %mul3A_48, %add3A_57 : i32
      %add3A_59 = arith.addi %mul3A_2, %add3A_58 : i32
      %lt3A_60 = arith.constant 2500 : i32
      %lt3A_61 = arith.cmpi slt, %add3A_59, %lt3A_60 : i32
      %convert_element_type3A_62 = arith.extui %lt3A_61 : i1 to i32
      %cond3A_63 = arith.constant 0 : i32
      %cond3A_64 = arith.cmpi ne, %convert_element_type3A_62, %cond3A_63 : i32
      scf.if %cond3A_64 {
        %dma_wait3A = arith.constant 1 : i32
        %dma_wait3A_81 = arith.constant 0 : i32
        %dma_wait3A_82 = tpu.memref_slice %arg7[%dma_wait3A, %dma_wait3A_81] : memref<4x128xi32, #tpu.memory_space<vmem>> -> memref<1x128xi32, #tpu.memory_space<vmem>>
        %dma_wait3A_83 = tpu.memref_squeeze %dma_wait3A_82 : memref<1x128xi32, #tpu.memory_space<vmem>> -> memref<128xi32, #tpu.memory_space<vmem>>
        %dma_wait3A_84 = arith.constant 0 : i32
        %dma_wait3A_85 = tpu.memref_slice %arg3[%dma_wait3A_84] : memref<327680xi32, #tpu.memory_space<hbm>> -> memref<128xi32, #tpu.memory_space<hbm>>
        %dma_wait3A_86 = arith.constant 0 : i32
        %dma_wait3A_87 = tpu.memref_slice %arg7[%dma_wait3A, %dma_wait3A_86] : memref<4x128xi32, #tpu.memory_space<vmem>> -> memref<1x128xi32, #tpu.memory_space<vmem>>
        %dma_wait3A_88 = tpu.memref_squeeze %dma_wait3A_87 : memref<1x128xi32, #tpu.memory_space<vmem>> -> memref<128xi32, #tpu.memory_space<vmem>>
        %dma_wait3A_89 = arith.constant 0 : i32
        %dma_wait3A_90 = tpu.memref_slice %arg3[%dma_wait3A_89] : memref<327680xi32, #tpu.memory_space<hbm>> -> memref<128xi32, #tpu.memory_space<hbm>>
        tpu.wait_dma2 semaphore(%arg17 : memref<!tpu.dma_semaphore, #tpu.memory_space<semaphore_mem>>) src(%dma_wait3A_90 : memref<128xi32, #tpu.memory_space<hbm>>) dst(%dma_wait3A_88 : memref<128xi32, #tpu.memory_space<vmem>>)
        %dma_wait3A_91 = arith.constant 1 : i32
        %dma_wait3A_92 = arith.constant 0 : i32
        %dma_wait3A_93 = tpu.memref_slice %arg8[%dma_wait3A_91, %dma_wait3A_92] : memref<4x128xi32, #tpu.memory_space<vmem>> -> memref<1x128xi32, #tpu.memory_space<vmem>>
        %dma_wait3A_94 = tpu.memref_squeeze %dma_wait3A_93 : memref<1x128xi32, #tpu.memory_space<vmem>> -> memref<128xi32, #tpu.memory_space<vmem>>
        %dma_wait3A_95 = arith.constant 0 : i32
        %dma_wait3A_96 = tpu.memref_slice %arg4[%dma_wait3A_95] : memref<327680xi32, #tpu.memory_space<hbm>> -> memref<128xi32, #tpu.memory_space<hbm>>
        %dma_wait3A_97 = arith.constant 0 : i32
        %dma_wait3A_98 = tpu.memref_slice %arg8[%dma_wait3A_91, %dma_wait3A_97] : memref<4x128xi32, #tpu.memory_space<vmem>> -> memref<1x128xi32, #tpu.memory_space<vmem>>
        %dma_wait3A_99 = tpu.memref_squeeze %dma_wait3A_98 : memref<1x128xi32, #tpu.memory_space<vmem>> -> memref<128xi32, #tpu.memory_space<vmem>>
        %dma_wait3A_100 = arith.constant 0 : i32
        %dma_wait3A_101 = tpu.memref_slice %arg4[%dma_wait3A_100] : memref<327680xi32, #tpu.memory_space<hbm>> -> memref<128xi32, #tpu.memory_space<hbm>>
        tpu.wait_dma2 semaphore(%arg17 : memref<!tpu.dma_semaphore, #tpu.memory_space<semaphore_mem>>) src(%dma_wait3A_101 : memref<128xi32, #tpu.memory_space<hbm>>) dst(%dma_wait3A_99 : memref<128xi32, #tpu.memory_space<vmem>>)
        %dma_start3A = arith.constant 1 : i32
        %dma_start3A_102 = arith.constant 0 : i32
        %dma_start3A_103 = tpu.memref_slice %arg7[%dma_start3A, %dma_start3A_102] : memref<4x128xi32, #tpu.memory_space<vmem>> -> memref<1x128xi32, #tpu.memory_space<vmem>>
        %dma_start3A_104 = tpu.memref_squeeze %dma_start3A_103 : memref<1x128xi32, #tpu.memory_space<vmem>> -> memref<128xi32, #tpu.memory_space<vmem>>
        %dma_start3A_105 = arith.constant 0 : i32
        %dma_start3A_106 = arith.constant 0 : i32
        %dma_start3A_107 = tpu.memref_slice %arg2[%dma_start3A_105, %dma_start3A_106] : memref<10000x128xf32, #tpu.memory_space<hbm>> -> memref<10000x128xf32, #tpu.memory_space<hbm>>
        tpu.enqueue_indirect_dma source(%dma_start3A_107 : memref<10000x128xf32, #tpu.memory_space<hbm>>) target(%arg10 : memref<128x128xf32, #tpu.memory_space<vmem>>) offsets(%dma_start3A_104 : memref<128xi32, #tpu.memory_space<vmem>>) semaphore(%arg13 : memref<!tpu.dma_semaphore, #tpu.memory_space<semaphore_mem>>)
        %dma_wait3A_108 = arith.constant 1 : i32
        %dma_wait3A_109 = arith.constant 0 : i32
        %dma_wait3A_110 = tpu.memref_slice %arg7[%dma_wait3A_108, %dma_wait3A_109] : memref<4x128xi32, #tpu.memory_space<vmem>> -> memref<1x128xi32, #tpu.memory_space<vmem>>
        %dma_wait3A_111 = tpu.memref_squeeze %dma_wait3A_110 : memref<1x128xi32, #tpu.memory_space<vmem>> -> memref<128xi32, #tpu.memory_space<vmem>>
        %dma_wait3A_112 = arith.constant 0 : i32
        %dma_wait3A_113 = arith.constant 0 : i32
        %dma_wait3A_114 = tpu.memref_slice %arg2[%dma_wait3A_112, %dma_wait3A_113] : memref<10000x128xf32, #tpu.memory_space<hbm>> -> memref<10000x128xf32, #tpu.memory_space<hbm>>
        tpu.wait_indirect_dma semaphore(%arg13 : memref<!tpu.dma_semaphore, #tpu.memory_space<semaphore_mem>>) src(%dma_wait3A_114 : memref<10000x128xf32, #tpu.memory_space<hbm>>) dst(%arg10 : memref<128x128xf32, #tpu.memory_space<vmem>>)
        %ge3A = arith.constant 1 : i32
        %ge3A_115 = arith.cmpi sge, %add3A_58, %ge3A : i32
        %convert_element_type3A_116 = arith.extui %ge3A_115 : i1 to i32
        %cond3A_117 = arith.constant 0 : i32
        %cond3A_118 = arith.cmpi ne, %convert_element_type3A_116, %cond3A_117 : i32
        scf.if %cond3A_118 {
          %dma_wait3A_138 = arith.constant 0 : i32
          %dma_wait3A_139 = arith.constant 0 : i32
          %dma_wait3A_140 = tpu.memref_slice %arg8[%dma_wait3A_138, %dma_wait3A_139] : memref<4x128xi32, #tpu.memory_space<vmem>> -> memref<1x128xi32, #tpu.memory_space<vmem>>
          %dma_wait3A_141 = tpu.memref_squeeze %dma_wait3A_140 : memref<1x128xi32, #tpu.memory_space<vmem>> -> memref<128xi32, #tpu.memory_space<vmem>>
          %dma_wait3A_142 = arith.constant 0 : i32
          %dma_wait3A_143 = arith.constant 0 : i32
          %dma_wait3A_144 = tpu.memref_slice %arg11[%dma_wait3A_142, %dma_wait3A_143] : memref<10008x128xf32, #tpu.memory_space<vmem_shared>> -> memref<10008x128xf32, #tpu.memory_space<vmem_shared>>
          tpu.wait_indirect_dma semaphore(%arg14 : memref<!tpu.dma_semaphore, #tpu.memory_space<semaphore_mem>>) src(%arg9 : memref<128x128xf32, #tpu.memory_space<vmem>>) dst(%dma_wait3A_144 : memref<10008x128xf32, #tpu.memory_space<vmem_shared>>)
        } else {
        }
        %dma_start3A_119 = arith.constant 1 : i32
        %dma_start3A_120 = arith.constant 0 : i32
        %dma_start3A_121 = tpu.memref_slice %arg8[%dma_start3A_119, %dma_start3A_120] : memref<4x128xi32, #tpu.memory_space<vmem>> -> memref<1x128xi32, #tpu.memory_space<vmem>>
        %dma_start3A_122 = tpu.memref_squeeze %dma_start3A_121 : memref<1x128xi32, #tpu.memory_space<vmem>> -> memref<128xi32, #tpu.memory_space<vmem>>
        %dma_start3A_123 = arith.constant 0 : i32
        %dma_start3A_124 = arith.constant 0 : i32
        %dma_start3A_125 = tpu.memref_slice %arg11[%dma_start3A_123, %dma_start3A_124] : memref<10008x128xf32, #tpu.memory_space<vmem_shared>> -> memref<10008x128xf32, #tpu.memory_space<vmem_shared>>
        tpu.enqueue_indirect_dma source(%arg10 : memref<128x128xf32, #tpu.memory_space<vmem>>) target(%dma_start3A_125 : memref<10008x128xf32, #tpu.memory_space<vmem_shared>>) offsets(%dma_start3A_122 : memref<128xi32, #tpu.memory_space<vmem>>) semaphore(%arg14 : memref<!tpu.dma_semaphore, #tpu.memory_space<semaphore_mem>>) {add = true}
        %add3A_126 = arith.constant 2 : i32
        %add3A_127 = arith.addi %add3A_58, %add3A_126 : i32
        %lt3A_128 = arith.constant 80 : i32
        %lt3A_129 = arith.cmpi slt, %add3A_127, %lt3A_128 : i32
        %add3A_130 = arith.addi %mul3A_2, %add3A_58 : i32
        %add3A_131 = arith.constant 2 : i32
        %add3A_132 = arith.addi %add3A_130, %add3A_131 : i32
        %lt3A_133 = arith.constant 2500 : i32
        %lt3A_134 = arith.cmpi slt, %add3A_132, %lt3A_133 : i32
        %and3A = arith.andi %lt3A_129, %lt3A_134 : i1
        %convert_element_type3A_135 = arith.extui %and3A : i1 to i32
        %cond3A_136 = arith.constant 0 : i32
        %cond3A_137 = arith.cmpi ne, %convert_element_type3A_135, %cond3A_136 : i32
        scf.if %cond3A_137 {
          %add3A_138 = arith.constant 2 : i32
          %add3A_139 = arith.addi %add3A_58, %add3A_138 : i32
          %add3A_140 = arith.addi %mul3A_2, %add3A_139 : i32
          %mul3A_141 = arith.constant 128 : i32
          %mul3A_142 = arith.muli %add3A_140, %mul3A_141 : i32
          %dma_start3A_143 = arith.constant 3 : i32
          %dma_start3A_144 = arith.constant 0 : i32
          %dma_start3A_145 = tpu.memref_slice %arg7[%dma_start3A_143, %dma_start3A_144] : memref<4x128xi32, #tpu.memory_space<vmem>> -> memref<1x128xi32, #tpu.memory_space<vmem>>
          %dma_start3A_146 = tpu.memref_squeeze %dma_start3A_145 : memref<1x128xi32, #tpu.memory_space<vmem>> -> memref<128xi32, #tpu.memory_space<vmem>>
          %dma_start3A_147 = tpu.memref_slice %arg3[%mul3A_142] : memref<327680xi32, #tpu.memory_space<hbm>> -> memref<128xi32, #tpu.memory_space<hbm>>
          %dma_start3A_148 = arith.constant 0 : i32
          %dma_start3A_149 = tpu.memref_slice %arg7[%dma_start3A_143, %dma_start3A_148] : memref<4x128xi32, #tpu.memory_space<vmem>> -> memref<1x128xi32, #tpu.memory_space<vmem>>
          %dma_start3A_150 = tpu.memref_squeeze %dma_start3A_149 : memref<1x128xi32, #tpu.memory_space<vmem>> -> memref<128xi32, #tpu.memory_space<vmem>>
          %dma_start3A_151 = tpu.memref_slice %arg3[%mul3A_142] : memref<327680xi32, #tpu.memory_space<hbm>> -> memref<128xi32, #tpu.memory_space<hbm>>
          tpu.enqueue_dma source(%dma_start3A_151 : memref<128xi32, #tpu.memory_space<hbm>>) target(%dma_start3A_150 : memref<128xi32, #tpu.memory_space<vmem>>) target_semaphore(%arg19 : memref<!tpu.dma_semaphore, #tpu.memory_space<semaphore_mem>>)
          %dma_start3A_152 = arith.constant 3 : i32
          %dma_start3A_153 = arith.constant 0 : i32
          %dma_start3A_154 = tpu.memref_slice %arg8[%dma_start3A_152, %dma_start3A_153] : memref<4x128xi32, #tpu.memory_space<vmem>> -> memref<1x128xi32, #tpu.memory_space<vmem>>
          %dma_start3A_155 = tpu.memref_squeeze %dma_start3A_154 : memref<1x128xi32, #tpu.memory_space<vmem>> -> memref<128xi32, #tpu.memory_space<vmem>>
          %dma_start3A_156 = tpu.memref_slice %arg4[%mul3A_142] : memref<327680xi32, #tpu.memory_space<hbm>> -> memref<128xi32, #tpu.memory_space<hbm>>
          %dma_start3A_157 = arith.constant 0 : i32
          %dma_start3A_158 = tpu.memref_slice %arg8[%dma_start3A_152, %dma_start3A_157] : memref<4x128xi32, #tpu.memory_space<vmem>> -> memref<1x128xi32, #tpu.memory_space<vmem>>
          %dma_start3A_159 = tpu.memref_squeeze %dma_start3A_158 : memref<1x128xi32, #tpu.memory_space<vmem>> -> memref<128xi32, #tpu.memory_space<vmem>>
          %dma_start3A_160 = tpu.memref_slice %arg4[%mul3A_142] : memref<327680xi32, #tpu.memory_space<hbm>> -> memref<128xi32, #tpu.memory_space<hbm>>
          tpu.enqueue_dma source(%dma_start3A_160 : memref<128xi32, #tpu.memory_space<hbm>>) target(%dma_start3A_159 : memref<128xi32, #tpu.memory_space<vmem>>) target_semaphore(%arg19 : memref<!tpu.dma_semaphore, #tpu.memory_space<semaphore_mem>>)
        } else {
        }
      } else {
      }
      %add3A_65 = arith.constant 2 : i32
      %add3A_66 = arith.addi %mul3A_48, %add3A_65 : i32
      %add3A_67 = arith.addi %mul3A_2, %add3A_66 : i32
      %lt3A_68 = arith.constant 2500 : i32
      %lt3A_69 = arith.cmpi slt, %add3A_67, %lt3A_68 : i32
      %convert_element_type3A_70 = arith.extui %lt3A_69 : i1 to i32
      %cond3A_71 = arith.constant 0 : i32
      %cond3A_72 = arith.cmpi ne, %convert_element_type3A_70, %cond3A_71 : i32
      scf.if %cond3A_72 {
        %dma_wait3A = arith.constant 2 : i32
        %dma_wait3A_81 = arith.constant 0 : i32
        %dma_wait3A_82 = tpu.memref_slice %arg7[%dma_wait3A, %dma_wait3A_81] : memref<4x128xi32, #tpu.memory_space<vmem>> -> memref<1x128xi32, #tpu.memory_space<vmem>>
        %dma_wait3A_83 = tpu.memref_squeeze %dma_wait3A_82 : memref<1x128xi32, #tpu.memory_space<vmem>> -> memref<128xi32, #tpu.memory_space<vmem>>
        %dma_wait3A_84 = arith.constant 0 : i32
        %dma_wait3A_85 = tpu.memref_slice %arg3[%dma_wait3A_84] : memref<327680xi32, #tpu.memory_space<hbm>> -> memref<128xi32, #tpu.memory_space<hbm>>
        %dma_wait3A_86 = arith.constant 0 : i32
        %dma_wait3A_87 = tpu.memref_slice %arg7[%dma_wait3A, %dma_wait3A_86] : memref<4x128xi32, #tpu.memory_space<vmem>> -> memref<1x128xi32, #tpu.memory_space<vmem>>
        %dma_wait3A_88 = tpu.memref_squeeze %dma_wait3A_87 : memref<1x128xi32, #tpu.memory_space<vmem>> -> memref<128xi32, #tpu.memory_space<vmem>>
        %dma_wait3A_89 = arith.constant 0 : i32
        %dma_wait3A_90 = tpu.memref_slice %arg3[%dma_wait3A_89] : memref<327680xi32, #tpu.memory_space<hbm>> -> memref<128xi32, #tpu.memory_space<hbm>>
        tpu.wait_dma2 semaphore(%arg18 : memref<!tpu.dma_semaphore, #tpu.memory_space<semaphore_mem>>) src(%dma_wait3A_90 : memref<128xi32, #tpu.memory_space<hbm>>) dst(%dma_wait3A_88 : memref<128xi32, #tpu.memory_space<vmem>>)
        %dma_wait3A_91 = arith.constant 2 : i32
        %dma_wait3A_92 = arith.constant 0 : i32
        %dma_wait3A_93 = tpu.memref_slice %arg8[%dma_wait3A_91, %dma_wait3A_92] : memref<4x128xi32, #tpu.memory_space<vmem>> -> memref<1x128xi32, #tpu.memory_space<vmem>>
        %dma_wait3A_94 = tpu.memref_squeeze %dma_wait3A_93 : memref<1x128xi32, #tpu.memory_space<vmem>> -> memref<128xi32, #tpu.memory_space<vmem>>
        %dma_wait3A_95 = arith.constant 0 : i32
        %dma_wait3A_96 = tpu.memref_slice %arg4[%dma_wait3A_95] : memref<327680xi32, #tpu.memory_space<hbm>> -> memref<128xi32, #tpu.memory_space<hbm>>
        %dma_wait3A_97 = arith.constant 0 : i32
        %dma_wait3A_98 = tpu.memref_slice %arg8[%dma_wait3A_91, %dma_wait3A_97] : memref<4x128xi32, #tpu.memory_space<vmem>> -> memref<1x128xi32, #tpu.memory_space<vmem>>
        %dma_wait3A_99 = tpu.memref_squeeze %dma_wait3A_98 : memref<1x128xi32, #tpu.memory_space<vmem>> -> memref<128xi32, #tpu.memory_space<vmem>>
        %dma_wait3A_100 = arith.constant 0 : i32
        %dma_wait3A_101 = tpu.memref_slice %arg4[%dma_wait3A_100] : memref<327680xi32, #tpu.memory_space<hbm>> -> memref<128xi32, #tpu.memory_space<hbm>>
        tpu.wait_dma2 semaphore(%arg18 : memref<!tpu.dma_semaphore, #tpu.memory_space<semaphore_mem>>) src(%dma_wait3A_101 : memref<128xi32, #tpu.memory_space<hbm>>) dst(%dma_wait3A_99 : memref<128xi32, #tpu.memory_space<vmem>>)
        %dma_start3A = arith.constant 2 : i32
        %dma_start3A_102 = arith.constant 0 : i32
        %dma_start3A_103 = tpu.memref_slice %arg7[%dma_start3A, %dma_start3A_102] : memref<4x128xi32, #tpu.memory_space<vmem>> -> memref<1x128xi32, #tpu.memory_space<vmem>>
        %dma_start3A_104 = tpu.memref_squeeze %dma_start3A_103 : memref<1x128xi32, #tpu.memory_space<vmem>> -> memref<128xi32, #tpu.memory_space<vmem>>
        %dma_start3A_105 = arith.constant 0 : i32
        %dma_start3A_106 = arith.constant 0 : i32
        %dma_start3A_107 = tpu.memref_slice %arg2[%dma_start3A_105, %dma_start3A_106] : memref<10000x128xf32, #tpu.memory_space<hbm>> -> memref<10000x128xf32, #tpu.memory_space<hbm>>
        tpu.enqueue_indirect_dma source(%dma_start3A_107 : memref<10000x128xf32, #tpu.memory_space<hbm>>) target(%arg9 : memref<128x128xf32, #tpu.memory_space<vmem>>) offsets(%dma_start3A_104 : memref<128xi32, #tpu.memory_space<vmem>>) semaphore(%arg12 : memref<!tpu.dma_semaphore, #tpu.memory_space<semaphore_mem>>)
        %dma_wait3A_108 = arith.constant 2 : i32
        %dma_wait3A_109 = arith.constant 0 : i32
        %dma_wait3A_110 = tpu.memref_slice %arg7[%dma_wait3A_108, %dma_wait3A_109] : memref<4x128xi32, #tpu.memory_space<vmem>> -> memref<1x128xi32, #tpu.memory_space<vmem>>
        %dma_wait3A_111 = tpu.memref_squeeze %dma_wait3A_110 : memref<1x128xi32, #tpu.memory_space<vmem>> -> memref<128xi32, #tpu.memory_space<vmem>>
        %dma_wait3A_112 = arith.constant 0 : i32
        %dma_wait3A_113 = arith.constant 0 : i32
        %dma_wait3A_114 = tpu.memref_slice %arg2[%dma_wait3A_112, %dma_wait3A_113] : memref<10000x128xf32, #tpu.memory_space<hbm>> -> memref<10000x128xf32, #tpu.memory_space<hbm>>
        tpu.wait_indirect_dma semaphore(%arg12 : memref<!tpu.dma_semaphore, #tpu.memory_space<semaphore_mem>>) src(%dma_wait3A_114 : memref<10000x128xf32, #tpu.memory_space<hbm>>) dst(%arg9 : memref<128x128xf32, #tpu.memory_space<vmem>>)
        %ge3A = arith.constant 1 : i32
        %ge3A_115 = arith.cmpi sge, %add3A_66, %ge3A : i32
        %convert_element_type3A_116 = arith.extui %ge3A_115 : i1 to i32
        %cond3A_117 = arith.constant 0 : i32
        %cond3A_118 = arith.cmpi ne, %convert_element_type3A_116, %cond3A_117 : i32
        scf.if %cond3A_118 {
          %dma_wait3A_138 = arith.constant 0 : i32
          %dma_wait3A_139 = arith.constant 0 : i32
          %dma_wait3A_140 = tpu.memref_slice %arg8[%dma_wait3A_138, %dma_wait3A_139] : memref<4x128xi32, #tpu.memory_space<vmem>> -> memref<1x128xi32, #tpu.memory_space<vmem>>
          %dma_wait3A_141 = tpu.memref_squeeze %dma_wait3A_140 : memref<1x128xi32, #tpu.memory_space<vmem>> -> memref<128xi32, #tpu.memory_space<vmem>>
          %dma_wait3A_142 = arith.constant 0 : i32
          %dma_wait3A_143 = arith.constant 0 : i32
          %dma_wait3A_144 = tpu.memref_slice %arg11[%dma_wait3A_142, %dma_wait3A_143] : memref<10008x128xf32, #tpu.memory_space<vmem_shared>> -> memref<10008x128xf32, #tpu.memory_space<vmem_shared>>
          tpu.wait_indirect_dma semaphore(%arg14 : memref<!tpu.dma_semaphore, #tpu.memory_space<semaphore_mem>>) src(%arg10 : memref<128x128xf32, #tpu.memory_space<vmem>>) dst(%dma_wait3A_144 : memref<10008x128xf32, #tpu.memory_space<vmem_shared>>)
        } else {
        }
        %dma_start3A_119 = arith.constant 2 : i32
        %dma_start3A_120 = arith.constant 0 : i32
        %dma_start3A_121 = tpu.memref_slice %arg8[%dma_start3A_119, %dma_start3A_120] : memref<4x128xi32, #tpu.memory_space<vmem>> -> memref<1x128xi32, #tpu.memory_space<vmem>>
        %dma_start3A_122 = tpu.memref_squeeze %dma_start3A_121 : memref<1x128xi32, #tpu.memory_space<vmem>> -> memref<128xi32, #tpu.memory_space<vmem>>
        %dma_start3A_123 = arith.constant 0 : i32
        %dma_start3A_124 = arith.constant 0 : i32
        %dma_start3A_125 = tpu.memref_slice %arg11[%dma_start3A_123, %dma_start3A_124] : memref<10008x128xf32, #tpu.memory_space<vmem_shared>> -> memref<10008x128xf32, #tpu.memory_space<vmem_shared>>
        tpu.enqueue_indirect_dma source(%arg9 : memref<128x128xf32, #tpu.memory_space<vmem>>) target(%dma_start3A_125 : memref<10008x128xf32, #tpu.memory_space<vmem_shared>>) offsets(%dma_start3A_122 : memref<128xi32, #tpu.memory_space<vmem>>) semaphore(%arg14 : memref<!tpu.dma_semaphore, #tpu.memory_space<semaphore_mem>>) {add = true}
        %add3A_126 = arith.constant 2 : i32
        %add3A_127 = arith.addi %add3A_66, %add3A_126 : i32
        %lt3A_128 = arith.constant 80 : i32
        %lt3A_129 = arith.cmpi slt, %add3A_127, %lt3A_128 : i32
        %add3A_130 = arith.addi %mul3A_2, %add3A_66 : i32
        %add3A_131 = arith.constant 2 : i32
        %add3A_132 = arith.addi %add3A_130, %add3A_131 : i32
        %lt3A_133 = arith.constant 2500 : i32
        %lt3A_134 = arith.cmpi slt, %add3A_132, %lt3A_133 : i32
        %and3A = arith.andi %lt3A_129, %lt3A_134 : i1
        %convert_element_type3A_135 = arith.extui %and3A : i1 to i32
        %cond3A_136 = arith.constant 0 : i32
        %cond3A_137 = arith.cmpi ne, %convert_element_type3A_135, %cond3A_136 : i32
        scf.if %cond3A_137 {
          %add3A_138 = arith.constant 2 : i32
          %add3A_139 = arith.addi %add3A_66, %add3A_138 : i32
          %add3A_140 = arith.addi %mul3A_2, %add3A_139 : i32
          %mul3A_141 = arith.constant 128 : i32
          %mul3A_142 = arith.muli %add3A_140, %mul3A_141 : i32
          %dma_start3A_143 = arith.constant 0 : i32
          %dma_start3A_144 = arith.constant 0 : i32
          %dma_start3A_145 = tpu.memref_slice %arg7[%dma_start3A_143, %dma_start3A_144] : memref<4x128xi32, #tpu.memory_space<vmem>> -> memref<1x128xi32, #tpu.memory_space<vmem>>
          %dma_start3A_146 = tpu.memref_squeeze %dma_start3A_145 : memref<1x128xi32, #tpu.memory_space<vmem>> -> memref<128xi32, #tpu.memory_space<vmem>>
          %dma_start3A_147 = tpu.memref_slice %arg3[%mul3A_142] : memref<327680xi32, #tpu.memory_space<hbm>> -> memref<128xi32, #tpu.memory_space<hbm>>
          %dma_start3A_148 = arith.constant 0 : i32
          %dma_start3A_149 = tpu.memref_slice %arg7[%dma_start3A_143, %dma_start3A_148] : memref<4x128xi32, #tpu.memory_space<vmem>> -> memref<1x128xi32, #tpu.memory_space<vmem>>
          %dma_start3A_150 = tpu.memref_squeeze %dma_start3A_149 : memref<1x128xi32, #tpu.memory_space<vmem>> -> memref<128xi32, #tpu.memory_space<vmem>>
          %dma_start3A_151 = tpu.memref_slice %arg3[%mul3A_142] : memref<327680xi32, #tpu.memory_space<hbm>> -> memref<128xi32, #tpu.memory_space<hbm>>
          tpu.enqueue_dma source(%dma_start3A_151 : memref<128xi32, #tpu.memory_space<hbm>>) target(%dma_start3A_150 : memref<128xi32, #tpu.memory_space<vmem>>) target_semaphore(%arg16 : memref<!tpu.dma_semaphore, #tpu.memory_space<semaphore_mem>>)
          %dma_start3A_152 = arith.constant 0 : i32
          %dma_start3A_153 = arith.constant 0 : i32
          %dma_start3A_154 = tpu.memref_slice %arg8[%dma_start3A_152, %dma_start3A_153] : memref<4x128xi32, #tpu.memory_space<vmem>> -> memref<1x128xi32, #tpu.memory_space<vmem>>
          %dma_start3A_155 = tpu.memref_squeeze %dma_start3A_154 : memref<1x128xi32, #tpu.memory_space<vmem>> -> memref<128xi32, #tpu.memory_space<vmem>>
          %dma_start3A_156 = tpu.memref_slice %arg4[%mul3A_142] : memref<327680xi32, #tpu.memory_space<hbm>> -> memref<128xi32, #tpu.memory_space<hbm>>
          %dma_start3A_157 = arith.constant 0 : i32
          %dma_start3A_158 = tpu.memref_slice %arg8[%dma_start3A_152, %dma_start3A_157] : memref<4x128xi32, #tpu.memory_space<vmem>> -> memref<1x128xi32, #tpu.memory_space<vmem>>
          %dma_start3A_159 = tpu.memref_squeeze %dma_start3A_158 : memref<1x128xi32, #tpu.memory_space<vmem>> -> memref<128xi32, #tpu.memory_space<vmem>>
          %dma_start3A_160 = tpu.memref_slice %arg4[%mul3A_142] : memref<327680xi32, #tpu.memory_space<hbm>> -> memref<128xi32, #tpu.memory_space<hbm>>
          tpu.enqueue_dma source(%dma_start3A_160 : memref<128xi32, #tpu.memory_space<hbm>>) target(%dma_start3A_159 : memref<128xi32, #tpu.memory_space<vmem>>) target_semaphore(%arg16 : memref<!tpu.dma_semaphore, #tpu.memory_space<semaphore_mem>>)
        } else {
        }
      } else {
      }
      %add3A_73 = arith.constant 3 : i32
      %add3A_74 = arith.addi %mul3A_48, %add3A_73 : i32
      %add3A_75 = arith.addi %mul3A_2, %add3A_74 : i32
      %lt3A_76 = arith.constant 2500 : i32
      %lt3A_77 = arith.cmpi slt, %add3A_75, %lt3A_76 : i32
      %convert_element_type3A_78 = arith.extui %lt3A_77 : i1 to i32
      %cond3A_79 = arith.constant 0 : i32
      %cond3A_80 = arith.cmpi ne, %convert_element_type3A_78, %cond3A_79 : i32
      scf.if %cond3A_80 {
        %dma_wait3A = arith.constant 3 : i32
        %dma_wait3A_81 = arith.constant 0 : i32
        %dma_wait3A_82 = tpu.memref_slice %arg7[%dma_wait3A, %dma_wait3A_81] : memref<4x128xi32, #tpu.memory_space<vmem>> -> memref<1x128xi32, #tpu.memory_space<vmem>>
        %dma_wait3A_83 = tpu.memref_squeeze %dma_wait3A_82 : memref<1x128xi32, #tpu.memory_space<vmem>> -> memref<128xi32, #tpu.memory_space<vmem>>
        %dma_wait3A_84 = arith.constant 0 : i32
        %dma_wait3A_85 = tpu.memref_slice %arg3[%dma_wait3A_84] : memref<327680xi32, #tpu.memory_space<hbm>> -> memref<128xi32, #tpu.memory_space<hbm>>
        %dma_wait3A_86 = arith.constant 0 : i32
        %dma_wait3A_87 = tpu.memref_slice %arg7[%dma_wait3A, %dma_wait3A_86] : memref<4x128xi32, #tpu.memory_space<vmem>> -> memref<1x128xi32, #tpu.memory_space<vmem>>
        %dma_wait3A_88 = tpu.memref_squeeze %dma_wait3A_87 : memref<1x128xi32, #tpu.memory_space<vmem>> -> memref<128xi32, #tpu.memory_space<vmem>>
        %dma_wait3A_89 = arith.constant 0 : i32
        %dma_wait3A_90 = tpu.memref_slice %arg3[%dma_wait3A_89] : memref<327680xi32, #tpu.memory_space<hbm>> -> memref<128xi32, #tpu.memory_space<hbm>>
        tpu.wait_dma2 semaphore(%arg19 : memref<!tpu.dma_semaphore, #tpu.memory_space<semaphore_mem>>) src(%dma_wait3A_90 : memref<128xi32, #tpu.memory_space<hbm>>) dst(%dma_wait3A_88 : memref<128xi32, #tpu.memory_space<vmem>>)
        %dma_wait3A_91 = arith.constant 3 : i32
        %dma_wait3A_92 = arith.constant 0 : i32
        %dma_wait3A_93 = tpu.memref_slice %arg8[%dma_wait3A_91, %dma_wait3A_92] : memref<4x128xi32, #tpu.memory_space<vmem>> -> memref<1x128xi32, #tpu.memory_space<vmem>>
        %dma_wait3A_94 = tpu.memref_squeeze %dma_wait3A_93 : memref<1x128xi32, #tpu.memory_space<vmem>> -> memref<128xi32, #tpu.memory_space<vmem>>
        %dma_wait3A_95 = arith.constant 0 : i32
        %dma_wait3A_96 = tpu.memref_slice %arg4[%dma_wait3A_95] : memref<327680xi32, #tpu.memory_space<hbm>> -> memref<128xi32, #tpu.memory_space<hbm>>
        %dma_wait3A_97 = arith.constant 0 : i32
        %dma_wait3A_98 = tpu.memref_slice %arg8[%dma_wait3A_91, %dma_wait3A_97] : memref<4x128xi32, #tpu.memory_space<vmem>> -> memref<1x128xi32, #tpu.memory_space<vmem>>
        %dma_wait3A_99 = tpu.memref_squeeze %dma_wait3A_98 : memref<1x128xi32, #tpu.memory_space<vmem>> -> memref<128xi32, #tpu.memory_space<vmem>>
        %dma_wait3A_100 = arith.constant 0 : i32
        %dma_wait3A_101 = tpu.memref_slice %arg4[%dma_wait3A_100] : memref<327680xi32, #tpu.memory_space<hbm>> -> memref<128xi32, #tpu.memory_space<hbm>>
        tpu.wait_dma2 semaphore(%arg19 : memref<!tpu.dma_semaphore, #tpu.memory_space<semaphore_mem>>) src(%dma_wait3A_101 : memref<128xi32, #tpu.memory_space<hbm>>) dst(%dma_wait3A_99 : memref<128xi32, #tpu.memory_space<vmem>>)
        %dma_start3A = arith.constant 3 : i32
        %dma_start3A_102 = arith.constant 0 : i32
        %dma_start3A_103 = tpu.memref_slice %arg7[%dma_start3A, %dma_start3A_102] : memref<4x128xi32, #tpu.memory_space<vmem>> -> memref<1x128xi32, #tpu.memory_space<vmem>>
        %dma_start3A_104 = tpu.memref_squeeze %dma_start3A_103 : memref<1x128xi32, #tpu.memory_space<vmem>> -> memref<128xi32, #tpu.memory_space<vmem>>
        %dma_start3A_105 = arith.constant 0 : i32
        %dma_start3A_106 = arith.constant 0 : i32
        %dma_start3A_107 = tpu.memref_slice %arg2[%dma_start3A_105, %dma_start3A_106] : memref<10000x128xf32, #tpu.memory_space<hbm>> -> memref<10000x128xf32, #tpu.memory_space<hbm>>
        tpu.enqueue_indirect_dma source(%dma_start3A_107 : memref<10000x128xf32, #tpu.memory_space<hbm>>) target(%arg10 : memref<128x128xf32, #tpu.memory_space<vmem>>) offsets(%dma_start3A_104 : memref<128xi32, #tpu.memory_space<vmem>>) semaphore(%arg13 : memref<!tpu.dma_semaphore, #tpu.memory_space<semaphore_mem>>)
        %dma_wait3A_108 = arith.constant 3 : i32
        %dma_wait3A_109 = arith.constant 0 : i32
        %dma_wait3A_110 = tpu.memref_slice %arg7[%dma_wait3A_108, %dma_wait3A_109] : memref<4x128xi32, #tpu.memory_space<vmem>> -> memref<1x128xi32, #tpu.memory_space<vmem>>
        %dma_wait3A_111 = tpu.memref_squeeze %dma_wait3A_110 : memref<1x128xi32, #tpu.memory_space<vmem>> -> memref<128xi32, #tpu.memory_space<vmem>>
        %dma_wait3A_112 = arith.constant 0 : i32
        %dma_wait3A_113 = arith.constant 0 : i32
        %dma_wait3A_114 = tpu.memref_slice %arg2[%dma_wait3A_112, %dma_wait3A_113] : memref<10000x128xf32, #tpu.memory_space<hbm>> -> memref<10000x128xf32, #tpu.memory_space<hbm>>
        tpu.wait_indirect_dma semaphore(%arg13 : memref<!tpu.dma_semaphore, #tpu.memory_space<semaphore_mem>>) src(%dma_wait3A_114 : memref<10000x128xf32, #tpu.memory_space<hbm>>) dst(%arg10 : memref<128x128xf32, #tpu.memory_space<vmem>>)
        %ge3A = arith.constant 1 : i32
        %ge3A_115 = arith.cmpi sge, %add3A_74, %ge3A : i32
        %convert_element_type3A_116 = arith.extui %ge3A_115 : i1 to i32
        %cond3A_117 = arith.constant 0 : i32
        %cond3A_118 = arith.cmpi ne, %convert_element_type3A_116, %cond3A_117 : i32
        scf.if %cond3A_118 {
          %dma_wait3A_138 = arith.constant 0 : i32
          %dma_wait3A_139 = arith.constant 0 : i32
          %dma_wait3A_140 = tpu.memref_slice %arg8[%dma_wait3A_138, %dma_wait3A_139] : memref<4x128xi32, #tpu.memory_space<vmem>> -> memref<1x128xi32, #tpu.memory_space<vmem>>
          %dma_wait3A_141 = tpu.memref_squeeze %dma_wait3A_140 : memref<1x128xi32, #tpu.memory_space<vmem>> -> memref<128xi32, #tpu.memory_space<vmem>>
          %dma_wait3A_142 = arith.constant 0 : i32
          %dma_wait3A_143 = arith.constant 0 : i32
          %dma_wait3A_144 = tpu.memref_slice %arg11[%dma_wait3A_142, %dma_wait3A_143] : memref<10008x128xf32, #tpu.memory_space<vmem_shared>> -> memref<10008x128xf32, #tpu.memory_space<vmem_shared>>
          tpu.wait_indirect_dma semaphore(%arg14 : memref<!tpu.dma_semaphore, #tpu.memory_space<semaphore_mem>>) src(%arg9 : memref<128x128xf32, #tpu.memory_space<vmem>>) dst(%dma_wait3A_144 : memref<10008x128xf32, #tpu.memory_space<vmem_shared>>)
        } else {
        }
        %dma_start3A_119 = arith.constant 3 : i32
        %dma_start3A_120 = arith.constant 0 : i32
        %dma_start3A_121 = tpu.memref_slice %arg8[%dma_start3A_119, %dma_start3A_120] : memref<4x128xi32, #tpu.memory_space<vmem>> -> memref<1x128xi32, #tpu.memory_space<vmem>>
        %dma_start3A_122 = tpu.memref_squeeze %dma_start3A_121 : memref<1x128xi32, #tpu.memory_space<vmem>> -> memref<128xi32, #tpu.memory_space<vmem>>
        %dma_start3A_123 = arith.constant 0 : i32
        %dma_start3A_124 = arith.constant 0 : i32
        %dma_start3A_125 = tpu.memref_slice %arg11[%dma_start3A_123, %dma_start3A_124] : memref<10008x128xf32, #tpu.memory_space<vmem_shared>> -> memref<10008x128xf32, #tpu.memory_space<vmem_shared>>
        tpu.enqueue_indirect_dma source(%arg10 : memref<128x128xf32, #tpu.memory_space<vmem>>) target(%dma_start3A_125 : memref<10008x128xf32, #tpu.memory_space<vmem_shared>>) offsets(%dma_start3A_122 : memref<128xi32, #tpu.memory_space<vmem>>) semaphore(%arg14 : memref<!tpu.dma_semaphore, #tpu.memory_space<semaphore_mem>>) {add = true}
        %add3A_126 = arith.constant 2 : i32
        %add3A_127 = arith.addi %add3A_74, %add3A_126 : i32
        %lt3A_128 = arith.constant 80 : i32
        %lt3A_129 = arith.cmpi slt, %add3A_127, %lt3A_128 : i32
        %add3A_130 = arith.addi %mul3A_2, %add3A_74 : i32
        %add3A_131 = arith.constant 2 : i32
        %add3A_132 = arith.addi %add3A_130, %add3A_131 : i32
        %lt3A_133 = arith.constant 2500 : i32
        %lt3A_134 = arith.cmpi slt, %add3A_132, %lt3A_133 : i32
        %and3A = arith.andi %lt3A_129, %lt3A_134 : i1
        %convert_element_type3A_135 = arith.extui %and3A : i1 to i32
        %cond3A_136 = arith.constant 0 : i32
        %cond3A_137 = arith.cmpi ne, %convert_element_type3A_135, %cond3A_136 : i32
        scf.if %cond3A_137 {
          %add3A_138 = arith.constant 2 : i32
          %add3A_139 = arith.addi %add3A_74, %add3A_138 : i32
          %add3A_140 = arith.addi %mul3A_2, %add3A_139 : i32
          %mul3A_141 = arith.constant 128 : i32
          %mul3A_142 = arith.muli %add3A_140, %mul3A_141 : i32
          %dma_start3A_143 = arith.constant 1 : i32
          %dma_start3A_144 = arith.constant 0 : i32
          %dma_start3A_145 = tpu.memref_slice %arg7[%dma_start3A_143, %dma_start3A_144] : memref<4x128xi32, #tpu.memory_space<vmem>> -> memref<1x128xi32, #tpu.memory_space<vmem>>
          %dma_start3A_146 = tpu.memref_squeeze %dma_start3A_145 : memref<1x128xi32, #tpu.memory_space<vmem>> -> memref<128xi32, #tpu.memory_space<vmem>>
          %dma_start3A_147 = tpu.memref_slice %arg3[%mul3A_142] : memref<327680xi32, #tpu.memory_space<hbm>> -> memref<128xi32, #tpu.memory_space<hbm>>
          %dma_start3A_148 = arith.constant 0 : i32
          %dma_start3A_149 = tpu.memref_slice %arg7[%dma_start3A_143, %dma_start3A_148] : memref<4x128xi32, #tpu.memory_space<vmem>> -> memref<1x128xi32, #tpu.memory_space<vmem>>
          %dma_start3A_150 = tpu.memref_squeeze %dma_start3A_149 : memref<1x128xi32, #tpu.memory_space<vmem>> -> memref<128xi32, #tpu.memory_space<vmem>>
          %dma_start3A_151 = tpu.memref_slice %arg3[%mul3A_142] : memref<327680xi32, #tpu.memory_space<hbm>> -> memref<128xi32, #tpu.memory_space<hbm>>
          tpu.enqueue_dma source(%dma_start3A_151 : memref<128xi32, #tpu.memory_space<hbm>>) target(%dma_start3A_150 : memref<128xi32, #tpu.memory_space<vmem>>) target_semaphore(%arg17 : memref<!tpu.dma_semaphore, #tpu.memory_space<semaphore_mem>>)
          %dma_start3A_152 = arith.constant 1 : i32
          %dma_start3A_153 = arith.constant 0 : i32
          %dma_start3A_154 = tpu.memref_slice %arg8[%dma_start3A_152, %dma_start3A_153] : memref<4x128xi32, #tpu.memory_space<vmem>> -> memref<1x128xi32, #tpu.memory_space<vmem>>
          %dma_start3A_155 = tpu.memref_squeeze %dma_start3A_154 : memref<1x128xi32, #tpu.memory_space<vmem>> -> memref<128xi32, #tpu.memory_space<vmem>>
          %dma_start3A_156 = tpu.memref_slice %arg4[%mul3A_142] : memref<327680xi32, #tpu.memory_space<hbm>> -> memref<128xi32, #tpu.memory_space<hbm>>
          %dma_start3A_157 = arith.constant 0 : i32
          %dma_start3A_158 = tpu.memref_slice %arg8[%dma_start3A_152, %dma_start3A_157] : memref<4x128xi32, #tpu.memory_space<vmem>> -> memref<1x128xi32, #tpu.memory_space<vmem>>
          %dma_start3A_159 = tpu.memref_squeeze %dma_start3A_158 : memref<1x128xi32, #tpu.memory_space<vmem>> -> memref<128xi32, #tpu.memory_space<vmem>>
          %dma_start3A_160 = tpu.memref_slice %arg4[%mul3A_142] : memref<327680xi32, #tpu.memory_space<hbm>> -> memref<128xi32, #tpu.memory_space<hbm>>
          tpu.enqueue_dma source(%dma_start3A_160 : memref<128xi32, #tpu.memory_space<hbm>>) target(%dma_start3A_159 : memref<128xi32, #tpu.memory_space<vmem>>) target_semaphore(%arg17 : memref<!tpu.dma_semaphore, #tpu.memory_space<semaphore_mem>>)
        } else {
        }
      } else {
      }
    }
    %scan3A_30 = arith.constant 20 : i32
    %lt3A_31 = arith.constant 2500 : i32
    %lt3A_32 = arith.cmpi slt, %mul3A_2, %lt3A_31 : i32
    %convert_element_type3A_33 = arith.extui %lt3A_32 : i1 to i32
    %cond3A_34 = arith.constant 0 : i32
    %cond3A_35 = arith.cmpi ne, %convert_element_type3A_33, %cond3A_34 : i32
    scf.if %cond3A_35 {
      %dma_wait3A = arith.constant 0 : i32
      %dma_wait3A_42 = arith.constant 0 : i32
      %dma_wait3A_43 = tpu.memref_slice %arg8[%dma_wait3A, %dma_wait3A_42] : memref<4x128xi32, #tpu.memory_space<vmem>> -> memref<1x128xi32, #tpu.memory_space<vmem>>
      %dma_wait3A_44 = tpu.memref_squeeze %dma_wait3A_43 : memref<1x128xi32, #tpu.memory_space<vmem>> -> memref<128xi32, #tpu.memory_space<vmem>>
      %dma_wait3A_45 = arith.constant 0 : i32
      %dma_wait3A_46 = arith.constant 0 : i32
      %dma_wait3A_47 = tpu.memref_slice %arg11[%dma_wait3A_45, %dma_wait3A_46] : memref<10008x128xf32, #tpu.memory_space<vmem_shared>> -> memref<10008x128xf32, #tpu.memory_space<vmem_shared>>
      tpu.wait_indirect_dma semaphore(%arg14 : memref<!tpu.dma_semaphore, #tpu.memory_space<semaphore_mem>>) src(%arg9 : memref<128x128xf32, #tpu.memory_space<vmem>>) dst(%dma_wait3A_47 : memref<10008x128xf32, #tpu.memory_space<vmem_shared>>)
    } else {
    }
    %barrier3A_36 = arith.constant 0 : index
    tpu.barrier barrier_id(%barrier3A_36)
    "tpu.region"() ({
      %run_scoped3A = tpu.sem_alloc : memref<!tpu.dma_semaphore, #tpu.memory_space<semaphore_mem>>
      %dma_start3A = arith.constant 0 : i32
      %dma_start3A_42 = arith.constant 0 : i32
      %dma_start3A_43 = tpu.memref_slice %arg6[%arg0, %dma_start3A, %dma_start3A_42] : memref<2x10000x128xf32, #tpu.memory_space<hbm>> -> memref<1x10000x128xf32, #tpu.memory_space<hbm>>
      %dma_start3A_44 = tpu.memref_squeeze %dma_start3A_43 : memref<1x10000x128xf32, #tpu.memory_space<hbm>> -> memref<10000x128xf32, #tpu.memory_space<hbm>>
      %dma_start3A_45 = arith.constant 0 : i32
      %dma_start3A_46 = tpu.memref_slice %dma_start3A_44[%mul3A_4, %dma_start3A_45] : memref<10000x128xf32, #tpu.memory_space<hbm>> -> memref<624x128xf32, #tpu.memory_space<hbm>>
      %dma_start3A_47 = arith.constant 0 : i32
      %dma_start3A_48 = tpu.memref_slice %arg11[%mul3A_4, %dma_start3A_47] : memref<10008x128xf32, #tpu.memory_space<vmem_shared>> -> memref<624x128xf32, #tpu.memory_space<vmem_shared>>
      tpu.enqueue_dma source(%dma_start3A_48 : memref<624x128xf32, #tpu.memory_space<vmem_shared>>) target(%dma_start3A_46 : memref<624x128xf32, #tpu.memory_space<hbm>>) target_semaphore(%run_scoped3A : memref<!tpu.dma_semaphore, #tpu.memory_space<semaphore_mem>>)
      %dma_wait3A = arith.constant 0 : i32
      %dma_wait3A_49 = arith.constant 0 : i32
      %dma_wait3A_50 = tpu.memref_slice %arg6[%arg0, %dma_wait3A, %dma_wait3A_49] : memref<2x10000x128xf32, #tpu.memory_space<hbm>> -> memref<1x10000x128xf32, #tpu.memory_space<hbm>>
      %dma_wait3A_51 = tpu.memref_squeeze %dma_wait3A_50 : memref<1x10000x128xf32, #tpu.memory_space<hbm>> -> memref<10000x128xf32, #tpu.memory_space<hbm>>
      %dma_wait3A_52 = arith.constant 0 : i32
      %dma_wait3A_53 = tpu.memref_slice %dma_wait3A_51[%mul3A_4, %dma_wait3A_52] : memref<10000x128xf32, #tpu.memory_space<hbm>> -> memref<624x128xf32, #tpu.memory_space<hbm>>
      %dma_wait3A_54 = arith.constant 0 : i32
      %dma_wait3A_55 = tpu.memref_slice %arg11[%mul3A_4, %dma_wait3A_54] : memref<10008x128xf32, #tpu.memory_space<vmem_shared>> -> memref<624x128xf32, #tpu.memory_space<vmem_shared>>
      tpu.wait_dma2 semaphore(%run_scoped3A : memref<!tpu.dma_semaphore, #tpu.memory_space<semaphore_mem>>) src(%dma_wait3A_55 : memref<624x128xf32, #tpu.memory_space<vmem_shared>>) dst(%dma_wait3A_53 : memref<624x128xf32, #tpu.memory_space<hbm>>)
      tpu.yield
    }) : () -> ()
    %eq3A_37 = arith.constant 15 : i32
    %eq3A_38 = arith.cmpi eq, %arg1, %eq3A_37 : i32
    %convert_element_type3A_39 = arith.extui %eq3A_38 : i1 to i32
    %cond3A_40 = arith.constant 0 : i32
    %cond3A_41 = arith.cmpi ne, %convert_element_type3A_39, %cond3A_40 : i32
    scf.if %cond3A_41 {
      "tpu.region"() ({
        %run_scoped3A = tpu.sem_alloc : memref<!tpu.dma_semaphore, #tpu.memory_space<semaphore_mem>>
        %dma_start3A = arith.constant 0 : i32
        %dma_start3A_42 = arith.constant 0 : i32
        %dma_start3A_43 = tpu.memref_slice %arg6[%arg0, %dma_start3A, %dma_start3A_42] : memref<2x10000x128xf32, #tpu.memory_space<hbm>> -> memref<1x10000x128xf32, #tpu.memory_space<hbm>>
        %dma_start3A_44 = tpu.memref_squeeze %dma_start3A_43 : memref<1x10000x128xf32, #tpu.memory_space<hbm>> -> memref<10000x128xf32, #tpu.memory_space<hbm>>
        %dma_start3A_45 = arith.constant 9984 : i32
        %dma_start3A_46 = arith.constant 0 : i32
        %dma_start3A_47 = tpu.memref_slice %dma_start3A_44[%dma_start3A_45, %dma_start3A_46] : memref<10000x128xf32, #tpu.memory_space<hbm>> -> memref<16x128xf32, #tpu.memory_space<hbm>>
        %dma_start3A_48 = arith.constant 9984 : i32
        %dma_start3A_49 = arith.constant 0 : i32
        %dma_start3A_50 = tpu.memref_slice %arg11[%dma_start3A_48, %dma_start3A_49] : memref<10008x128xf32, #tpu.memory_space<vmem_shared>> -> memref<16x128xf32, #tpu.memory_space<vmem_shared>>
        tpu.enqueue_dma source(%dma_start3A_50 : memref<16x128xf32, #tpu.memory_space<vmem_shared>>) target(%dma_start3A_47 : memref<16x128xf32, #tpu.memory_space<hbm>>) target_semaphore(%run_scoped3A : memref<!tpu.dma_semaphore, #tpu.memory_space<semaphore_mem>>)
        %dma_wait3A = arith.constant 0 : i32
        %dma_wait3A_51 = arith.constant 0 : i32
        %dma_wait3A_52 = tpu.memref_slice %arg6[%arg0, %dma_wait3A, %dma_wait3A_51] : memref<2x10000x128xf32, #tpu.memory_space<hbm>> -> memref<1x10000x128xf32, #tpu.memory_space<hbm>>
        %dma_wait3A_53 = tpu.memref_squeeze %dma_wait3A_52 : memref<1x10000x128xf32, #tpu.memory_space<hbm>> -> memref<10000x128xf32, #tpu.memory_space<hbm>>
        %dma_wait3A_54 = arith.constant 9984 : i32
        %dma_wait3A_55 = arith.constant 0 : i32
        %dma_wait3A_56 = tpu.memref_slice %dma_wait3A_53[%dma_wait3A_54, %dma_wait3A_55] : memref<10000x128xf32, #tpu.memory_space<hbm>> -> memref<16x128xf32, #tpu.memory_space<hbm>>
        %dma_wait3A_57 = arith.constant 9984 : i32
        %dma_wait3A_58 = arith.constant 0 : i32
        %dma_wait3A_59 = tpu.memref_slice %arg11[%dma_wait3A_57, %dma_wait3A_58] : memref<10008x128xf32, #tpu.memory_space<vmem_shared>> -> memref<16x128xf32, #tpu.memory_space<vmem_shared>>
        tpu.wait_dma2 semaphore(%run_scoped3A : memref<!tpu.dma_semaphore, #tpu.memory_space<semaphore_mem>>) src(%dma_wait3A_59 : memref<16x128xf32, #tpu.memory_space<vmem_shared>>) dst(%dma_wait3A_56 : memref<16x128xf32, #tpu.memory_space<hbm>>)
        tpu.yield
      }) : () -> ()
    } else {
    }
    return
  }
}

#map = affine_map<(d0, d1) -> (0, 0)>
#map1 = affine_map<(d0, d1) -> (0)>
module attributes {stable_mosaic.version = 14 : i64} {
  func.func @k(%arg0: i32, %arg1: i32, %arg2: memref<2560x128xi32, #tpu.memory_space<hbm>>, %arg3: memref<10000xf32, #tpu.memory_space<hbm>>, %arg4: memref<10000xf32, #tpu.memory_space<hbm>>, %arg5: memref<80x128xi32, #tpu.memory_space<vmem>>, %arg6: memref<128xf32, #tpu.memory_space<vmem>>, %arg7: memref<640xf32, #tpu.memory_space<vmem>>, %arg8: memref<10016xf32, #tpu.memory_space<vmem_shared>>, %arg9: memref<!tpu.dma_semaphore, #tpu.memory_space<semaphore_mem>>) attributes {dimension_semantics = [#tpu.dimension_semantics<core_parallel>, #tpu.dimension_semantics<subcore_parallel>], iteration_bounds = array<i64: 2, 16>, scalar_prefetch = 0 : i64, scratch_operands = 5 : i64, tpu.core_type = #tpu.core_type<sc_vector_subcore>, window_params = [{transform_indices = #map}, {transform_indices = #map1}, {transform_indices = #map1}]} {
    %broadcast_in_dim3A = arith.constant 1.000000e+00 : f32
    %broadcast_in_dim3A_0 = vector.broadcast %broadcast_in_dim3A : f32 to vector<16xf32>
    %broadcast_in_dim3A_1 = arith.constant 0.000000e+00 : f32
    %broadcast_in_dim3A_2 = vector.broadcast %broadcast_in_dim3A_1 : f32 to vector<16xf32>
    %scan3A = arith.constant 0 : i32
    %scan3A_3 = arith.constant 8 : i32
    %scan3A_4 = arith.addi %scan3A, %scan3A_3 : i32
    %scan3A_5 = arith.constant 1 : i32
    scf.for %scan3A_35 = %scan3A to %scan3A_4 step %scan3A_5  : i32 {
      %mul3A_36 = arith.constant 1 : i32
      %mul3A_37 = arith.muli %scan3A_35, %mul3A_36 : i32
      %add3A_38 = arith.constant 0 : i32
      %add3A_39 = arith.addi %add3A_38, %mul3A_37 : i32
      %mul3A_40 = arith.constant 16 : i32
      %mul3A_41 = arith.muli %add3A_39, %mul3A_40 : i32
      %swap3A = arith.index_cast %mul3A_41 : i32 to index
      %swap3A_42 = tpu.vector_load %arg6[%swap3A] {strides = array<i32>} : memref<128xf32, #tpu.memory_space<vmem>>, vector<16xf32>,
      %swap3A_43 = vector.shape_cast %swap3A_42 : vector<16xf32> to vector<16xf32>
      %swap3A_44 = vector.shape_cast %broadcast_in_dim3A_0 : vector<16xf32> to vector<16xf32>
      tpu.vector_store %arg6[%swap3A], %swap3A_44 {strides = array<i32>} : memref<128xf32, #tpu.memory_space<vmem>>, vector<16xf32>,
    }
    %scan3A_6 = arith.constant 8 : i32
    %scan3A_7 = arith.constant 0 : i32
    %scan3A_8 = arith.constant 40 : i32
    %scan3A_9 = arith.addi %scan3A_7, %scan3A_8 : i32
    %scan3A_10 = arith.constant 1 : i32
    scf.for %scan3A_35 = %scan3A_7 to %scan3A_9 step %scan3A_10  : i32 {
      %mul3A_36 = arith.constant 1 : i32
      %mul3A_37 = arith.muli %scan3A_35, %mul3A_36 : i32
      %add3A_38 = arith.constant 0 : i32
      %add3A_39 = arith.addi %add3A_38, %mul3A_37 : i32
      %mul3A_40 = arith.constant 16 : i32
      %mul3A_41 = arith.muli %add3A_39, %mul3A_40 : i32
      %swap3A = arith.index_cast %mul3A_41 : i32 to index
      %swap3A_42 = tpu.vector_load %arg7[%swap3A] {strides = array<i32>} : memref<640xf32, #tpu.memory_space<vmem>>, vector<16xf32>,
      %swap3A_43 = vector.shape_cast %swap3A_42 : vector<16xf32> to vector<16xf32>
      %swap3A_44 = vector.shape_cast %broadcast_in_dim3A_2 : vector<16xf32> to vector<16xf32>
      tpu.vector_store %arg7[%swap3A], %swap3A_44 {strides = array<i32>} : memref<640xf32, #tpu.memory_space<vmem>>, vector<16xf32>,
    }
    %scan3A_11 = arith.constant 40 : i32
    %mul3A = arith.constant 16 : i32
    %mul3A_12 = arith.muli %arg0, %mul3A : i32
    %add3A = arith.addi %mul3A_12, %arg1 : i32
    %mul3A_13 = arith.constant 80 : i32
    %mul3A_14 = arith.muli %add3A, %mul3A_13 : i32
    "tpu.region"() ({
      %run_scoped3A = tpu.sem_alloc : memref<!tpu.dma_semaphore, #tpu.memory_space<semaphore_mem>>
      %dma_start3A = arith.constant 0 : i32
      %dma_start3A_35 = tpu.memref_slice %arg2[%mul3A_14, %dma_start3A] : memref<2560x128xi32, #tpu.memory_space<hbm>> -> memref<80x128xi32, #tpu.memory_space<hbm>>
      %dma_start3A_36 = arith.constant 0 : i32
      %dma_start3A_37 = tpu.memref_slice %arg2[%mul3A_14, %dma_start3A_36] : memref<2560x128xi32, #tpu.memory_space<hbm>> -> memref<80x128xi32, #tpu.memory_space<hbm>>
      tpu.enqueue_dma source(%dma_start3A_37 : memref<80x128xi32, #tpu.memory_space<hbm>>) target(%arg5 : memref<80x128xi32, #tpu.memory_space<vmem>>) target_semaphore(%run_scoped3A : memref<!tpu.dma_semaphore, #tpu.memory_space<semaphore_mem>>)
      %dma_wait3A = arith.constant 0 : i32
      %dma_wait3A_38 = tpu.memref_slice %arg2[%mul3A_14, %dma_wait3A] : memref<2560x128xi32, #tpu.memory_space<hbm>> -> memref<80x128xi32, #tpu.memory_space<hbm>>
      %dma_wait3A_39 = arith.constant 0 : i32
      %dma_wait3A_40 = tpu.memref_slice %arg2[%mul3A_14, %dma_wait3A_39] : memref<2560x128xi32, #tpu.memory_space<hbm>> -> memref<80x128xi32, #tpu.memory_space<hbm>>
      tpu.wait_dma2 semaphore(%run_scoped3A : memref<!tpu.dma_semaphore, #tpu.memory_space<semaphore_mem>>) src(%dma_wait3A_40 : memref<80x128xi32, #tpu.memory_space<hbm>>) dst(%arg5 : memref<80x128xi32, #tpu.memory_space<vmem>>)
      tpu.yield
    }) : () -> ()
    %mul3A_15 = arith.constant 624 : i32
    %mul3A_16 = arith.muli %arg1, %mul3A_15 : i32
    "tpu.region"() ({
      %run_scoped3A = tpu.sem_alloc : memref<!tpu.dma_semaphore, #tpu.memory_space<semaphore_mem>>
      %dma_start3A = arith.constant 0 : i32
      %dma_start3A_35 = tpu.memref_slice %arg7[%dma_start3A] : memref<640xf32, #tpu.memory_space<vmem>> -> memref<624xf32, #tpu.memory_space<vmem>>
      %dma_start3A_36 = tpu.memref_slice %arg8[%mul3A_16] : memref<10016xf32, #tpu.memory_space<vmem_shared>> -> memref<624xf32, #tpu.memory_space<vmem_shared>>
      %dma_start3A_37 = tpu.memref_slice %arg8[%mul3A_16] : memref<10016xf32, #tpu.memory_space<vmem_shared>> -> memref<624xf32, #tpu.memory_space<vmem_shared>>
      %dma_start3A_38 = arith.constant 0 : i32
      %dma_start3A_39 = tpu.memref_slice %arg7[%dma_start3A_38] : memref<640xf32, #tpu.memory_space<vmem>> -> memref<624xf32, #tpu.memory_space<vmem>>
      tpu.enqueue_dma source(%dma_start3A_39 : memref<624xf32, #tpu.memory_space<vmem>>) target(%dma_start3A_37 : memref<624xf32, #tpu.memory_space<vmem_shared>>) target_semaphore(%run_scoped3A : memref<!tpu.dma_semaphore, #tpu.memory_space<semaphore_mem>>)
      %dma_wait3A = arith.constant 0 : i32
      %dma_wait3A_40 = tpu.memref_slice %arg7[%dma_wait3A] : memref<640xf32, #tpu.memory_space<vmem>> -> memref<624xf32, #tpu.memory_space<vmem>>
      %dma_wait3A_41 = tpu.memref_slice %arg8[%mul3A_16] : memref<10016xf32, #tpu.memory_space<vmem_shared>> -> memref<624xf32, #tpu.memory_space<vmem_shared>>
      %dma_wait3A_42 = tpu.memref_slice %arg8[%mul3A_16] : memref<10016xf32, #tpu.memory_space<vmem_shared>> -> memref<624xf32, #tpu.memory_space<vmem_shared>>
      %dma_wait3A_43 = arith.constant 0 : i32
      %dma_wait3A_44 = tpu.memref_slice %arg7[%dma_wait3A_43] : memref<640xf32, #tpu.memory_space<vmem>> -> memref<624xf32, #tpu.memory_space<vmem>>
      tpu.wait_dma2 semaphore(%run_scoped3A : memref<!tpu.dma_semaphore, #tpu.memory_space<semaphore_mem>>) src(%dma_wait3A_44 : memref<624xf32, #tpu.memory_space<vmem>>) dst(%dma_wait3A_42 : memref<624xf32, #tpu.memory_space<vmem_shared>>)
      tpu.yield
    }) : () -> ()
    %eq3A = arith.constant 15 : i32
    %eq3A_17 = arith.cmpi eq, %arg1, %eq3A : i32
    %convert_element_type3A = arith.extui %eq3A_17 : i1 to i32
    %cond3A = arith.constant 0 : i32
    %cond3A_18 = arith.cmpi ne, %convert_element_type3A, %cond3A : i32
    scf.if %cond3A_18 {
      "tpu.region"() ({
        %run_scoped3A = tpu.sem_alloc : memref<!tpu.dma_semaphore, #tpu.memory_space<semaphore_mem>>
        %dma_start3A = arith.constant 0 : i32
        %dma_start3A_35 = tpu.memref_slice %arg7[%dma_start3A] : memref<640xf32, #tpu.memory_space<vmem>> -> memref<16xf32, #tpu.memory_space<vmem>>
        %dma_start3A_36 = arith.constant 9984 : i32
        %dma_start3A_37 = tpu.memref_slice %arg8[%dma_start3A_36] : memref<10016xf32, #tpu.memory_space<vmem_shared>> -> memref<16xf32, #tpu.memory_space<vmem_shared>>
        %dma_start3A_38 = arith.constant 9984 : i32
        %dma_start3A_39 = tpu.memref_slice %arg8[%dma_start3A_38] : memref<10016xf32, #tpu.memory_space<vmem_shared>> -> memref<16xf32, #tpu.memory_space<vmem_shared>>
        %dma_start3A_40 = arith.constant 0 : i32
        %dma_start3A_41 = tpu.memref_slice %arg7[%dma_start3A_40] : memref<640xf32, #tpu.memory_space<vmem>> -> memref<16xf32, #tpu.memory_space<vmem>>
        tpu.enqueue_dma source(%dma_start3A_41 : memref<16xf32, #tpu.memory_space<vmem>>) target(%dma_start3A_39 : memref<16xf32, #tpu.memory_space<vmem_shared>>) target_semaphore(%run_scoped3A : memref<!tpu.dma_semaphore, #tpu.memory_space<semaphore_mem>>)
        %dma_wait3A = arith.constant 0 : i32
        %dma_wait3A_42 = tpu.memref_slice %arg7[%dma_wait3A] : memref<640xf32, #tpu.memory_space<vmem>> -> memref<16xf32, #tpu.memory_space<vmem>>
        %dma_wait3A_43 = arith.constant 9984 : i32
        %dma_wait3A_44 = tpu.memref_slice %arg8[%dma_wait3A_43] : memref<10016xf32, #tpu.memory_space<vmem_shared>> -> memref<16xf32, #tpu.memory_space<vmem_shared>>
        %dma_wait3A_45 = arith.constant 9984 : i32
        %dma_wait3A_46 = tpu.memref_slice %arg8[%dma_wait3A_45] : memref<10016xf32, #tpu.memory_space<vmem_shared>> -> memref<16xf32, #tpu.memory_space<vmem_shared>>
        %dma_wait3A_47 = arith.constant 0 : i32
        %dma_wait3A_48 = tpu.memref_slice %arg7[%dma_wait3A_47] : memref<640xf32, #tpu.memory_space<vmem>> -> memref<16xf32, #tpu.memory_space<vmem>>
        tpu.wait_dma2 semaphore(%run_scoped3A : memref<!tpu.dma_semaphore, #tpu.memory_space<semaphore_mem>>) src(%dma_wait3A_48 : memref<16xf32, #tpu.memory_space<vmem>>) dst(%dma_wait3A_46 : memref<16xf32, #tpu.memory_space<vmem_shared>>)
        tpu.yield
      }) : () -> ()
      "tpu.region"() ({
        %run_scoped3A = tpu.sem_alloc : memref<!tpu.dma_semaphore, #tpu.memory_space<semaphore_mem>>
        %dma_start3A = arith.constant 0 : i32
        %dma_start3A_35 = tpu.memref_slice %arg7[%dma_start3A] : memref<640xf32, #tpu.memory_space<vmem>> -> memref<16xf32, #tpu.memory_space<vmem>>
        %dma_start3A_36 = arith.constant 10000 : i32
        %dma_start3A_37 = tpu.memref_slice %arg8[%dma_start3A_36] : memref<10016xf32, #tpu.memory_space<vmem_shared>> -> memref<16xf32, #tpu.memory_space<vmem_shared>>
        %dma_start3A_38 = arith.constant 10000 : i32
        %dma_start3A_39 = tpu.memref_slice %arg8[%dma_start3A_38] : memref<10016xf32, #tpu.memory_space<vmem_shared>> -> memref<16xf32, #tpu.memory_space<vmem_shared>>
        %dma_start3A_40 = arith.constant 0 : i32
        %dma_start3A_41 = tpu.memref_slice %arg7[%dma_start3A_40] : memref<640xf32, #tpu.memory_space<vmem>> -> memref<16xf32, #tpu.memory_space<vmem>>
        tpu.enqueue_dma source(%dma_start3A_41 : memref<16xf32, #tpu.memory_space<vmem>>) target(%dma_start3A_39 : memref<16xf32, #tpu.memory_space<vmem_shared>>) target_semaphore(%run_scoped3A : memref<!tpu.dma_semaphore, #tpu.memory_space<semaphore_mem>>)
        %dma_wait3A = arith.constant 0 : i32
        %dma_wait3A_42 = tpu.memref_slice %arg7[%dma_wait3A] : memref<640xf32, #tpu.memory_space<vmem>> -> memref<16xf32, #tpu.memory_space<vmem>>
        %dma_wait3A_43 = arith.constant 10000 : i32
        %dma_wait3A_44 = tpu.memref_slice %arg8[%dma_wait3A_43] : memref<10016xf32, #tpu.memory_space<vmem_shared>> -> memref<16xf32, #tpu.memory_space<vmem_shared>>
        %dma_wait3A_45 = arith.constant 10000 : i32
        %dma_wait3A_46 = tpu.memref_slice %arg8[%dma_wait3A_45] : memref<10016xf32, #tpu.memory_space<vmem_shared>> -> memref<16xf32, #tpu.memory_space<vmem_shared>>
        %dma_wait3A_47 = arith.constant 0 : i32
        %dma_wait3A_48 = tpu.memref_slice %arg7[%dma_wait3A_47] : memref<640xf32, #tpu.memory_space<vmem>> -> memref<16xf32, #tpu.memory_space<vmem>>
        tpu.wait_dma2 semaphore(%run_scoped3A : memref<!tpu.dma_semaphore, #tpu.memory_space<semaphore_mem>>) src(%dma_wait3A_48 : memref<16xf32, #tpu.memory_space<vmem>>) dst(%dma_wait3A_46 : memref<16xf32, #tpu.memory_space<vmem_shared>>)
        tpu.yield
      }) : () -> ()
    } else {
    }
    %barrier3A = arith.constant 0 : index
    tpu.barrier barrier_id(%barrier3A)
    %scan3A_19 = arith.constant 0 : i32
    %scan3A_20 = arith.constant 10 : i32
    %scan3A_21 = arith.addi %scan3A_19, %scan3A_20 : i32
    %scan3A_22 = arith.constant 1 : i32
    scf.for %scan3A_35 = %scan3A_19 to %scan3A_21 step %scan3A_22  : i32 {
      %mul3A_36 = arith.constant 1 : i32
      %mul3A_37 = arith.muli %scan3A_35, %mul3A_36 : i32
      %add3A_38 = arith.constant 0 : i32
      %add3A_39 = arith.addi %add3A_38, %mul3A_37 : i32
      %mul3A_40 = arith.constant 8 : i32
      %mul3A_41 = arith.muli %add3A_39, %mul3A_40 : i32
      %add3A_42 = arith.addi %mul3A_14, %mul3A_41 : i32
      %add3A_43 = arith.constant 0 : i32
      %add3A_44 = arith.addi %add3A_42, %add3A_43 : i32
      %lt3A = arith.constant 2500 : i32
      %lt3A_45 = arith.cmpi slt, %add3A_44, %lt3A : i32
      %convert_element_type3A_46 = arith.extui %lt3A_45 : i1 to i32
      %cond3A_47 = arith.constant 0 : i32
      %cond3A_48 = arith.cmpi ne, %convert_element_type3A_46, %cond3A_47 : i32
      scf.if %cond3A_48 {
        %mul3A_199 = arith.constant 8 : i32
        %mul3A_200 = arith.muli %add3A_39, %mul3A_199 : i32
        %add3A_201 = arith.constant 0 : i32
        %add3A_202 = arith.addi %mul3A_200, %add3A_201 : i32
        %dma_start3A = arith.constant 0 : i32
        %dma_start3A_203 = tpu.memref_slice %arg5[%add3A_202, %dma_start3A] : memref<80x128xi32, #tpu.memory_space<vmem>> -> memref<1x128xi32, #tpu.memory_space<vmem>>
        %dma_start3A_204 = tpu.memref_squeeze %dma_start3A_203 : memref<1x128xi32, #tpu.memory_space<vmem>> -> memref<128xi32, #tpu.memory_space<vmem>>
        %dma_start3A_205 = arith.constant 0 : i32
        %dma_start3A_206 = tpu.memref_slice %arg8[%dma_start3A_205] : memref<10016xf32, #tpu.memory_space<vmem_shared>> -> memref<10016xf32, #tpu.memory_space<vmem_shared>>
        tpu.enqueue_indirect_dma source(%arg6 : memref<128xf32, #tpu.memory_space<vmem>>) target(%dma_start3A_206 : memref<10016xf32, #tpu.memory_space<vmem_shared>>) offsets(%dma_start3A_204 : memref<128xi32, #tpu.memory_space<vmem>>) semaphore(%arg9 : memref<!tpu.dma_semaphore, #tpu.memory_space<semaphore_mem>>) {add = true}
      } else {
      }
      %mul3A_49 = arith.constant 8 : i32
      %mul3A_50 = arith.muli %add3A_39, %mul3A_49 : i32
      %add3A_51 = arith.addi %mul3A_14, %mul3A_50 : i32
      %add3A_52 = arith.constant 1 : i32
      %add3A_53 = arith.addi %add3A_51, %add3A_52 : i32
      %lt3A_54 = arith.constant 2500 : i32
      %lt3A_55 = arith.cmpi slt, %add3A_53, %lt3A_54 : i32
      %convert_element_type3A_56 = arith.extui %lt3A_55 : i1 to i32
      %cond3A_57 = arith.constant 0 : i32
      %cond3A_58 = arith.cmpi ne, %convert_element_type3A_56, %cond3A_57 : i32
      scf.if %cond3A_58 {
        %mul3A_199 = arith.constant 8 : i32
        %mul3A_200 = arith.muli %add3A_39, %mul3A_199 : i32
        %add3A_201 = arith.constant 1 : i32
        %add3A_202 = arith.addi %mul3A_200, %add3A_201 : i32
        %dma_start3A = arith.constant 0 : i32
        %dma_start3A_203 = tpu.memref_slice %arg5[%add3A_202, %dma_start3A] : memref<80x128xi32, #tpu.memory_space<vmem>> -> memref<1x128xi32, #tpu.memory_space<vmem>>
        %dma_start3A_204 = tpu.memref_squeeze %dma_start3A_203 : memref<1x128xi32, #tpu.memory_space<vmem>> -> memref<128xi32, #tpu.memory_space<vmem>>
        %dma_start3A_205 = arith.constant 0 : i32
        %dma_start3A_206 = tpu.memref_slice %arg8[%dma_start3A_205] : memref<10016xf32, #tpu.memory_space<vmem_shared>> -> memref<10016xf32, #tpu.memory_space<vmem_shared>>
        tpu.enqueue_indirect_dma source(%arg6 : memref<128xf32, #tpu.memory_space<vmem>>) target(%dma_start3A_206 : memref<10016xf32, #tpu.memory_space<vmem_shared>>) offsets(%dma_start3A_204 : memref<128xi32, #tpu.memory_space<vmem>>) semaphore(%arg9 : memref<!tpu.dma_semaphore, #tpu.memory_space<semaphore_mem>>) {add = true}
      } else {
      }
      %mul3A_59 = arith.constant 8 : i32
      %mul3A_60 = arith.muli %add3A_39, %mul3A_59 : i32
      %add3A_61 = arith.addi %mul3A_14, %mul3A_60 : i32
      %add3A_62 = arith.constant 2 : i32
      %add3A_63 = arith.addi %add3A_61, %add3A_62 : i32
      %lt3A_64 = arith.constant 2500 : i32
      %lt3A_65 = arith.cmpi slt, %add3A_63, %lt3A_64 : i32
      %convert_element_type3A_66 = arith.extui %lt3A_65 : i1 to i32
      %cond3A_67 = arith.constant 0 : i32
      %cond3A_68 = arith.cmpi ne, %convert_element_type3A_66, %cond3A_67 : i32
      scf.if %cond3A_68 {
        %mul3A_199 = arith.constant 8 : i32
        %mul3A_200 = arith.muli %add3A_39, %mul3A_199 : i32
        %add3A_201 = arith.constant 2 : i32
        %add3A_202 = arith.addi %mul3A_200, %add3A_201 : i32
        %dma_start3A = arith.constant 0 : i32
        %dma_start3A_203 = tpu.memref_slice %arg5[%add3A_202, %dma_start3A] : memref<80x128xi32, #tpu.memory_space<vmem>> -> memref<1x128xi32, #tpu.memory_space<vmem>>
        %dma_start3A_204 = tpu.memref_squeeze %dma_start3A_203 : memref<1x128xi32, #tpu.memory_space<vmem>> -> memref<128xi32, #tpu.memory_space<vmem>>
        %dma_start3A_205 = arith.constant 0 : i32
        %dma_start3A_206 = tpu.memref_slice %arg8[%dma_start3A_205] : memref<10016xf32, #tpu.memory_space<vmem_shared>> -> memref<10016xf32, #tpu.memory_space<vmem_shared>>
        tpu.enqueue_indirect_dma source(%arg6 : memref<128xf32, #tpu.memory_space<vmem>>) target(%dma_start3A_206 : memref<10016xf32, #tpu.memory_space<vmem_shared>>) offsets(%dma_start3A_204 : memref<128xi32, #tpu.memory_space<vmem>>) semaphore(%arg9 : memref<!tpu.dma_semaphore, #tpu.memory_space<semaphore_mem>>) {add = true}
      } else {
      }
      %mul3A_69 = arith.constant 8 : i32
      %mul3A_70 = arith.muli %add3A_39, %mul3A_69 : i32
      %add3A_71 = arith.addi %mul3A_14, %mul3A_70 : i32
      %add3A_72 = arith.constant 3 : i32
      %add3A_73 = arith.addi %add3A_71, %add3A_72 : i32
      %lt3A_74 = arith.constant 2500 : i32
      %lt3A_75 = arith.cmpi slt, %add3A_73, %lt3A_74 : i32
      %convert_element_type3A_76 = arith.extui %lt3A_75 : i1 to i32
      %cond3A_77 = arith.constant 0 : i32
      %cond3A_78 = arith.cmpi ne, %convert_element_type3A_76, %cond3A_77 : i32
      scf.if %cond3A_78 {
        %mul3A_199 = arith.constant 8 : i32
        %mul3A_200 = arith.muli %add3A_39, %mul3A_199 : i32
        %add3A_201 = arith.constant 3 : i32
        %add3A_202 = arith.addi %mul3A_200, %add3A_201 : i32
        %dma_start3A = arith.constant 0 : i32
        %dma_start3A_203 = tpu.memref_slice %arg5[%add3A_202, %dma_start3A] : memref<80x128xi32, #tpu.memory_space<vmem>> -> memref<1x128xi32, #tpu.memory_space<vmem>>
        %dma_start3A_204 = tpu.memref_squeeze %dma_start3A_203 : memref<1x128xi32, #tpu.memory_space<vmem>> -> memref<128xi32, #tpu.memory_space<vmem>>
        %dma_start3A_205 = arith.constant 0 : i32
        %dma_start3A_206 = tpu.memref_slice %arg8[%dma_start3A_205] : memref<10016xf32, #tpu.memory_space<vmem_shared>> -> memref<10016xf32, #tpu.memory_space<vmem_shared>>
        tpu.enqueue_indirect_dma source(%arg6 : memref<128xf32, #tpu.memory_space<vmem>>) target(%dma_start3A_206 : memref<10016xf32, #tpu.memory_space<vmem_shared>>) offsets(%dma_start3A_204 : memref<128xi32, #tpu.memory_space<vmem>>) semaphore(%arg9 : memref<!tpu.dma_semaphore, #tpu.memory_space<semaphore_mem>>) {add = true}
      } else {
      }
      %mul3A_79 = arith.constant 8 : i32
      %mul3A_80 = arith.muli %add3A_39, %mul3A_79 : i32
      %add3A_81 = arith.addi %mul3A_14, %mul3A_80 : i32
      %add3A_82 = arith.constant 4 : i32
      %add3A_83 = arith.addi %add3A_81, %add3A_82 : i32
      %lt3A_84 = arith.constant 2500 : i32
      %lt3A_85 = arith.cmpi slt, %add3A_83, %lt3A_84 : i32
      %convert_element_type3A_86 = arith.extui %lt3A_85 : i1 to i32
      %cond3A_87 = arith.constant 0 : i32
      %cond3A_88 = arith.cmpi ne, %convert_element_type3A_86, %cond3A_87 : i32
      scf.if %cond3A_88 {
        %mul3A_199 = arith.constant 8 : i32
        %mul3A_200 = arith.muli %add3A_39, %mul3A_199 : i32
        %add3A_201 = arith.constant 4 : i32
        %add3A_202 = arith.addi %mul3A_200, %add3A_201 : i32
        %dma_start3A = arith.constant 0 : i32
        %dma_start3A_203 = tpu.memref_slice %arg5[%add3A_202, %dma_start3A] : memref<80x128xi32, #tpu.memory_space<vmem>> -> memref<1x128xi32, #tpu.memory_space<vmem>>
        %dma_start3A_204 = tpu.memref_squeeze %dma_start3A_203 : memref<1x128xi32, #tpu.memory_space<vmem>> -> memref<128xi32, #tpu.memory_space<vmem>>
        %dma_start3A_205 = arith.constant 0 : i32
        %dma_start3A_206 = tpu.memref_slice %arg8[%dma_start3A_205] : memref<10016xf32, #tpu.memory_space<vmem_shared>> -> memref<10016xf32, #tpu.memory_space<vmem_shared>>
        tpu.enqueue_indirect_dma source(%arg6 : memref<128xf32, #tpu.memory_space<vmem>>) target(%dma_start3A_206 : memref<10016xf32, #tpu.memory_space<vmem_shared>>) offsets(%dma_start3A_204 : memref<128xi32, #tpu.memory_space<vmem>>) semaphore(%arg9 : memref<!tpu.dma_semaphore, #tpu.memory_space<semaphore_mem>>) {add = true}
      } else {
      }
      %mul3A_89 = arith.constant 8 : i32
      %mul3A_90 = arith.muli %add3A_39, %mul3A_89 : i32
      %add3A_91 = arith.addi %mul3A_14, %mul3A_90 : i32
      %add3A_92 = arith.constant 5 : i32
      %add3A_93 = arith.addi %add3A_91, %add3A_92 : i32
      %lt3A_94 = arith.constant 2500 : i32
      %lt3A_95 = arith.cmpi slt, %add3A_93, %lt3A_94 : i32
      %convert_element_type3A_96 = arith.extui %lt3A_95 : i1 to i32
      %cond3A_97 = arith.constant 0 : i32
      %cond3A_98 = arith.cmpi ne, %convert_element_type3A_96, %cond3A_97 : i32
      scf.if %cond3A_98 {
        %mul3A_199 = arith.constant 8 : i32
        %mul3A_200 = arith.muli %add3A_39, %mul3A_199 : i32
        %add3A_201 = arith.constant 5 : i32
        %add3A_202 = arith.addi %mul3A_200, %add3A_201 : i32
        %dma_start3A = arith.constant 0 : i32
        %dma_start3A_203 = tpu.memref_slice %arg5[%add3A_202, %dma_start3A] : memref<80x128xi32, #tpu.memory_space<vmem>> -> memref<1x128xi32, #tpu.memory_space<vmem>>
        %dma_start3A_204 = tpu.memref_squeeze %dma_start3A_203 : memref<1x128xi32, #tpu.memory_space<vmem>> -> memref<128xi32, #tpu.memory_space<vmem>>
        %dma_start3A_205 = arith.constant 0 : i32
        %dma_start3A_206 = tpu.memref_slice %arg8[%dma_start3A_205] : memref<10016xf32, #tpu.memory_space<vmem_shared>> -> memref<10016xf32, #tpu.memory_space<vmem_shared>>
        tpu.enqueue_indirect_dma source(%arg6 : memref<128xf32, #tpu.memory_space<vmem>>) target(%dma_start3A_206 : memref<10016xf32, #tpu.memory_space<vmem_shared>>) offsets(%dma_start3A_204 : memref<128xi32, #tpu.memory_space<vmem>>) semaphore(%arg9 : memref<!tpu.dma_semaphore, #tpu.memory_space<semaphore_mem>>) {add = true}
      } else {
      }
      %mul3A_99 = arith.constant 8 : i32
      %mul3A_100 = arith.muli %add3A_39, %mul3A_99 : i32
      %add3A_101 = arith.addi %mul3A_14, %mul3A_100 : i32
      %add3A_102 = arith.constant 6 : i32
      %add3A_103 = arith.addi %add3A_101, %add3A_102 : i32
      %lt3A_104 = arith.constant 2500 : i32
      %lt3A_105 = arith.cmpi slt, %add3A_103, %lt3A_104 : i32
      %convert_element_type3A_106 = arith.extui %lt3A_105 : i1 to i32
      %cond3A_107 = arith.constant 0 : i32
      %cond3A_108 = arith.cmpi ne, %convert_element_type3A_106, %cond3A_107 : i32
      scf.if %cond3A_108 {
        %mul3A_199 = arith.constant 8 : i32
        %mul3A_200 = arith.muli %add3A_39, %mul3A_199 : i32
        %add3A_201 = arith.constant 6 : i32
        %add3A_202 = arith.addi %mul3A_200, %add3A_201 : i32
        %dma_start3A = arith.constant 0 : i32
        %dma_start3A_203 = tpu.memref_slice %arg5[%add3A_202, %dma_start3A] : memref<80x128xi32, #tpu.memory_space<vmem>> -> memref<1x128xi32, #tpu.memory_space<vmem>>
        %dma_start3A_204 = tpu.memref_squeeze %dma_start3A_203 : memref<1x128xi32, #tpu.memory_space<vmem>> -> memref<128xi32, #tpu.memory_space<vmem>>
        %dma_start3A_205 = arith.constant 0 : i32
        %dma_start3A_206 = tpu.memref_slice %arg8[%dma_start3A_205] : memref<10016xf32, #tpu.memory_space<vmem_shared>> -> memref<10016xf32, #tpu.memory_space<vmem_shared>>
        tpu.enqueue_indirect_dma source(%arg6 : memref<128xf32, #tpu.memory_space<vmem>>) target(%dma_start3A_206 : memref<10016xf32, #tpu.memory_space<vmem_shared>>) offsets(%dma_start3A_204 : memref<128xi32, #tpu.memory_space<vmem>>) semaphore(%arg9 : memref<!tpu.dma_semaphore, #tpu.memory_space<semaphore_mem>>) {add = true}
      } else {
      }
      %mul3A_109 = arith.constant 8 : i32
      %mul3A_110 = arith.muli %add3A_39, %mul3A_109 : i32
      %add3A_111 = arith.addi %mul3A_14, %mul3A_110 : i32
      %add3A_112 = arith.constant 7 : i32
      %add3A_113 = arith.addi %add3A_111, %add3A_112 : i32
      %lt3A_114 = arith.constant 2500 : i32
      %lt3A_115 = arith.cmpi slt, %add3A_113, %lt3A_114 : i32
      %convert_element_type3A_116 = arith.extui %lt3A_115 : i1 to i32
      %cond3A_117 = arith.constant 0 : i32
      %cond3A_118 = arith.cmpi ne, %convert_element_type3A_116, %cond3A_117 : i32
      scf.if %cond3A_118 {
        %mul3A_199 = arith.constant 8 : i32
        %mul3A_200 = arith.muli %add3A_39, %mul3A_199 : i32
        %add3A_201 = arith.constant 7 : i32
        %add3A_202 = arith.addi %mul3A_200, %add3A_201 : i32
        %dma_start3A = arith.constant 0 : i32
        %dma_start3A_203 = tpu.memref_slice %arg5[%add3A_202, %dma_start3A] : memref<80x128xi32, #tpu.memory_space<vmem>> -> memref<1x128xi32, #tpu.memory_space<vmem>>
        %dma_start3A_204 = tpu.memref_squeeze %dma_start3A_203 : memref<1x128xi32, #tpu.memory_space<vmem>> -> memref<128xi32, #tpu.memory_space<vmem>>
        %dma_start3A_205 = arith.constant 0 : i32
        %dma_start3A_206 = tpu.memref_slice %arg8[%dma_start3A_205] : memref<10016xf32, #tpu.memory_space<vmem_shared>> -> memref<10016xf32, #tpu.memory_space<vmem_shared>>
        tpu.enqueue_indirect_dma source(%arg6 : memref<128xf32, #tpu.memory_space<vmem>>) target(%dma_start3A_206 : memref<10016xf32, #tpu.memory_space<vmem_shared>>) offsets(%dma_start3A_204 : memref<128xi32, #tpu.memory_space<vmem>>) semaphore(%arg9 : memref<!tpu.dma_semaphore, #tpu.memory_space<semaphore_mem>>) {add = true}
      } else {
      }
      %mul3A_119 = arith.constant 8 : i32
      %mul3A_120 = arith.muli %add3A_39, %mul3A_119 : i32
      %add3A_121 = arith.addi %mul3A_14, %mul3A_120 : i32
      %add3A_122 = arith.constant 0 : i32
      %add3A_123 = arith.addi %add3A_121, %add3A_122 : i32
      %lt3A_124 = arith.constant 2500 : i32
      %lt3A_125 = arith.cmpi slt, %add3A_123, %lt3A_124 : i32
      %convert_element_type3A_126 = arith.extui %lt3A_125 : i1 to i32
      %cond3A_127 = arith.constant 0 : i32
      %cond3A_128 = arith.cmpi ne, %convert_element_type3A_126, %cond3A_127 : i32
      scf.if %cond3A_128 {
        %dma_wait3A = arith.constant 0 : i32
        %dma_wait3A_199 = arith.constant 0 : i32
        %dma_wait3A_200 = tpu.memref_slice %arg5[%dma_wait3A, %dma_wait3A_199] : memref<80x128xi32, #tpu.memory_space<vmem>> -> memref<1x128xi32, #tpu.memory_space<vmem>>
        %dma_wait3A_201 = tpu.memref_squeeze %dma_wait3A_200 : memref<1x128xi32, #tpu.memory_space<vmem>> -> memref<128xi32, #tpu.memory_space<vmem>>
        %dma_wait3A_202 = arith.constant 0 : i32
        %dma_wait3A_203 = tpu.memref_slice %arg8[%dma_wait3A_202] : memref<10016xf32, #tpu.memory_space<vmem_shared>> -> memref<10016xf32, #tpu.memory_space<vmem_shared>>
        tpu.wait_indirect_dma semaphore(%arg9 : memref<!tpu.dma_semaphore, #tpu.memory_space<semaphore_mem>>) src(%arg6 : memref<128xf32, #tpu.memory_space<vmem>>) dst(%dma_wait3A_203 : memref<10016xf32, #tpu.memory_space<vmem_shared>>)
      } else {
      }
      %mul3A_129 = arith.constant 8 : i32
      %mul3A_130 = arith.muli %add3A_39, %mul3A_129 : i32
      %add3A_131 = arith.addi %mul3A_14, %mul3A_130 : i32
      %add3A_132 = arith.constant 1 : i32
      %add3A_133 = arith.addi %add3A_131, %add3A_132 : i32
      %lt3A_134 = arith.constant 2500 : i32
      %lt3A_135 = arith.cmpi slt, %add3A_133, %lt3A_134 : i32
      %convert_element_type3A_136 = arith.extui %lt3A_135 : i1 to i32
      %cond3A_137 = arith.constant 0 : i32
      %cond3A_138 = arith.cmpi ne, %convert_element_type3A_136, %cond3A_137 : i32
      scf.if %cond3A_138 {
        %dma_wait3A = arith.constant 0 : i32
        %dma_wait3A_199 = arith.constant 0 : i32
        %dma_wait3A_200 = tpu.memref_slice %arg5[%dma_wait3A, %dma_wait3A_199] : memref<80x128xi32, #tpu.memory_space<vmem>> -> memref<1x128xi32, #tpu.memory_space<vmem>>
        %dma_wait3A_201 = tpu.memref_squeeze %dma_wait3A_200 : memref<1x128xi32, #tpu.memory_space<vmem>> -> memref<128xi32, #tpu.memory_space<vmem>>
        %dma_wait3A_202 = arith.constant 0 : i32
        %dma_wait3A_203 = tpu.memref_slice %arg8[%dma_wait3A_202] : memref<10016xf32, #tpu.memory_space<vmem_shared>> -> memref<10016xf32, #tpu.memory_space<vmem_shared>>
        tpu.wait_indirect_dma semaphore(%arg9 : memref<!tpu.dma_semaphore, #tpu.memory_space<semaphore_mem>>) src(%arg6 : memref<128xf32, #tpu.memory_space<vmem>>) dst(%dma_wait3A_203 : memref<10016xf32, #tpu.memory_space<vmem_shared>>)
      } else {
      }
      %mul3A_139 = arith.constant 8 : i32
      %mul3A_140 = arith.muli %add3A_39, %mul3A_139 : i32
      %add3A_141 = arith.addi %mul3A_14, %mul3A_140 : i32
      %add3A_142 = arith.constant 2 : i32
      %add3A_143 = arith.addi %add3A_141, %add3A_142 : i32
      %lt3A_144 = arith.constant 2500 : i32
      %lt3A_145 = arith.cmpi slt, %add3A_143, %lt3A_144 : i32
      %convert_element_type3A_146 = arith.extui %lt3A_145 : i1 to i32
      %cond3A_147 = arith.constant 0 : i32
      %cond3A_148 = arith.cmpi ne, %convert_element_type3A_146, %cond3A_147 : i32
      scf.if %cond3A_148 {
        %dma_wait3A = arith.constant 0 : i32
        %dma_wait3A_199 = arith.constant 0 : i32
        %dma_wait3A_200 = tpu.memref_slice %arg5[%dma_wait3A, %dma_wait3A_199] : memref<80x128xi32, #tpu.memory_space<vmem>> -> memref<1x128xi32, #tpu.memory_space<vmem>>
        %dma_wait3A_201 = tpu.memref_squeeze %dma_wait3A_200 : memref<1x128xi32, #tpu.memory_space<vmem>> -> memref<128xi32, #tpu.memory_space<vmem>>
        %dma_wait3A_202 = arith.constant 0 : i32
        %dma_wait3A_203 = tpu.memref_slice %arg8[%dma_wait3A_202] : memref<10016xf32, #tpu.memory_space<vmem_shared>> -> memref<10016xf32, #tpu.memory_space<vmem_shared>>
        tpu.wait_indirect_dma semaphore(%arg9 : memref<!tpu.dma_semaphore, #tpu.memory_space<semaphore_mem>>) src(%arg6 : memref<128xf32, #tpu.memory_space<vmem>>) dst(%dma_wait3A_203 : memref<10016xf32, #tpu.memory_space<vmem_shared>>)
      } else {
      }
      %mul3A_149 = arith.constant 8 : i32
      %mul3A_150 = arith.muli %add3A_39, %mul3A_149 : i32
      %add3A_151 = arith.addi %mul3A_14, %mul3A_150 : i32
      %add3A_152 = arith.constant 3 : i32
      %add3A_153 = arith.addi %add3A_151, %add3A_152 : i32
      %lt3A_154 = arith.constant 2500 : i32
      %lt3A_155 = arith.cmpi slt, %add3A_153, %lt3A_154 : i32
      %convert_element_type3A_156 = arith.extui %lt3A_155 : i1 to i32
      %cond3A_157 = arith.constant 0 : i32
      %cond3A_158 = arith.cmpi ne, %convert_element_type3A_156, %cond3A_157 : i32
      scf.if %cond3A_158 {
        %dma_wait3A = arith.constant 0 : i32
        %dma_wait3A_199 = arith.constant 0 : i32
        %dma_wait3A_200 = tpu.memref_slice %arg5[%dma_wait3A, %dma_wait3A_199] : memref<80x128xi32, #tpu.memory_space<vmem>> -> memref<1x128xi32, #tpu.memory_space<vmem>>
        %dma_wait3A_201 = tpu.memref_squeeze %dma_wait3A_200 : memref<1x128xi32, #tpu.memory_space<vmem>> -> memref<128xi32, #tpu.memory_space<vmem>>
        %dma_wait3A_202 = arith.constant 0 : i32
        %dma_wait3A_203 = tpu.memref_slice %arg8[%dma_wait3A_202] : memref<10016xf32, #tpu.memory_space<vmem_shared>> -> memref<10016xf32, #tpu.memory_space<vmem_shared>>
        tpu.wait_indirect_dma semaphore(%arg9 : memref<!tpu.dma_semaphore, #tpu.memory_space<semaphore_mem>>) src(%arg6 : memref<128xf32, #tpu.memory_space<vmem>>) dst(%dma_wait3A_203 : memref<10016xf32, #tpu.memory_space<vmem_shared>>)
      } else {
      }
      %mul3A_159 = arith.constant 8 : i32
      %mul3A_160 = arith.muli %add3A_39, %mul3A_159 : i32
      %add3A_161 = arith.addi %mul3A_14, %mul3A_160 : i32
      %add3A_162 = arith.constant 4 : i32
      %add3A_163 = arith.addi %add3A_161, %add3A_162 : i32
      %lt3A_164 = arith.constant 2500 : i32
      %lt3A_165 = arith.cmpi slt, %add3A_163, %lt3A_164 : i32
      %convert_element_type3A_166 = arith.extui %lt3A_165 : i1 to i32
      %cond3A_167 = arith.constant 0 : i32
      %cond3A_168 = arith.cmpi ne, %convert_element_type3A_166, %cond3A_167 : i32
      scf.if %cond3A_168 {
        %dma_wait3A = arith.constant 0 : i32
        %dma_wait3A_199 = arith.constant 0 : i32
        %dma_wait3A_200 = tpu.memref_slice %arg5[%dma_wait3A, %dma_wait3A_199] : memref<80x128xi32, #tpu.memory_space<vmem>> -> memref<1x128xi32, #tpu.memory_space<vmem>>
        %dma_wait3A_201 = tpu.memref_squeeze %dma_wait3A_200 : memref<1x128xi32, #tpu.memory_space<vmem>> -> memref<128xi32, #tpu.memory_space<vmem>>
        %dma_wait3A_202 = arith.constant 0 : i32
        %dma_wait3A_203 = tpu.memref_slice %arg8[%dma_wait3A_202] : memref<10016xf32, #tpu.memory_space<vmem_shared>> -> memref<10016xf32, #tpu.memory_space<vmem_shared>>
        tpu.wait_indirect_dma semaphore(%arg9 : memref<!tpu.dma_semaphore, #tpu.memory_space<semaphore_mem>>) src(%arg6 : memref<128xf32, #tpu.memory_space<vmem>>) dst(%dma_wait3A_203 : memref<10016xf32, #tpu.memory_space<vmem_shared>>)
      } else {
      }
      %mul3A_169 = arith.constant 8 : i32
      %mul3A_170 = arith.muli %add3A_39, %mul3A_169 : i32
      %add3A_171 = arith.addi %mul3A_14, %mul3A_170 : i32
      %add3A_172 = arith.constant 5 : i32
      %add3A_173 = arith.addi %add3A_171, %add3A_172 : i32
      %lt3A_174 = arith.constant 2500 : i32
      %lt3A_175 = arith.cmpi slt, %add3A_173, %lt3A_174 : i32
      %convert_element_type3A_176 = arith.extui %lt3A_175 : i1 to i32
      %cond3A_177 = arith.constant 0 : i32
      %cond3A_178 = arith.cmpi ne, %convert_element_type3A_176, %cond3A_177 : i32
      scf.if %cond3A_178 {
        %dma_wait3A = arith.constant 0 : i32
        %dma_wait3A_199 = arith.constant 0 : i32
        %dma_wait3A_200 = tpu.memref_slice %arg5[%dma_wait3A, %dma_wait3A_199] : memref<80x128xi32, #tpu.memory_space<vmem>> -> memref<1x128xi32, #tpu.memory_space<vmem>>
        %dma_wait3A_201 = tpu.memref_squeeze %dma_wait3A_200 : memref<1x128xi32, #tpu.memory_space<vmem>> -> memref<128xi32, #tpu.memory_space<vmem>>
        %dma_wait3A_202 = arith.constant 0 : i32
        %dma_wait3A_203 = tpu.memref_slice %arg8[%dma_wait3A_202] : memref<10016xf32, #tpu.memory_space<vmem_shared>> -> memref<10016xf32, #tpu.memory_space<vmem_shared>>
        tpu.wait_indirect_dma semaphore(%arg9 : memref<!tpu.dma_semaphore, #tpu.memory_space<semaphore_mem>>) src(%arg6 : memref<128xf32, #tpu.memory_space<vmem>>) dst(%dma_wait3A_203 : memref<10016xf32, #tpu.memory_space<vmem_shared>>)
      } else {
      }
      %mul3A_179 = arith.constant 8 : i32
      %mul3A_180 = arith.muli %add3A_39, %mul3A_179 : i32
      %add3A_181 = arith.addi %mul3A_14, %mul3A_180 : i32
      %add3A_182 = arith.constant 6 : i32
      %add3A_183 = arith.addi %add3A_181, %add3A_182 : i32
      %lt3A_184 = arith.constant 2500 : i32
      %lt3A_185 = arith.cmpi slt, %add3A_183, %lt3A_184 : i32
      %convert_element_type3A_186 = arith.extui %lt3A_185 : i1 to i32
      %cond3A_187 = arith.constant 0 : i32
      %cond3A_188 = arith.cmpi ne, %convert_element_type3A_186, %cond3A_187 : i32
      scf.if %cond3A_188 {
        %dma_wait3A = arith.constant 0 : i32
        %dma_wait3A_199 = arith.constant 0 : i32
        %dma_wait3A_200 = tpu.memref_slice %arg5[%dma_wait3A, %dma_wait3A_199] : memref<80x128xi32, #tpu.memory_space<vmem>> -> memref<1x128xi32, #tpu.memory_space<vmem>>
        %dma_wait3A_201 = tpu.memref_squeeze %dma_wait3A_200 : memref<1x128xi32, #tpu.memory_space<vmem>> -> memref<128xi32, #tpu.memory_space<vmem>>
        %dma_wait3A_202 = arith.constant 0 : i32
        %dma_wait3A_203 = tpu.memref_slice %arg8[%dma_wait3A_202] : memref<10016xf32, #tpu.memory_space<vmem_shared>> -> memref<10016xf32, #tpu.memory_space<vmem_shared>>
        tpu.wait_indirect_dma semaphore(%arg9 : memref<!tpu.dma_semaphore, #tpu.memory_space<semaphore_mem>>) src(%arg6 : memref<128xf32, #tpu.memory_space<vmem>>) dst(%dma_wait3A_203 : memref<10016xf32, #tpu.memory_space<vmem_shared>>)
      } else {
      }
      %mul3A_189 = arith.constant 8 : i32
      %mul3A_190 = arith.muli %add3A_39, %mul3A_189 : i32
      %add3A_191 = arith.addi %mul3A_14, %mul3A_190 : i32
      %add3A_192 = arith.constant 7 : i32
      %add3A_193 = arith.addi %add3A_191, %add3A_192 : i32
      %lt3A_194 = arith.constant 2500 : i32
      %lt3A_195 = arith.cmpi slt, %add3A_193, %lt3A_194 : i32
      %convert_element_type3A_196 = arith.extui %lt3A_195 : i1 to i32
      %cond3A_197 = arith.constant 0 : i32
      %cond3A_198 = arith.cmpi ne, %convert_element_type3A_196, %cond3A_197 : i32
      scf.if %cond3A_198 {
        %dma_wait3A = arith.constant 0 : i32
        %dma_wait3A_199 = arith.constant 0 : i32
        %dma_wait3A_200 = tpu.memref_slice %arg5[%dma_wait3A, %dma_wait3A_199] : memref<80x128xi32, #tpu.memory_space<vmem>> -> memref<1x128xi32, #tpu.memory_space<vmem>>
        %dma_wait3A_201 = tpu.memref_squeeze %dma_wait3A_200 : memref<1x128xi32, #tpu.memory_space<vmem>> -> memref<128xi32, #tpu.memory_space<vmem>>
        %dma_wait3A_202 = arith.constant 0 : i32
        %dma_wait3A_203 = tpu.memref_slice %arg8[%dma_wait3A_202] : memref<10016xf32, #tpu.memory_space<vmem_shared>> -> memref<10016xf32, #tpu.memory_space<vmem_shared>>
        tpu.wait_indirect_dma semaphore(%arg9 : memref<!tpu.dma_semaphore, #tpu.memory_space<semaphore_mem>>) src(%arg6 : memref<128xf32, #tpu.memory_space<vmem>>) dst(%dma_wait3A_203 : memref<10016xf32, #tpu.memory_space<vmem_shared>>)
      } else {
      }
    }
    %scan3A_23 = arith.constant 10 : i32
    %barrier3A_24 = arith.constant 0 : index
    tpu.barrier barrier_id(%barrier3A_24)
    %eq3A_25 = arith.constant 0 : i32
    %eq3A_26 = arith.cmpi eq, %arg0, %eq3A_25 : i32
    %convert_element_type3A_27 = arith.extui %eq3A_26 : i1 to i32
    %cond3A_28 = arith.constant 0 : i32
    %cond3A_29 = arith.cmpi ne, %convert_element_type3A_27, %cond3A_28 : i32
    scf.if %cond3A_29 {
      "tpu.region"() ({
        %run_scoped3A = tpu.sem_alloc : memref<!tpu.dma_semaphore, #tpu.memory_space<semaphore_mem>>
        %dma_start3A = arith.constant 0 : i32
        %dma_start3A_40 = tpu.memref_slice %arg7[%dma_start3A] : memref<640xf32, #tpu.memory_space<vmem>> -> memref<624xf32, #tpu.memory_space<vmem>>
        %dma_start3A_41 = tpu.memref_slice %arg8[%mul3A_16] : memref<10016xf32, #tpu.memory_space<vmem_shared>> -> memref<624xf32, #tpu.memory_space<vmem_shared>>
        %dma_start3A_42 = arith.constant 0 : i32
        %dma_start3A_43 = tpu.memref_slice %arg7[%dma_start3A_42] : memref<640xf32, #tpu.memory_space<vmem>> -> memref<624xf32, #tpu.memory_space<vmem>>
        %dma_start3A_44 = tpu.memref_slice %arg8[%mul3A_16] : memref<10016xf32, #tpu.memory_space<vmem_shared>> -> memref<624xf32, #tpu.memory_space<vmem_shared>>
        tpu.enqueue_dma source(%dma_start3A_44 : memref<624xf32, #tpu.memory_space<vmem_shared>>) target(%dma_start3A_43 : memref<624xf32, #tpu.memory_space<vmem>>) target_semaphore(%run_scoped3A : memref<!tpu.dma_semaphore, #tpu.memory_space<semaphore_mem>>)
        %dma_wait3A = arith.constant 0 : i32
        %dma_wait3A_45 = tpu.memref_slice %arg7[%dma_wait3A] : memref<640xf32, #tpu.memory_space<vmem>> -> memref<624xf32, #tpu.memory_space<vmem>>
        %dma_wait3A_46 = tpu.memref_slice %arg8[%mul3A_16] : memref<10016xf32, #tpu.memory_space<vmem_shared>> -> memref<624xf32, #tpu.memory_space<vmem_shared>>
        %dma_wait3A_47 = arith.constant 0 : i32
        %dma_wait3A_48 = tpu.memref_slice %arg7[%dma_wait3A_47] : memref<640xf32, #tpu.memory_space<vmem>> -> memref<624xf32, #tpu.memory_space<vmem>>
        %dma_wait3A_49 = tpu.memref_slice %arg8[%mul3A_16] : memref<10016xf32, #tpu.memory_space<vmem_shared>> -> memref<624xf32, #tpu.memory_space<vmem_shared>>
        tpu.wait_dma2 semaphore(%run_scoped3A : memref<!tpu.dma_semaphore, #tpu.memory_space<semaphore_mem>>) src(%dma_wait3A_49 : memref<624xf32, #tpu.memory_space<vmem_shared>>) dst(%dma_wait3A_48 : memref<624xf32, #tpu.memory_space<vmem>>)
        tpu.yield
      }) : () -> ()
      "tpu.region"() ({
        %run_scoped3A = tpu.sem_alloc : memref<!tpu.dma_semaphore, #tpu.memory_space<semaphore_mem>>
        %dma_start3A = arith.constant 0 : i32
        %dma_start3A_40 = tpu.memref_slice %arg7[%dma_start3A] : memref<640xf32, #tpu.memory_space<vmem>> -> memref<624xf32, #tpu.memory_space<vmem>>
        %dma_start3A_41 = tpu.memref_slice %arg3[%mul3A_16] : memref<10000xf32, #tpu.memory_space<hbm>> -> memref<624xf32, #tpu.memory_space<hbm>>
        %dma_start3A_42 = tpu.memref_slice %arg3[%mul3A_16] : memref<10000xf32, #tpu.memory_space<hbm>> -> memref<624xf32, #tpu.memory_space<hbm>>
        %dma_start3A_43 = arith.constant 0 : i32
        %dma_start3A_44 = tpu.memref_slice %arg7[%dma_start3A_43] : memref<640xf32, #tpu.memory_space<vmem>> -> memref<624xf32, #tpu.memory_space<vmem>>
        tpu.enqueue_dma source(%dma_start3A_44 : memref<624xf32, #tpu.memory_space<vmem>>) target(%dma_start3A_42 : memref<624xf32, #tpu.memory_space<hbm>>) target_semaphore(%run_scoped3A : memref<!tpu.dma_semaphore, #tpu.memory_space<semaphore_mem>>)
        %dma_wait3A = arith.constant 0 : i32
        %dma_wait3A_45 = tpu.memref_slice %arg7[%dma_wait3A] : memref<640xf32, #tpu.memory_space<vmem>> -> memref<624xf32, #tpu.memory_space<vmem>>
        %dma_wait3A_46 = tpu.memref_slice %arg3[%mul3A_16] : memref<10000xf32, #tpu.memory_space<hbm>> -> memref<624xf32, #tpu.memory_space<hbm>>
        %dma_wait3A_47 = tpu.memref_slice %arg3[%mul3A_16] : memref<10000xf32, #tpu.memory_space<hbm>> -> memref<624xf32, #tpu.memory_space<hbm>>
        %dma_wait3A_48 = arith.constant 0 : i32
        %dma_wait3A_49 = tpu.memref_slice %arg7[%dma_wait3A_48] : memref<640xf32, #tpu.memory_space<vmem>> -> memref<624xf32, #tpu.memory_space<vmem>>
        tpu.wait_dma2 semaphore(%run_scoped3A : memref<!tpu.dma_semaphore, #tpu.memory_space<semaphore_mem>>) src(%dma_wait3A_49 : memref<624xf32, #tpu.memory_space<vmem>>) dst(%dma_wait3A_47 : memref<624xf32, #tpu.memory_space<hbm>>)
        tpu.yield
      }) : () -> ()
      %eq3A_35 = arith.constant 15 : i32
      %eq3A_36 = arith.cmpi eq, %arg1, %eq3A_35 : i32
      %convert_element_type3A_37 = arith.extui %eq3A_36 : i1 to i32
      %cond3A_38 = arith.constant 0 : i32
      %cond3A_39 = arith.cmpi ne, %convert_element_type3A_37, %cond3A_38 : i32
      scf.if %cond3A_39 {
        "tpu.region"() ({
          %run_scoped3A = tpu.sem_alloc : memref<!tpu.dma_semaphore, #tpu.memory_space<semaphore_mem>>
          %dma_start3A = arith.constant 624 : i32
          %dma_start3A_40 = tpu.memref_slice %arg7[%dma_start3A] : memref<640xf32, #tpu.memory_space<vmem>> -> memref<16xf32, #tpu.memory_space<vmem>>
          %dma_start3A_41 = arith.constant 9984 : i32
          %dma_start3A_42 = tpu.memref_slice %arg8[%dma_start3A_41] : memref<10016xf32, #tpu.memory_space<vmem_shared>> -> memref<16xf32, #tpu.memory_space<vmem_shared>>
          %dma_start3A_43 = arith.constant 624 : i32
          %dma_start3A_44 = tpu.memref_slice %arg7[%dma_start3A_43] : memref<640xf32, #tpu.memory_space<vmem>> -> memref<16xf32, #tpu.memory_space<vmem>>
          %dma_start3A_45 = arith.constant 9984 : i32
          %dma_start3A_46 = tpu.memref_slice %arg8[%dma_start3A_45] : memref<10016xf32, #tpu.memory_space<vmem_shared>> -> memref<16xf32, #tpu.memory_space<vmem_shared>>
          tpu.enqueue_dma source(%dma_start3A_46 : memref<16xf32, #tpu.memory_space<vmem_shared>>) target(%dma_start3A_44 : memref<16xf32, #tpu.memory_space<vmem>>) target_semaphore(%run_scoped3A : memref<!tpu.dma_semaphore, #tpu.memory_space<semaphore_mem>>)
          %dma_wait3A = arith.constant 624 : i32
          %dma_wait3A_47 = tpu.memref_slice %arg7[%dma_wait3A] : memref<640xf32, #tpu.memory_space<vmem>> -> memref<16xf32, #tpu.memory_space<vmem>>
          %dma_wait3A_48 = arith.constant 9984 : i32
          %dma_wait3A_49 = tpu.memref_slice %arg8[%dma_wait3A_48] : memref<10016xf32, #tpu.memory_space<vmem_shared>> -> memref<16xf32, #tpu.memory_space<vmem_shared>>
          %dma_wait3A_50 = arith.constant 624 : i32
          %dma_wait3A_51 = tpu.memref_slice %arg7[%dma_wait3A_50] : memref<640xf32, #tpu.memory_space<vmem>> -> memref<16xf32, #tpu.memory_space<vmem>>
          %dma_wait3A_52 = arith.constant 9984 : i32
          %dma_wait3A_53 = tpu.memref_slice %arg8[%dma_wait3A_52] : memref<10016xf32, #tpu.memory_space<vmem_shared>> -> memref<16xf32, #tpu.memory_space<vmem_shared>>
          tpu.wait_dma2 semaphore(%run_scoped3A : memref<!tpu.dma_semaphore, #tpu.memory_space<semaphore_mem>>) src(%dma_wait3A_53 : memref<16xf32, #tpu.memory_space<vmem_shared>>) dst(%dma_wait3A_51 : memref<16xf32, #tpu.memory_space<vmem>>)
          tpu.yield
        }) : () -> ()
        "tpu.region"() ({
          %run_scoped3A = tpu.sem_alloc : memref<!tpu.dma_semaphore, #tpu.memory_space<semaphore_mem>>
          %dma_start3A = arith.constant 624 : i32
          %dma_start3A_40 = tpu.memref_slice %arg7[%dma_start3A] : memref<640xf32, #tpu.memory_space<vmem>> -> memref<16xf32, #tpu.memory_space<vmem>>
          %dma_start3A_41 = arith.constant 9984 : i32
          %dma_start3A_42 = tpu.memref_slice %arg3[%dma_start3A_41] : memref<10000xf32, #tpu.memory_space<hbm>> -> memref<16xf32, #tpu.memory_space<hbm>>
          %dma_start3A_43 = arith.constant 9984 : i32
          %dma_start3A_44 = tpu.memref_slice %arg3[%dma_start3A_43] : memref<10000xf32, #tpu.memory_space<hbm>> -> memref<16xf32, #tpu.memory_space<hbm>>
          %dma_start3A_45 = arith.constant 624 : i32
          %dma_start3A_46 = tpu.memref_slice %arg7[%dma_start3A_45] : memref<640xf32, #tpu.memory_space<vmem>> -> memref<16xf32, #tpu.memory_space<vmem>>
          tpu.enqueue_dma source(%dma_start3A_46 : memref<16xf32, #tpu.memory_space<vmem>>) target(%dma_start3A_44 : memref<16xf32, #tpu.memory_space<hbm>>) target_semaphore(%run_scoped3A : memref<!tpu.dma_semaphore, #tpu.memory_space<semaphore_mem>>)
          %dma_wait3A = arith.constant 624 : i32
          %dma_wait3A_47 = tpu.memref_slice %arg7[%dma_wait3A] : memref<640xf32, #tpu.memory_space<vmem>> -> memref<16xf32, #tpu.memory_space<vmem>>
          %dma_wait3A_48 = arith.constant 9984 : i32
          %dma_wait3A_49 = tpu.memref_slice %arg3[%dma_wait3A_48] : memref<10000xf32, #tpu.memory_space<hbm>> -> memref<16xf32, #tpu.memory_space<hbm>>
          %dma_wait3A_50 = arith.constant 9984 : i32
          %dma_wait3A_51 = tpu.memref_slice %arg3[%dma_wait3A_50] : memref<10000xf32, #tpu.memory_space<hbm>> -> memref<16xf32, #tpu.memory_space<hbm>>
          %dma_wait3A_52 = arith.constant 624 : i32
          %dma_wait3A_53 = tpu.memref_slice %arg7[%dma_wait3A_52] : memref<640xf32, #tpu.memory_space<vmem>> -> memref<16xf32, #tpu.memory_space<vmem>>
          tpu.wait_dma2 semaphore(%run_scoped3A : memref<!tpu.dma_semaphore, #tpu.memory_space<semaphore_mem>>) src(%dma_wait3A_53 : memref<16xf32, #tpu.memory_space<vmem>>) dst(%dma_wait3A_51 : memref<16xf32, #tpu.memory_space<hbm>>)
          tpu.yield
        }) : () -> ()
      } else {
      }
    } else {
    }
    %eq3A_30 = arith.constant 1 : i32
    %eq3A_31 = arith.cmpi eq, %arg0, %eq3A_30 : i32
    %convert_element_type3A_32 = arith.extui %eq3A_31 : i1 to i32
    %cond3A_33 = arith.constant 0 : i32
    %cond3A_34 = arith.cmpi ne, %convert_element_type3A_32, %cond3A_33 : i32
    scf.if %cond3A_34 {
      "tpu.region"() ({
        %run_scoped3A = tpu.sem_alloc : memref<!tpu.dma_semaphore, #tpu.memory_space<semaphore_mem>>
        %dma_start3A = arith.constant 0 : i32
        %dma_start3A_40 = tpu.memref_slice %arg7[%dma_start3A] : memref<640xf32, #tpu.memory_space<vmem>> -> memref<624xf32, #tpu.memory_space<vmem>>
        %dma_start3A_41 = tpu.memref_slice %arg8[%mul3A_16] : memref<10016xf32, #tpu.memory_space<vmem_shared>> -> memref<624xf32, #tpu.memory_space<vmem_shared>>
        %dma_start3A_42 = arith.constant 0 : i32
        %dma_start3A_43 = tpu.memref_slice %arg7[%dma_start3A_42] : memref<640xf32, #tpu.memory_space<vmem>> -> memref<624xf32, #tpu.memory_space<vmem>>
        %dma_start3A_44 = tpu.memref_slice %arg8[%mul3A_16] : memref<10016xf32, #tpu.memory_space<vmem_shared>> -> memref<624xf32, #tpu.memory_space<vmem_shared>>
        tpu.enqueue_dma source(%dma_start3A_44 : memref<624xf32, #tpu.memory_space<vmem_shared>>) target(%dma_start3A_43 : memref<624xf32, #tpu.memory_space<vmem>>) target_semaphore(%run_scoped3A : memref<!tpu.dma_semaphore, #tpu.memory_space<semaphore_mem>>)
        %dma_wait3A = arith.constant 0 : i32
        %dma_wait3A_45 = tpu.memref_slice %arg7[%dma_wait3A] : memref<640xf32, #tpu.memory_space<vmem>> -> memref<624xf32, #tpu.memory_space<vmem>>
        %dma_wait3A_46 = tpu.memref_slice %arg8[%mul3A_16] : memref<10016xf32, #tpu.memory_space<vmem_shared>> -> memref<624xf32, #tpu.memory_space<vmem_shared>>
        %dma_wait3A_47 = arith.constant 0 : i32
        %dma_wait3A_48 = tpu.memref_slice %arg7[%dma_wait3A_47] : memref<640xf32, #tpu.memory_space<vmem>> -> memref<624xf32, #tpu.memory_space<vmem>>
        %dma_wait3A_49 = tpu.memref_slice %arg8[%mul3A_16] : memref<10016xf32, #tpu.memory_space<vmem_shared>> -> memref<624xf32, #tpu.memory_space<vmem_shared>>
        tpu.wait_dma2 semaphore(%run_scoped3A : memref<!tpu.dma_semaphore, #tpu.memory_space<semaphore_mem>>) src(%dma_wait3A_49 : memref<624xf32, #tpu.memory_space<vmem_shared>>) dst(%dma_wait3A_48 : memref<624xf32, #tpu.memory_space<vmem>>)
        tpu.yield
      }) : () -> ()
      "tpu.region"() ({
        %run_scoped3A = tpu.sem_alloc : memref<!tpu.dma_semaphore, #tpu.memory_space<semaphore_mem>>
        %dma_start3A = arith.constant 0 : i32
        %dma_start3A_40 = tpu.memref_slice %arg7[%dma_start3A] : memref<640xf32, #tpu.memory_space<vmem>> -> memref<624xf32, #tpu.memory_space<vmem>>
        %dma_start3A_41 = tpu.memref_slice %arg4[%mul3A_16] : memref<10000xf32, #tpu.memory_space<hbm>> -> memref<624xf32, #tpu.memory_space<hbm>>
        %dma_start3A_42 = tpu.memref_slice %arg4[%mul3A_16] : memref<10000xf32, #tpu.memory_space<hbm>> -> memref<624xf32, #tpu.memory_space<hbm>>
        %dma_start3A_43 = arith.constant 0 : i32
        %dma_start3A_44 = tpu.memref_slice %arg7[%dma_start3A_43] : memref<640xf32, #tpu.memory_space<vmem>> -> memref<624xf32, #tpu.memory_space<vmem>>
        tpu.enqueue_dma source(%dma_start3A_44 : memref<624xf32, #tpu.memory_space<vmem>>) target(%dma_start3A_42 : memref<624xf32, #tpu.memory_space<hbm>>) target_semaphore(%run_scoped3A : memref<!tpu.dma_semaphore, #tpu.memory_space<semaphore_mem>>)
        %dma_wait3A = arith.constant 0 : i32
        %dma_wait3A_45 = tpu.memref_slice %arg7[%dma_wait3A] : memref<640xf32, #tpu.memory_space<vmem>> -> memref<624xf32, #tpu.memory_space<vmem>>
        %dma_wait3A_46 = tpu.memref_slice %arg4[%mul3A_16] : memref<10000xf32, #tpu.memory_space<hbm>> -> memref<624xf32, #tpu.memory_space<hbm>>
        %dma_wait3A_47 = tpu.memref_slice %arg4[%mul3A_16] : memref<10000xf32, #tpu.memory_space<hbm>> -> memref<624xf32, #tpu.memory_space<hbm>>
        %dma_wait3A_48 = arith.constant 0 : i32
        %dma_wait3A_49 = tpu.memref_slice %arg7[%dma_wait3A_48] : memref<640xf32, #tpu.memory_space<vmem>> -> memref<624xf32, #tpu.memory_space<vmem>>
        tpu.wait_dma2 semaphore(%run_scoped3A : memref<!tpu.dma_semaphore, #tpu.memory_space<semaphore_mem>>) src(%dma_wait3A_49 : memref<624xf32, #tpu.memory_space<vmem>>) dst(%dma_wait3A_47 : memref<624xf32, #tpu.memory_space<hbm>>)
        tpu.yield
      }) : () -> ()
      %eq3A_35 = arith.constant 15 : i32
      %eq3A_36 = arith.cmpi eq, %arg1, %eq3A_35 : i32
      %convert_element_type3A_37 = arith.extui %eq3A_36 : i1 to i32
      %cond3A_38 = arith.constant 0 : i32
      %cond3A_39 = arith.cmpi ne, %convert_element_type3A_37, %cond3A_38 : i32
      scf.if %cond3A_39 {
        "tpu.region"() ({
          %run_scoped3A = tpu.sem_alloc : memref<!tpu.dma_semaphore, #tpu.memory_space<semaphore_mem>>
          %dma_start3A = arith.constant 624 : i32
          %dma_start3A_40 = tpu.memref_slice %arg7[%dma_start3A] : memref<640xf32, #tpu.memory_space<vmem>> -> memref<16xf32, #tpu.memory_space<vmem>>
          %dma_start3A_41 = arith.constant 9984 : i32
          %dma_start3A_42 = tpu.memref_slice %arg8[%dma_start3A_41] : memref<10016xf32, #tpu.memory_space<vmem_shared>> -> memref<16xf32, #tpu.memory_space<vmem_shared>>
          %dma_start3A_43 = arith.constant 624 : i32
          %dma_start3A_44 = tpu.memref_slice %arg7[%dma_start3A_43] : memref<640xf32, #tpu.memory_space<vmem>> -> memref<16xf32, #tpu.memory_space<vmem>>
          %dma_start3A_45 = arith.constant 9984 : i32
          %dma_start3A_46 = tpu.memref_slice %arg8[%dma_start3A_45] : memref<10016xf32, #tpu.memory_space<vmem_shared>> -> memref<16xf32, #tpu.memory_space<vmem_shared>>
          tpu.enqueue_dma source(%dma_start3A_46 : memref<16xf32, #tpu.memory_space<vmem_shared>>) target(%dma_start3A_44 : memref<16xf32, #tpu.memory_space<vmem>>) target_semaphore(%run_scoped3A : memref<!tpu.dma_semaphore, #tpu.memory_space<semaphore_mem>>)
          %dma_wait3A = arith.constant 624 : i32
          %dma_wait3A_47 = tpu.memref_slice %arg7[%dma_wait3A] : memref<640xf32, #tpu.memory_space<vmem>> -> memref<16xf32, #tpu.memory_space<vmem>>
          %dma_wait3A_48 = arith.constant 9984 : i32
          %dma_wait3A_49 = tpu.memref_slice %arg8[%dma_wait3A_48] : memref<10016xf32, #tpu.memory_space<vmem_shared>> -> memref<16xf32, #tpu.memory_space<vmem_shared>>
          %dma_wait3A_50 = arith.constant 624 : i32
          %dma_wait3A_51 = tpu.memref_slice %arg7[%dma_wait3A_50] : memref<640xf32, #tpu.memory_space<vmem>> -> memref<16xf32, #tpu.memory_space<vmem>>
          %dma_wait3A_52 = arith.constant 9984 : i32
          %dma_wait3A_53 = tpu.memref_slice %arg8[%dma_wait3A_52] : memref<10016xf32, #tpu.memory_space<vmem_shared>> -> memref<16xf32, #tpu.memory_space<vmem_shared>>
          tpu.wait_dma2 semaphore(%run_scoped3A : memref<!tpu.dma_semaphore, #tpu.memory_space<semaphore_mem>>) src(%dma_wait3A_53 : memref<16xf32, #tpu.memory_space<vmem_shared>>) dst(%dma_wait3A_51 : memref<16xf32, #tpu.memory_space<vmem>>)
          tpu.yield
        }) : () -> ()
        "tpu.region"() ({
          %run_scoped3A = tpu.sem_alloc : memref<!tpu.dma_semaphore, #tpu.memory_space<semaphore_mem>>
          %dma_start3A = arith.constant 624 : i32
          %dma_start3A_40 = tpu.memref_slice %arg7[%dma_start3A] : memref<640xf32, #tpu.memory_space<vmem>> -> memref<16xf32, #tpu.memory_space<vmem>>
          %dma_start3A_41 = arith.constant 9984 : i32
          %dma_start3A_42 = tpu.memref_slice %arg4[%dma_start3A_41] : memref<10000xf32, #tpu.memory_space<hbm>> -> memref<16xf32, #tpu.memory_space<hbm>>
          %dma_start3A_43 = arith.constant 9984 : i32
          %dma_start3A_44 = tpu.memref_slice %arg4[%dma_start3A_43] : memref<10000xf32, #tpu.memory_space<hbm>> -> memref<16xf32, #tpu.memory_space<hbm>>
          %dma_start3A_45 = arith.constant 624 : i32
          %dma_start3A_46 = tpu.memref_slice %arg7[%dma_start3A_45] : memref<640xf32, #tpu.memory_space<vmem>> -> memref<16xf32, #tpu.memory_space<vmem>>
          tpu.enqueue_dma source(%dma_start3A_46 : memref<16xf32, #tpu.memory_space<vmem>>) target(%dma_start3A_44 : memref<16xf32, #tpu.memory_space<hbm>>) target_semaphore(%run_scoped3A : memref<!tpu.dma_semaphore, #tpu.memory_space<semaphore_mem>>)
          %dma_wait3A = arith.constant 624 : i32
          %dma_wait3A_47 = tpu.memref_slice %arg7[%dma_wait3A] : memref<640xf32, #tpu.memory_space<vmem>> -> memref<16xf32, #tpu.memory_space<vmem>>
          %dma_wait3A_48 = arith.constant 9984 : i32
          %dma_wait3A_49 = tpu.memref_slice %arg4[%dma_wait3A_48] : memref<10000xf32, #tpu.memory_space<hbm>> -> memref<16xf32, #tpu.memory_space<hbm>>
          %dma_wait3A_50 = arith.constant 9984 : i32
          %dma_wait3A_51 = tpu.memref_slice %arg4[%dma_wait3A_50] : memref<10000xf32, #tpu.memory_space<hbm>> -> memref<16xf32, #tpu.memory_space<hbm>>
          %dma_wait3A_52 = arith.constant 624 : i32
          %dma_wait3A_53 = tpu.memref_slice %arg7[%dma_wait3A_52] : memref<640xf32, #tpu.memory_space<vmem>> -> memref<16xf32, #tpu.memory_space<vmem>>
          tpu.wait_dma2 semaphore(%run_scoped3A : memref<!tpu.dma_semaphore, #tpu.memory_space<semaphore_mem>>) src(%dma_wait3A_53 : memref<16xf32, #tpu.memory_space<vmem>>) dst(%dma_wait3A_51 : memref<16xf32, #tpu.memory_space<hbm>>)
          tpu.yield
        }) : () -> ()
      } else {
      }
    } else {
    }
    return
  }
}

module attributes {stable_mosaic.version = 14 : i64} {
  func.func @body(%arg0: i32, %arg1: memref<2000x128xf32, #tpu.memory_space<vmem>>, %arg2: memref<128x128xf32, #tpu.memory_space<vmem>>, %arg3: memref<2000x1xf32, #tpu.memory_space<vmem>>, %arg4: memref<2000x1xf32, #tpu.memory_space<vmem>>, %arg5: memref<2000x128xf32, #tpu.memory_space<vmem>>) attributes {dimension_semantics = [#tpu.dimension_semantics<arbitrary>], iteration_bounds = array<i64: 5>, scalar_prefetch = 0 : i64, scratch_operands = 0 : i64, tpu.core_type = #tpu.core_type<tc>, window_params = [{transform_indices = @transform_0, window_bounds = array<i64: 2000, 128>}, {pipeline_mode = #tpu.pipeline_mode<synchronous>, transform_indices = @transform_1, window_bounds = array<i64: 128, 128>}, {transform_indices = @transform_2, window_bounds = array<i64: 2000, 1>}, {transform_indices = @transform_3, window_bounds = array<i64: 2000, 1>}, {transform_indices = @transform_4, window_bounds = array<i64: 2000, 128>}]} {
    %get3A = arith.constant 0 : index
    %get3A_0 = arith.constant 0 : index
    %get3A_1 = vector.load %arg3[%get3A, %get3A_0] : memref<2000x1xf32, #tpu.memory_space<vmem>>, vector<2000x1xf32>
    %get3A_2 = arith.constant 0 : index
    %get3A_3 = arith.constant 0 : index
    %get3A_4 = vector.load %arg4[%get3A_2, %get3A_3] : memref<2000x1xf32, #tpu.memory_space<vmem>>, vector<2000x1xf32>
    %add3A = arith.addf %get3A_1, %get3A_4 : vector<2000x1xf32>
    %gt3A = arith.constant 0.000000e+00 : f32
    %gt3A_5 = vector.broadcast %gt3A : f32 to vector<2000x1xf32>
    %gt3A_6 = arith.cmpf ogt, %add3A, %gt3A_5 : vector<2000x1xf32>
    %max3A = arith.constant 9.99999996E-13 : f32
    %max3A_7 = vector.broadcast %max3A : f32 to vector<2000x1xf32>
    %max3A_8 = arith.maximumf %add3A, %max3A_7 : vector<2000x1xf32>
    %rsqrt3A = math.rsqrt %max3A_8 : vector<2000x1xf32>
    %jit3A = arith.constant 0.000000e+00 : f32
    %broadcast_in_dim3A = vector.broadcast %jit3A : f32 to vector<2000x1xf32>
    %select_n3A = arith.select %gt3A_6, %rsqrt3A, %broadcast_in_dim3A : vector<2000x1xi1>, vector<2000x1xf32>
    %get3A_9 = arith.constant 0 : index
    %get3A_10 = arith.constant 0 : index
    %get3A_11 = vector.load %arg1[%get3A_9, %get3A_10] : memref<2000x128xf32, #tpu.memory_space<vmem>>, vector<2000x128xf32>
    %get3A_12 = arith.constant 0 : index
    %get3A_13 = arith.constant 0 : index
    %get3A_14 = vector.load %arg2[%get3A_12, %get3A_13] : memref<128x128xf32, #tpu.memory_space<vmem>>, vector<128x128xf32>
    %dot_general3A = arith.constant dense<0.000000e+00> : vector<2000x128xf32>
    %dot_general3A_15 = tpu.matmul %get3A_11, %get3A_14, %dot_general3A {dimension_numbers = #tpu.dot_dimension_numbers<[1], [0], [0], [1], [0, 0, 1, 1], [], []>, transpose_lhs_hint = false} : vector<2000x128xf32>, vector<128x128xf32>, vector<2000x128xf32> -> vector<2000x128xf32>
    %mul3A = vector.broadcast %select_n3A : vector<2000x1xf32> to vector<2000x128xf32>
    %mul3A_16 = arith.mulf %dot_general3A_15, %mul3A : vector<2000x128xf32>
    %swap3A = arith.constant 0 : index
    %swap3A_17 = arith.constant 0 : index
    %swap3A_18 = vector.load %arg5[%swap3A, %swap3A_17] : memref<2000x128xf32, #tpu.memory_space<vmem>>, vector<2000x128xf32>
    tpu.vector_store %arg5[%swap3A, %swap3A_17], %mul3A_16 {strides = array<i32>} : memref<2000x128xf32, #tpu.memory_space<vmem>>, vector<2000x128xf32>,
    return
  }
  func.func @transform_0(%arg0: i32) -> (i32, i32) {
    %c0_i32 = arith.constant 0 : i32
    %c0_i32_0 = arith.constant 0 : i32
    return %arg0, %c0_i32 : i32, i32
  }
  func.func @transform_1(%arg0: i32) -> (i32, i32) {
    %c0_i32 = arith.constant 0 : i32
    %c0_i32_0 = arith.constant 0 : i32
    %c0_i32_1 = arith.constant 0 : i32
    return %c0_i32, %c0_i32_0 : i32, i32
  }
  func.func @transform_2(%arg0: i32) -> (i32, i32) {
    %c0_i32 = arith.constant 0 : i32
    %c0_i32_0 = arith.constant 0 : i32
    return %arg0, %c0_i32 : i32, i32
  }
  func.func @transform_3(%arg0: i32) -> (i32, i32) {
    %c0_i32 = arith.constant 0 : i32
    %c0_i32_0 = arith.constant 0 : i32
    return %arg0, %c0_i32 : i32, i32
  }
  func.func @transform_4(%arg0: i32) -> (i32, i32) {
    %c0_i32 = arith.constant 0 : i32
    %c0_i32_0 = arith.constant 0 : i32
    return %arg0, %c0_i32 : i32, i32
  }
}

module attributes {stable_mosaic.version = 14 : i64} {
  func.func @body(%arg0: i32, %arg1: memref<2x2000x128xf32, #tpu.memory_space<vmem>>, %arg2: memref<2000x1xf32, #tpu.memory_space<vmem>>, %arg3: memref<2000x1xf32, #tpu.memory_space<vmem>>, %arg4: memref<1x128xf32, #tpu.memory_space<vmem>>, %arg5: memref<2000x128xf32, #tpu.memory_space<vmem>>) attributes {dimension_semantics = [#tpu.dimension_semantics<arbitrary>], iteration_bounds = array<i64: 5>, scalar_prefetch = 0 : i64, scratch_operands = 0 : i64, tpu.core_type = #tpu.core_type<tc>, window_params = [{transform_indices = @transform_0, window_bounds = array<i64: 2, 2000, 128>}, {transform_indices = @transform_1, window_bounds = array<i64: 2000, 1>}, {transform_indices = @transform_2, window_bounds = array<i64: 2000, 1>}, {pipeline_mode = #tpu.pipeline_mode<synchronous>, transform_indices = @transform_3, window_bounds = array<i64: 1, 128>}, {transform_indices = @transform_4, window_bounds = array<i64: 2000, 128>}]} {
    %get3A = arith.constant 0 : index
    %get3A_0 = arith.constant 0 : index
    %get3A_1 = vector.load %arg2[%get3A, %get3A_0] : memref<2000x1xf32, #tpu.memory_space<vmem>>, vector<2000x1xf32>
    %get3A_2 = arith.constant 0 : index
    %get3A_3 = arith.constant 0 : index
    %get3A_4 = vector.load %arg3[%get3A_2, %get3A_3] : memref<2000x1xf32, #tpu.memory_space<vmem>>, vector<2000x1xf32>
    %add3A = arith.addf %get3A_1, %get3A_4 : vector<2000x1xf32>
    %gt3A = arith.constant 0.000000e+00 : f32
    %gt3A_5 = vector.broadcast %gt3A : f32 to vector<2000x1xf32>
    %gt3A_6 = arith.cmpf ogt, %add3A, %gt3A_5 : vector<2000x1xf32>
    %max3A = arith.constant 9.99999996E-13 : f32
    %max3A_7 = vector.broadcast %max3A : f32 to vector<2000x1xf32>
    %max3A_8 = arith.maximumf %add3A, %max3A_7 : vector<2000x1xf32>
    %rsqrt3A = math.rsqrt %max3A_8 : vector<2000x1xf32>
    %jit3A = arith.constant 0.000000e+00 : f32
    %broadcast_in_dim3A = vector.broadcast %jit3A : f32 to vector<2000x1xf32>
    %select_n3A = arith.select %gt3A_6, %rsqrt3A, %broadcast_in_dim3A : vector<2000x1xi1>, vector<2000x1xf32>
    %get3A_9 = arith.constant 0 : index
    %get3A_10 = arith.constant 0 : index
    %get3A_11 = arith.constant 0 : index
    %get3A_12 = vector.load %arg1[%get3A_9, %get3A_10, %get3A_11] : memref<2x2000x128xf32, #tpu.memory_space<vmem>>, vector<1x2000x128xf32>
    %get3A_13 = vector.shape_cast %get3A_12 : vector<1x2000x128xf32> to vector<2000x128xf32>
    %get3A_14 = arith.constant 1 : index
    %get3A_15 = arith.constant 0 : index
    %get3A_16 = arith.constant 0 : index
    %get3A_17 = vector.load %arg1[%get3A_14, %get3A_15, %get3A_16] : memref<2x2000x128xf32, #tpu.memory_space<vmem>>, vector<1x2000x128xf32>
    %get3A_18 = vector.shape_cast %get3A_17 : vector<1x2000x128xf32> to vector<2000x128xf32>
    %add3A_19 = arith.addf %get3A_13, %get3A_18 : vector<2000x128xf32>
    %mul3A = vector.broadcast %select_n3A : vector<2000x1xf32> to vector<2000x128xf32>
    %mul3A_20 = arith.mulf %add3A_19, %mul3A : vector<2000x128xf32>
    %get3A_21 = arith.constant 0 : index
    %get3A_22 = arith.constant 0 : index
    %get3A_23 = vector.load %arg4[%get3A_21, %get3A_22] : memref<1x128xf32, #tpu.memory_space<vmem>>, vector<1x128xf32>
    %add3A_24 = vector.broadcast %get3A_23 : vector<1x128xf32> to vector<2000x128xf32>
    %add3A_25 = arith.addf %mul3A_20, %add3A_24 : vector<2000x128xf32>
    %swap3A = arith.constant 0 : index
    %swap3A_26 = arith.constant 0 : index
    %swap3A_27 = vector.load %arg5[%swap3A, %swap3A_26] : memref<2000x128xf32, #tpu.memory_space<vmem>>, vector<2000x128xf32>
    tpu.vector_store %arg5[%swap3A, %swap3A_26], %add3A_25 {strides = array<i32>} : memref<2000x128xf32, #tpu.memory_space<vmem>>, vector<2000x128xf32>,
    return
  }
  func.func @transform_0(%arg0: i32) -> (i32, i32, i32) {
    %c0_i32 = arith.constant 0 : i32
    %c0_i32_0 = arith.constant 0 : i32
    %c0_i32_1 = arith.constant 0 : i32
    return %c0_i32, %arg0, %c0_i32_0 : i32, i32, i32
  }
  func.func @transform_1(%arg0: i32) -> (i32, i32) {
    %c0_i32 = arith.constant 0 : i32
    %c0_i32_0 = arith.constant 0 : i32
    return %arg0, %c0_i32 : i32, i32
  }
  func.func @transform_2(%arg0: i32) -> (i32, i32) {
    %c0_i32 = arith.constant 0 : i32
    %c0_i32_0 = arith.constant 0 : i32
    return %arg0, %c0_i32 : i32, i32
  }
  func.func @transform_3(%arg0: i32) -> (i32, i32) {
    %c0_i32 = arith.constant 0 : i32
    %c0_i32_0 = arith.constant 0 : i32
    %c0_i32_1 = arith.constant 0 : i32
    return %c0_i32, %c0_i32_0 : i32, i32
  }
  func.func @transform_4(%arg0: i32) -> (i32, i32) {
    %c0_i32 = arith.constant 0 : i32
    %c0_i32_0 = arith.constant 0 : i32
    return %arg0, %c0_i32 : i32, i32
  }
}

</mosaic_0001>

<sc_bundles>
// kernel: kernel.6.cloned.1.call-start
scs
__scs_entry_jumppad:
0x0: {  	(pc) =	sbr.rel $0x88, $3  }
0x1: {  	(tag) =	ssettag $0x0;
	lr =	simm.s32 $0x1  }
0x2: {  	[smem:$0x3F9D] =	sst lr;
	_ =	strace $0xD0000000  }
0x3: {  	_ = 	snop  }
0x4: {  	_ = 	snop  }
0x5: {  	_ = 	snop  }
0x6: {  	_ = 	snop  }
0x7: {  	_ = 	snop  }
__scs_overlays_trampoline_lowered:
0x8: {  	[smem:$0x3FAC] =	sst s0  }
0x9: {  	[smem:$0x3FAD] =	sst s1  }
0xa: {  	[smem:$0x3FAE] =	sst s2  }
0xb: {  	[smem:$0x3FAF] =	sst s3  }
0xc: {  	[smem:$0x3FB0] =	sst s4  }
0xd: {  	[smem:$0x3FB1] =	sst s5  }
0xe: {  	[smem:$0x3FB2] =	sst s6  }
0xf: {  	[smem:$0x3FB3] =	sst s7  }
0x10: {  	[smem:$0x3FB4] =	sst s8  }
0x11: {  	[smem:$0x3FB5] =	sst s9;
	s0 =	simm.s32 @!p0 $0x0  }
0x12: {  	s1 =	sld [smem:$0x3F9B];
	s0 =	simm.s32 @p0 $0x1  }
0x13: {  	[smem:$0x3FB6] =	sst s0;
	s0 =	simm.s32 @!p1 $0x0  }
0x14: {  	s2 =	sld [smem:$0x3F9A];
	s0 =	simm.s32 @p1 $0x1  }
0x15: {  	[smem:$0x3FB7] =	sst s0;
	s0 =	simm.s32 @!p2 $0x0  }
0x16: {  	s3 =	sld [smem:$0x3FDB];
	s0 =	simm.s32 @p2 $0x1  }
0x17: {  	s4 =	simm.s32 $0x1BF5;
	[smem:$0x3FB9] =	sst s0  }
0x18: {  	s0 =	sld [smem:$0x3F9C];
	_ =	swait.ge [sflag:s4], $0x0  }
0x19: {  	s7 =	sld [smem:$0x3F9D]  }
0x1a: {  	s8 =	sadd.s32 $0xFFFFE003, lr  }
0x1b: {  	s9 =	sadd.s32 $0xFFFFFEF7, lr;
	s5 =	simm.s32 $0xFFFFFFFF;
	p2 =	slt.u32 s8, $0xFFFFF086  }
0x1c: {  	p1 =	slt.u32 s9, $0xF7A;
	s5 =	simm.s32 @!p2 $0x0  }
0x1d: {  	s5 =	simm.s32 @p1 $0x1;
	p0 =	seq.s32 s7, s2  }
0x1e: {  	s7 =	smul.u32 @!p0 $0xF7A, s2;
	p2 =	seq.s32 @!p0 s5, $0x0  }
0x1f: {  	s9 =	smul.u32 $0xF7A, s1;
	s8 =	simm.s32 @!p0 $0x1BF5;
	p2 =	por !p2, p0  }
0x20: {  	[sflag:s8] =	ssyncset.s32 @!p0 $0xFFFFF086;
	s6 =	sadd.s32 @!p0 s3, s7;
	s7 =	simm.s32 @!p0 $0x108  }
0x21: {  	s3 =	sadd.s32 s3, s9;
	s6 =	sadd.s32 @!p0 $0x88, s6;
	s7 =	simm.s32 @p2 $0x1082  }
0x22: {  	[simem:s7], [sflag:s8] =	dma.local @!p0 [hbm:s6], $0xF7A  }
0x23: {  	s9 =	sor.u32 $0xD0000000, s2;
	s6 =	simm.s32 $0x108;
	_ =	swait.ge @!p0 [sflag:s8], $0x0  }
0x24: {  	s3 =	sadd.s32 $0x88, s3;
	s6 =	simm.s32 @!p1 $0x1082;
	[sflag:s4] =	ssyncset.s32 $0xFFFFF086  }
0x25: {  	[simem:s6], [sflag:s4] =	dma.local [hbm:s3], $0xF7A  }
0x26: {  	[smem:$0x3F9D] =	sst s1;
	(tag) =	ssettag s2;
	_ =	strace s9  }
0x27: {  	s1 =	sld [smem:$0x3FAD]  }
0x28: {  	s2 =	sld [smem:$0x3FAE]  }
0x29: {  	s4 =	sld [smem:$0x3FB0]  }
0x2a: {  	p0 =	seq.s32 s5, $0x0;
	s5 =	sld [smem:$0x3FB1]  }
0x2b: {  	s6 =	sld [smem:$0x3FB2]  }
0x2c: {  	s7 =	sld [smem:$0x3FB3]  }
0x2d: {  	s3 =	simm.s32 $0x108;
	s8 =	sld [smem:$0x3FB4]  }
0x2e: {  	s3 =	simm.s32 @!p0 $0x1082;
	s9 =	sld [smem:$0x3FB5]  }
0x2f: {  	lr =	sadd.s32 s0, s3;
	s0 =	sld [smem:$0x3FAC]  }
0x30: {  	s3 =	sld [smem:$0x3FAF]  }
0x31: {  	[smem:$0x3FB8] =	sst s10  }
0x32: {  	s10 =	sld [smem:$0x3FB6];
	_ =	sdelay $0x3  }
0x33: {  	p0 =	seq.s32 s10, $0x1;
	s10 =	sld [smem:$0x3FB8];
	_ =	sdelay $0x3  }
0x34: {  	[smem:$0x3FB8] =	sst s10  }
0x35: {  	s10 =	sld [smem:$0x3FB7];
	_ =	sdelay $0x3  }
0x36: {  	p1 =	seq.s32 s10, $0x1;
	s10 =	sld [smem:$0x3FB8];
	_ =	sdelay $0x3  }
0x37: {  	[smem:$0x3FB8] =	sst s10  }
0x38: {  	s10 =	sld [smem:$0x3FB9]  }
0x39: {  	_ = 	snop;
	(pc) =	sbr.ind lr, $3  }
0x3a: {  	_ = 	snop  }
0x3b: {  	_ = 	snop  }
0x3c: {  	p2 =	seq.s32 s10, $0x1;
	s10 =	sld [smem:$0x3FB8]  }
0x3d: {  	_ =	shalt  }
0x3e: {  	_ =	shalt  }
0x3f: {  	_ =	shalt  }
0x40: {  	_ =	shalt  }
0x41: {  	_ =	shalt  }
0x42: {  	_ =	shalt  }
0x43: {  	_ =	shalt  }
0x44: {  	_ =	shalt  }
0x45: {  	_ =	shalt  }
0x46: {  	_ =	shalt  }
0x47: {  	_ =	shalt  }
0x48: {  	_ =	shalt  }
0x49: {  	_ =	shalt  }
0x4a: {  	_ =	shalt  }
0x4b: {  	_ =	shalt  }
0x4c: {  	_ =	shalt  }
0x4d: {  	_ =	shalt  }
0x4e: {  	_ =	shalt  }
0x4f: {  	_ =	shalt  }
0x50: {  	_ =	shalt  }
0x51: {  	_ =	shalt  }
0x52: {  	_ =	shalt  }
0x53: {  	_ =	shalt  }
0x54: {  	_ =	shalt  }
0x55: {  	_ =	shalt  }
0x56: {  	_ =	shalt  }
0x57: {  	_ =	shalt  }
0x58: {  	_ =	shalt  }
0x59: {  	_ =	shalt  }
0x5a: {  	_ =	shalt  }
0x5b: {  	_ =	shalt  }
0x5c: {  	_ =	shalt  }
0x5d: {  	_ =	shalt  }
0x5e: {  	_ =	shalt  }
0x5f: {  	_ =	shalt  }
0x60: {  	_ =	shalt  }
0x61: {  	_ =	shalt  }
0x62: {  	_ =	shalt  }
0x63: {  	_ =	shalt  }
0x64: {  	_ =	shalt  }
0x65: {  	_ =	shalt  }
0x66: {  	_ =	shalt  }
0x67: {  	_ =	shalt  }
0x68: {  	_ =	shalt  }
0x69: {  	_ =	shalt  }
0x6a: {  	_ =	shalt  }
0x6b: {  	_ =	shalt  }
0x6c: {  	_ =	shalt  }
0x6d: {  	_ =	shalt  }
0x6e: {  	_ =	shalt  }
0x6f: {  	_ =	shalt  }
0x70: {  	_ =	shalt  }
0x71: {  	_ =	shalt  }
0x72: {  	_ =	shalt  }
0x73: {  	_ =	shalt  }
0x74: {  	_ =	shalt  }
0x75: {  	_ =	shalt  }
0x76: {  	_ =	shalt  }
0x77: {  	_ =	shalt  }
0x78: {  	_ =	shalt  }
0x79: {  	_ =	shalt  }
0x7a: {  	_ =	shalt  }
0x7b: {  	_ =	shalt  }
0x7c: {  	_ =	shalt  }
0x7d: {  	_ =	shalt  }
0x7e: {  	_ =	shalt  }
0x7f: {  	_ =	shalt  }
0x80: {  	_ =	shalt  }
0x81: {  	_ =	shalt  }
0x82: {  	_ =	shalt  }
0x83: {  	_ =	shalt  }
0x84: {  	_ =	shalt  }
0x85: {  	_ =	shalt  }
0x86: {  	_ =	shalt  }
0x87: {  	_ =	shalt  }
.Lfunc_end0:
.L_simem_size_0:
called_computation_lowered:
.L_overlay_start_0:
0x88: {  	s2 =	sld [smem:$0x3FD9]  }
0x89: {  	s3 =	sld [smem:$0x3FFE];
	_ =	sdelay $0x1  }
0x8a: {  	s1 =	srdreg.scid  }
0x8b: {  	s0 =	sand.u32 $0x1, s1  }
0x8c: {  	s17 =	sshll.u32 s0, $0xA;
	s2 =	sadd.s32 s3, s2  }
0x8d: {  	s2 =	sadd.s32 s2, s17  }
0x8e: {  	[smem:$0x3FC4] =	sst s2  }
0x8f: {  	_ = 	snop  }
0x90: {  	s2 =	sld [smem:$0x3FD0];
	(tm) =	ssettm $0x1  }
0x91: {  	s18 =	sld [smem:$0x3FFB];
	_ =	sdelay $0x3  }
0x92: {  	_ =	strace s18  }
0x93: {  	s3 =	sld [smem:$0x3FFC];
	_ =	sdelay $0x3  }
0x94: {  	_ =	strace s3  }
0x95: {  	s3 =	sld [smem:$0x3FFD];
	_ =	sdelay $0x3  }
0x96: {  	_ =	strace s3  }
0x97: {  	_ =	strace $0x8FFFFFFF  }
0x98: {  	s19 =	sld [smem:$0x3FDB];
	_ =	sdelay $0x1  }
0x99: {  	s4 =	simm.s32 $_scs_section_size  }
0x9a: {  	s5 =	simm.s32 $_size__tile_overlayer_lowered;
	s6 =	simm.s32 $_tile_overlayer_lowered  }
0x9b: {  	s22 =	simm.s32 $0x1BFF;
	s21 =	sshll.u32 s6, $0x1;
	s3 =	sadd.s32 s4, s19  }
0x9c: {  	s7 =	simm.s32 $0x0;
	s20 =	sshll.u32 s5, $0x1;
	s5 =	sadd.s32 s21, s3  }
0x9d: {  	[timem:s7], [sflag:s22] =	dma.local [hbm:s5], s20  }
0x9e: {  	_ =	swait.ge [sflag:s22], s20  }
0x9f: {  	s4 =	ssub.s32 $0x0, s20;
	[sflag:s22] =	ssyncset.done $0x0  }
0xa0: {  	[sflag:s22] =	ssyncadd.s32 s4;
	_ =	sdelay $0x1  }
0xa1: {  	s23 =	simm.s32 $0x1B8B  }
0xa2: {  	_ =	swait.ge [sflag:s23], $0x1  }
0xa3: {  	[sflag:s23] =	ssyncset.done $0x0  }
0xa4: {  	s25 =	simm.s32 $0x1B8E;
	s24 =	sld [smem:$0x3FFE];
	[sflag:s23] =	ssyncadd.s32 $0xFFFFFFFF  }
0xa5: {  	s26 =	simm.s32 $execute0_lowered;
	[smem:$0x3FD2] =	sst s25  }
0xa6: {  	s5 =	sshll.u32 s26, $0x1;
	_ =	strace $0x80000046;
	[dreg:$0x1] =	wrdreg $0xFFFFFFFF  }
0xa7: {  	s28 =	simm.s32 $_size_execute0_lowered;
	s3 =	sadd.s32 s3, s5;
	[dreg:$0x0] =	wrdreg $0x0  }
0xa8: {  	s5 =	sshll.u32 s28, $0x1;
	[dreg:$0x2] =	wrdreg s3  }
0xa9: {  	[dreg:$0x3] =	wrdreg s5  }
0xaa: {  	[dreg:$0x4] =	wrdreg $0xC0  }
0xab: {  	_ =	task [dreg:s7], $0x5FFFF  }
0xac: {  	[dreg:$0x1] =	wrdreg $0xFFFFFFFF  }
0xad: {  	[dreg:$0x0] =	wrdreg $0x60  }
0xae: {  	[dreg:$0x2] =	wrdreg s2  }
0xaf: {  	[dreg:$0x3] =	wrdreg s24  }
0xb0: {  	[dreg:$0x4] =	wrdreg $0x2B000  }
0xb1: {  	[dreg:$0x5] =	wrdreg $0x9  }
0xb2: {  	_ =	task.clear_ibuf [dreg:s7], $0x6FFFF;
	_ =	strace $0x90000046  }
0xb3: {  	s29 =	simm.s32 $0x9;
	_ =	strace $0x80000048  }
0xb4: {  	_ =	swait.ge [sflag:s29], $0x1  }
0xb5: {  	[sflag:s29] =	ssyncadd.s32 $0xFFFFFFFF  }
0xb6: {  	_ =	strace $0x90000048  }
0xb7: {  	_ =	sfence  }
0xb8: {  	s30 =	sld [smem:$0x0];
	_ =	sdelay $0x2  }
0xb9: {  	s31 =	sshll.u32 s1, $0xD;
	s1 =	sshrl.u32 s1, $0x2  }
0xba: {  	s3 =	sand.u32 $0x4000, s31;
	s1 =	sadd.s32 s1, s30  }
0xbb: {  	s0 =	sor.u32 s3, s0;
	s1 =	sshll.u32 s1, $0x11  }
0xbc: {  	s0 =	sor.u32 s1, s0  }
0xbd: {  	s0 =	sadd.s32 $0x8F2B, s0  }
0xbe: {  	[sflag:s0] =	ssyncadd.remote.s32 $0x1  }
0xbf: {  	_ =	sfence.sel $0xFFFF  }
0xc0: {  	[dreg:$0x0] =	wrdreg $0xFFFFFFFF;
	(pc) =	sbr.abs _section_cstart, $3  }
0xc1: {  	[dreg:$0x1] =	wrdreg $0xFFFFFFFF  }
0xc2: {  	_ =	task.clear_ibuf [dreg:s7], $0x2FFFF;
	_ =	strace $0x9FFFFFFF  }
0xc3: {  	(tm) =	ssettm $0x7FFFFFFF  }
tec
execute0_lowered:
.L_overlay_start_1:
0x0: {  	(tag) =	ssettag $0x1  }
0x1: {  	s6 =	rddreg [dreg:$0x0]  }
0x2: {  	s0 =	srdreg.scid;
	s5 =	rddreg [dreg:$0x1]  }
0x3: {  	s2 =	rddreg [dreg:$0x2];
	s1 =	stileid.u32  }
0x4: {  	s3 =	simm.s32 $0x0;
	s15 =	simm.s32 $0x2880;
	s16 =	simm.s32 $0x2AF0  }
0x5: {  	s10 =	sand.u32 $0x1, s0;
	s0 =	rddreg [dreg:$0x3];
	s11 =	smul.u32 $0x270, s1  }
0x6: {  	s17 =	simm.s32 $0x0;
	[smem:$0x7FF] =	sst s3;
	s14 =	smul.u32 $0x50, s1  }
0x7: {  	p1 =	sne.s32 s1, $0xF;
	p2 =	seq.s32 s1, $0xF;
	s4 =	sshll.u32 s10, $0x4  }
0x8: {  	s7 =	ssub.s32 $0x2, s10;
	s13 =	smul.u32 $0x500, s10;
	s4 =	sor.u32 s1, s4  }
0x9: {  	_ =	strace $0x80000047;
	p0 =	seq.s32 s10, $0x1;
	s8 =	smul.u32 $0x500, s4  }
.Ltmp0:
0xa: {  	s9 =	sshrl.u32 s7, $0x1;
	s4 =	sadd.s32 $0xB800, s5;
	(pc) =	sbr.rel .LBB2_1-.Ltmp0, $4  }
0xb: {  	s5 =	sadd.s32 $0xBE00, s5;
	s12 =	ssub.s32 s7, s9;
	s7 =	sadd.s32 s11, s2  }
0xc: {  	s11 =	sshrl.u32 s11, $0x3;
	s9 =	sadd.s32 $0x2710, s2;
	s13 =	sadd.s32 s14, s13  }
0xd: {  	s14 =	simm.s32 $0x2;
	s10 =	sadd.s32 s4, s11;
	s11 =	sadd.s32 s5, s11  }
0xe: {  	v0 =	vimm.f32 $1.000000000e+00;
	v1 =	vimm.f32 $0.0e+00;
	s12 =	smax.u32 s12, $0x1;
	s6 =	sadd.s32 s6, s8;
	s8 =	sadd.s32 $0x2700, s2  }
.LBB2_6:
0xf: {  	[tilespmem:s16], [sflag:$0x2] =	stream.linear.gather [spmem:s8], $0x10, $0x38;
	[tilespmem:$0x2D78] =	vst v63  }
0x10: {  	_ =	swait.ge [sflag:s14], $0x10  }
0x11: {  	[sflag:s14] =	ssyncset.done $0x0  }
0x12: {  	s18 =	sadd.s32 $0x4E0, s18;
	[sflag:s14] =	ssyncadd.s32 $0xFFFFFFF0  }
0x13: {  	[hbm4b:s18+s3] =	stream.linear.scatter [tilespmem:s16], [sflag:$0x2], $0x10, $0x38;
	[tilespmem:$0x2D78] =	vst v63  }
0x14: {  	_ =	swait.ge [sflag:s14], $0x10  }
0x15: {  	[sflag:s14] =	ssyncset.done $0x0  }
0x16: {  	[sflag:s14] =	ssyncadd.s32 $0xFFFFFFF0  }
.LBB2_7:
0x17: {  	s17 =	sadd.s32 $0x1, s17  }
0x18: {  	p3 =	sne.s32 s17, s12  }
.Ltmp1:
0x19: {  	_ = 	snop;
	(pc) =	sbr.rel @!p3 .LBB2_8-.Ltmp1, $1  }
0x1a: {  	_ =	sdelay $0x3  }
.LBB2_1:
0x1b: {  	[tilespmem:$0x2800] =	vst v0  }
0x1c: {  	[tilespmem:$0x2810] =	vst v0  }
0x1d: {  	[tilespmem:$0x2820] =	vst v0  }
0x1e: {  	[tilespmem:$0x2830] =	vst v0  }
0x1f: {  	[tilespmem:$0x2840] =	vst v0  }
0x20: {  	[tilespmem:$0x2850] =	vst v0  }
0x21: {  	[tilespmem:$0x2860] =	vst v0  }
0x22: {  	[tilespmem:$0x2870] =	vst v0  }
0x23: {  	[tilespmem:$0x2880] =	vst v1  }
0x24: {  	[tilespmem:$0x2890] =	vst v1  }
0x25: {  	[tilespmem:$0x28A0] =	vst v1  }
0x26: {  	[tilespmem:$0x28B0] =	vst v1  }
0x27: {  	[tilespmem:$0x28C0] =	vst v1  }
0x28: {  	[tilespmem:$0x28D0] =	vst v1  }
0x29: {  	[tilespmem:$0x28E0] =	vst v1  }
0x2a: {  	[tilespmem:$0x28F0] =	vst v1  }
0x2b: {  	[tilespmem:$0x2900] =	vst v1  }
0x2c: {  	[tilespmem:$0x2910] =	vst v1  }
0x2d: {  	[tilespmem:$0x2920] =	vst v1  }
0x2e: {  	[tilespmem:$0x2930] =	vst v1  }
0x2f: {  	[tilespmem:$0x2940] =	vst v1  }
0x30: {  	[tilespmem:$0x2950] =	vst v1  }
0x31: {  	[tilespmem:$0x2960] =	vst v1  }
0x32: {  	[tilespmem:$0x2970] =	vst v1  }
0x33: {  	[tilespmem:$0x2980] =	vst v1  }
0x34: {  	[tilespmem:$0x2990] =	vst v1  }
0x35: {  	[tilespmem:$0x29A0] =	vst v1  }
0x36: {  	[tilespmem:$0x29B0] =	vst v1  }
0x37: {  	[tilespmem:$0x29C0] =	vst v1  }
0x38: {  	[tilespmem:$0x29D0] =	vst v1  }
0x39: {  	[tilespmem:$0x29E0] =	vst v1  }
0x3a: {  	[tilespmem:$0x29F0] =	vst v1  }
0x3b: {  	[tilespmem:$0x2A00] =	vst v1  }
0x3c: {  	[tilespmem:$0x2A10] =	vst v1  }
0x3d: {  	[tilespmem:$0x2A20] =	vst v1  }
0x3e: {  	[tilespmem:$0x2A30] =	vst v1  }
0x3f: {  	[tilespmem:$0x2A40] =	vst v1  }
0x40: {  	[tilespmem:$0x2A50] =	vst v1  }
0x41: {  	[tilespmem:$0x2A60] =	vst v1  }
0x42: {  	[tilespmem:$0x2A70] =	vst v1  }
0x43: {  	[tilespmem:$0x2A80] =	vst v1  }
0x44: {  	[tilespmem:$0x2A90] =	vst v1  }
0x45: {  	[tilespmem:$0x2AA0] =	vst v1  }
0x46: {  	[tilespmem:$0x2AB0] =	vst v1  }
0x47: {  	[tilespmem:$0x2AC0] =	vst v1  }
0x48: {  	[tilespmem:$0x2AD0] =	vst v1  }
0x49: {  	[tilespmem:$0x2AE0] =	vst v1  }
0x4a: {  	[tilespmem:$0x2AF0] =	vst v1  }
0x4b: {  	[tilespmem:s3], [sflag:$0x2] =	stream.linear.gather [hbm4b:s6+s3], $0x2800, $0x38;
	[tilespmem:$0x2D78] =	vst v63  }
0x4c: {  	_ =	swait.ge [sflag:s14], $0x2800  }
0x4d: {  	[sflag:s14] =	ssyncset.done $0x0  }
0x4e: {  	[sflag:s14] =	ssyncadd.s32 $0xFFFFD800  }
0x4f: {  	[spmem:s7] =	stream.linear.scatter [tilespmem:s15], [sflag:$0x2], $0x270, $0x38;
	[tilespmem:$0x2D78] =	vst v63  }
0x50: {  	_ =	swait.ge [sflag:s14], $0x270  }
0x51: {  	[sflag:s14] =	ssyncset.done $0x0  }
0x52: {  	s18 =	simm.s32 @!p1 $0x2880;
	s19 =	simm.s32 @!p1 $0x2;
	[sflag:s14] =	ssyncadd.s32 $0xFFFFFD90  }
0x53: {  	[spmem:s8] =	stream.linear.scatter @!p1 [tilespmem:s18], [sflag:$0x2], $0x10, $0x38;
	[tilespmem:$0x2D78] =	vst v63  }
0x54: {  	_ =	swait.ge @!p1 [sflag:s19], $0x10  }
0x55: {  	[sflag:s19] =	ssyncset.done @!p1 $0x0  }
0x56: {  	[sflag:s19] =	ssyncadd.s32 @!p1 $0xFFFFFFF0  }
0x57: {  	[spmem:s9] =	stream.linear.scatter @!p1 [tilespmem:s18], [sflag:$0x2], $0x10, $0x38;
	[tilespmem:$0x2D78] =	vst v63  }
0x58: {  	_ =	swait.ge @!p1 [sflag:s19], $0x10  }
0x59: {  	p4 =	sgt.u32 s13, $0x9C3;
	[sflag:s19] =	ssyncset.done @!p1 $0x0  }
0x5a: {  	s20 =	simm.s32 @!p4 $0x2800;
	[sflag:s19] =	ssyncadd.s32 @!p1 $0xFFFFFFF0  }
0x5b: {  	s18 =	simm.s32 @!p4 $0x0;
	s19 =	simm.s32 @!p4 $0x80;
	[bflag:$0x0] =	sbarrier.arrive $0xFFFF  }
0x5c: {  	[spmem:s2] =	stream.indirect.scatter.add.f32 @!p4 [tilespmem:s20], [sflag:$0x1], $0x1, s18, s19, $0xb8;
	[tilespmem:$0x2D78] =	vst v63  }
0x5d: {  	s18 =	simm.s32 @!p4 $0x80  }
0x5e: {  	[spmem:s2] =	stream.indirect.scatter.add.f32 @!p4 [tilespmem:s20], [sflag:$0x1], $0x1, s18, s19, $0xb8;
	[tilespmem:$0x2D78] =	vst v63  }
0x5f: {  	p3 =	sgt.u32 @!p4 s13, $0x9BF;
	s18 =	simm.s32 @!p4 $0x100  }
0x60: {  	[spmem:s2] =	stream.indirect.scatter.add.f32 @!p4 [tilespmem:s20], [sflag:$0x1], $0x1, s18, s19, $0xb8;
	[tilespmem:$0x2D78] =	vst v63  }
0x61: {  	p3 =	por p3, p4;
	s18 =	simm.s32 @!p4 $0x180  }
0x62: {  	[spmem:s2] =	stream.indirect.scatter.add.f32 @!p4 [tilespmem:s20], [sflag:$0x1], $0x1, s18, s19, $0xb8;
	[tilespmem:$0x2D78] =	vst v63  }
0x63: {  	s18 =	simm.s32 @!p3 $0x2800;
	s19 =	simm.s32 @!p3 $0x200;
	s20 =	simm.s32 @!p3 $0x80  }
0x64: {  	[spmem:s2] =	stream.indirect.scatter.add.f32 @!p3 [tilespmem:s18], [sflag:$0x1], $0x1, s19, s20, $0xb8;
	[tilespmem:$0x2D78] =	vst v63  }
0x65: {  	s19 =	simm.s32 @!p3 $0x280  }
0x66: {  	[spmem:s2] =	stream.indirect.scatter.add.f32 @!p3 [tilespmem:s18], [sflag:$0x1], $0x1, s19, s20, $0xb8;
	[tilespmem:$0x2D78] =	vst v63  }
0x67: {  	s19 =	simm.s32 @!p3 $0x300  }
0x68: {  	[spmem:s2] =	stream.indirect.scatter.add.f32 @!p3 [tilespmem:s18], [sflag:$0x1], $0x1, s19, s20, $0xb8;
	[tilespmem:$0x2D78] =	vst v63  }
0x69: {  	s21 =	simm.s32 @!p4 $0x1;
	s19 =	simm.s32 @!p3 $0x380  }
0x6a: {  	[spmem:s2] =	stream.indirect.scatter.add.f32 @!p3 [tilespmem:s18], [sflag:$0x1], $0x1, s19, s20, $0xb8;
	[tilespmem:$0x2D78] =	vst v63  }
0x6b: {  	_ =	swait.ge @!p4 [sflag:s21], $0x80  }
0x6c: {  	[sflag:s21] =	ssyncset.done @!p4 $0x0  }
0x6d: {  	[sflag:s21] =	ssyncadd.s32 @!p4 $0xFFFFFF80  }
0x6e: {  	_ =	swait.ge @!p4 [sflag:s21], $0x80  }
0x6f: {  	[sflag:s21] =	ssyncset.done @!p4 $0x0  }
0x70: {  	[sflag:s21] =	ssyncadd.s32 @!p4 $0xFFFFFF80  }
0x71: {  	_ =	swait.ge @!p4 [sflag:s21], $0x80  }
0x72: {  	[sflag:s21] =	ssyncset.done @!p4 $0x0  }
0x73: {  	[sflag:s21] =	ssyncadd.s32 @!p4 $0xFFFFFF80  }
0x74: {  	_ =	swait.ge @!p4 [sflag:s21], $0x80  }
0x75: {  	[sflag:s21] =	ssyncset.done @!p4 $0x0  }
0x76: {  	[sflag:s21] =	ssyncadd.s32 @!p4 $0xFFFFFF80;
	s21 =	simm.s32 @!p3 $0x1  }
0x77: {  	_ =	swait.ge @!p3 [sflag:s21], $0x80  }
0x78: {  	[sflag:s21] =	ssyncset.done @!p3 $0x0  }
0x79: {  	[sflag:s21] =	ssyncadd.s32 @!p3 $0xFFFFFF80  }
0x7a: {  	_ =	swait.ge @!p3 [sflag:s21], $0x80  }
0x7b: {  	[sflag:s21] =	ssyncset.done @!p3 $0x0  }
0x7c: {  	[sflag:s21] =	ssyncadd.s32 @!p3 $0xFFFFFF80  }
0x7d: {  	_ =	swait.ge @!p3 [sflag:s21], $0x80  }
0x7e: {  	s18 =	simm.s32 $0x1000;
	[sflag:s21] =	ssyncset.done @!p3 $0x0  }
0x7f: {  	s20 =	simm.s32 $0x2000;
	s19 =	sadd.s32 $0x8, s13;
	[sflag:s21] =	ssyncadd.s32 @!p3 $0xFFFFFF80  }
.LBB2_2:
0x80: {  	p5 =	sgt.u32 s19, $0x9C3  }
0x81: {  	_ =	swait.ge @!p3 [sflag:s21], $0x80;
	s22 =	smov.u32 s20;
	s20 =	sadd.s32 $0x1000, s20  }
0x82: {  	s23 =	sshra.s32 @!p5 s18, $0x2;
	s24 =	simm.s32 @!p5 $0x80;
	[sflag:s21] =	ssyncset.done @!p3 $0x0  }
0x83: {  	s25 =	simm.s32 @!p5 $0x2800;
	s26 =	sadd.s32 @!p5 $0x80, s23;
	s28 =	sadd.s32 @!p5 $0x100, s23  }
0x84: {  	p6 =	sgt.u32 @!p5 s19, $0x9BF;
	s29 =	sadd.s32 @!p5 $0x180, s23;
	[sflag:s21] =	ssyncadd.s32 @!p3 $0xFFFFFF80  }
0x85: {  	[spmem:s2] =	stream.indirect.scatter.add.f32 @!p5 [tilespmem:s25], [sflag:$0x1], $0x1, s23, s24, $0xb8;
	[tilespmem:$0x2D78] =	vst v63  }
0x86: {  	p4 =	sne.s32 s20, $0xA000  }
0x87: {  	[spmem:s2] =	stream.indirect.scatter.add.f32 @!p5 [tilespmem:s25], [sflag:$0x1], $0x1, s26, s24, $0xb8;
	[tilespmem:$0x2D78] =	vst v63  }
0x88: {  	p3 =	por p6, p5  }
0x89: {  	[spmem:s2] =	stream.indirect.scatter.add.f32 @!p5 [tilespmem:s25], [sflag:$0x1], $0x1, s28, s24, $0xb8;
	[tilespmem:$0x2D78] =	vst v63  }
0x8a: {  	s21 =	sshra.s32 @!p3 s18, $0x2;
	s23 =	simm.s32 @!p3 $0x2800;
	s18 =	smov.u32 s22  }
0x8b: {  	[spmem:s2] =	stream.indirect.scatter.add.f32 @!p5 [tilespmem:s25], [sflag:$0x1], $0x1, s29, s24, $0xb8;
	[tilespmem:$0x2D78] =	vst v63  }
0x8c: {  	s22 =	sadd.s32 @!p3 $0x200, s21;
	s24 =	simm.s32 @!p3 $0x80;
	s25 =	sadd.s32 @!p3 $0x300, s21  }
0x8d: {  	[spmem:s2] =	stream.indirect.scatter.add.f32 @!p3 [tilespmem:s23], [sflag:$0x1], $0x1, s22, s24, $0xb8;
	[tilespmem:$0x2D78] =	vst v63  }
0x8e: {  	s22 =	sadd.s32 @!p3 $0x280, s21;
	s21 =	sadd.s32 @!p3 $0x380, s21  }
0x8f: {  	[spmem:s2] =	stream.indirect.scatter.add.f32 @!p3 [tilespmem:s23], [sflag:$0x1], $0x1, s22, s24, $0xb8;
	[tilespmem:$0x2D78] =	vst v63  }
0x90: {  	_ = 	snop  }
0x91: {  	[spmem:s2] =	stream.indirect.scatter.add.f32 @!p3 [tilespmem:s23], [sflag:$0x1], $0x1, s25, s24, $0xb8;
	[tilespmem:$0x2D78] =	vst v63  }
0x92: {  	s22 =	simm.s32 @!p5 $0x1  }
0x93: {  	[spmem:s2] =	stream.indirect.scatter.add.f32 @!p3 [tilespmem:s23], [sflag:$0x1], $0x1, s21, s24, $0xb8;
	[tilespmem:$0x2D78] =	vst v63  }
0x94: {  	_ =	swait.ge @!p5 [sflag:s22], $0x80  }
0x95: {  	[sflag:s22] =	ssyncset.done @!p5 $0x0  }
0x96: {  	[sflag:s22] =	ssyncadd.s32 @!p5 $0xFFFFFF80  }
0x97: {  	_ =	swait.ge @!p5 [sflag:s22], $0x80  }
0x98: {  	[sflag:s22] =	ssyncset.done @!p5 $0x0  }
0x99: {  	[sflag:s22] =	ssyncadd.s32 @!p5 $0xFFFFFF80  }
0x9a: {  	_ =	swait.ge @!p5 [sflag:s22], $0x80  }
0x9b: {  	[sflag:s22] =	ssyncset.done @!p5 $0x0  }
0x9c: {  	[sflag:s22] =	ssyncadd.s32 @!p5 $0xFFFFFF80  }
0x9d: {  	_ =	swait.ge @!p5 [sflag:s22], $0x80  }
0x9e: {  	[sflag:s22] =	ssyncset.done @!p5 $0x0  }
0x9f: {  	s21 =	simm.s32 @!p3 $0x1;
	[sflag:s22] =	ssyncadd.s32 @!p5 $0xFFFFFF80  }
0xa0: {  	_ =	swait.ge @!p3 [sflag:s21], $0x80  }
0xa1: {  	[sflag:s21] =	ssyncset.done @!p3 $0x0  }
0xa2: {  	[sflag:s21] =	ssyncadd.s32 @!p3 $0xFFFFFF80  }
0xa3: {  	_ =	swait.ge @!p3 [sflag:s21], $0x80  }
.Ltmp2:
0xa4: {  	[sflag:s21] =	ssyncset.done @!p3 $0x0;
	(pc) =	sbr.rel @p4 .LBB2_2-.Ltmp2, $4  }
0xa5: {  	[sflag:s21] =	ssyncadd.s32 @!p3 $0xFFFFFF80  }
0xa6: {  	_ =	swait.ge @!p3 [sflag:s21], $0x80  }
0xa7: {  	[sflag:s21] =	ssyncset.done @!p3 $0x0  }
0xa8: {  	s19 =	sadd.s32 $0x8, s19;
	[sflag:s21] =	ssyncadd.s32 @!p3 $0xFFFFFF80  }
0xa9: {  	p4 =	sgt.u32 s19, $0x9C3;
	_ =	swait.ge @!p3 [sflag:s21], $0x80  }
0xaa: {  	s20 =	sshra.s32 @!p4 s18, $0x2;
	[sflag:s21] =	ssyncset.done @!p3 $0x0  }
0xab: {  	s22 =	simm.s32 @!p4 $0x80;
	s23 =	simm.s32 @!p4 $0x2800;
	[sflag:s21] =	ssyncadd.s32 @!p3 $0xFFFFFF80  }
0xac: {  	[spmem:s2] =	stream.indirect.scatter.add.f32 @!p4 [tilespmem:s23], [sflag:$0x1], $0x1, s20, s22, $0xb8;
	[tilespmem:$0x2D78] =	vst v63  }
0xad: {  	s21 =	sadd.s32 @!p4 $0x80, s20;
	p3 =	sgt.u32 @!p4 s19, $0x9BF  }
0xae: {  	[spmem:s2] =	stream.indirect.scatter.add.f32 @!p4 [tilespmem:s23], [sflag:$0x1], $0x1, s21, s22, $0xb8;
	[tilespmem:$0x2D78] =	vst v63  }
0xaf: {  	s19 =	sadd.s32 @!p4 $0x100, s20;
	p3 =	por p3, p4  }
0xb0: {  	[spmem:s2] =	stream.indirect.scatter.add.f32 @!p4 [tilespmem:s23], [sflag:$0x1], $0x1, s19, s22, $0xb8;
	[tilespmem:$0x2D78] =	vst v63  }
0xb1: {  	s18 =	sshra.s32 @!p3 s18, $0x2;
	s19 =	sadd.s32 @!p4 $0x180, s20  }
0xb2: {  	[spmem:s2] =	stream.indirect.scatter.add.f32 @!p4 [tilespmem:s23], [sflag:$0x1], $0x1, s19, s22, $0xb8;
	[tilespmem:$0x2D78] =	vst v63  }
0xb3: {  	s21 =	simm.s32 @!p3 $0x80;
	s20 =	sadd.s32 @!p3 $0x200, s18;
	s19 =	simm.s32 @!p3 $0x2800  }
0xb4: {  	[spmem:s2] =	stream.indirect.scatter.add.f32 @!p3 [tilespmem:s19], [sflag:$0x1], $0x1, s20, s21, $0xb8;
	[tilespmem:$0x2D78] =	vst v63  }
0xb5: {  	s20 =	sadd.s32 @!p3 $0x280, s18  }
0xb6: {  	[spmem:s2] =	stream.indirect.scatter.add.f32 @!p3 [tilespmem:s19], [sflag:$0x1], $0x1, s20, s21, $0xb8;
	[tilespmem:$0x2D78] =	vst v63  }
0xb7: {  	s20 =	sadd.s32 @!p3 $0x300, s18  }
0xb8: {  	[spmem:s2] =	stream.indirect.scatter.add.f32 @!p3 [tilespmem:s19], [sflag:$0x1], $0x1, s20, s21, $0xb8;
	[tilespmem:$0x2D78] =	vst v63  }
0xb9: {  	s18 =	sadd.s32 @!p3 $0x380, s18;
	s20 =	simm.s32 @!p4 $0x1  }
0xba: {  	[spmem:s2] =	stream.indirect.scatter.add.f32 @!p3 [tilespmem:s19], [sflag:$0x1], $0x1, s18, s21, $0xb8;
	[tilespmem:$0x2D78] =	vst v63  }
0xbb: {  	_ =	swait.ge @!p4 [sflag:s20], $0x80  }
0xbc: {  	[sflag:s20] =	ssyncset.done @!p4 $0x0  }
0xbd: {  	[sflag:s20] =	ssyncadd.s32 @!p4 $0xFFFFFF80  }
0xbe: {  	_ =	swait.ge @!p4 [sflag:s20], $0x80  }
0xbf: {  	[sflag:s20] =	ssyncset.done @!p4 $0x0  }
0xc0: {  	[sflag:s20] =	ssyncadd.s32 @!p4 $0xFFFFFF80  }
0xc1: {  	_ =	swait.ge @!p4 [sflag:s20], $0x80  }
0xc2: {  	[sflag:s20] =	ssyncset.done @!p4 $0x0  }
0xc3: {  	[sflag:s20] =	ssyncadd.s32 @!p4 $0xFFFFFF80  }
0xc4: {  	_ =	swait.ge @!p4 [sflag:s20], $0x80  }
0xc5: {  	[sflag:s20] =	ssyncset.done @!p4 $0x0  }
0xc6: {  	s18 =	simm.s32 @!p3 $0x1;
	[sflag:s20] =	ssyncadd.s32 @!p4 $0xFFFFFF80  }
0xc7: {  	_ =	swait.ge @!p3 [sflag:s18], $0x80  }
0xc8: {  	[sflag:s18] =	ssyncset.done @!p3 $0x0  }
0xc9: {  	[sflag:s18] =	ssyncadd.s32 @!p3 $0xFFFFFF80  }
0xca: {  	_ =	swait.ge @!p3 [sflag:s18], $0x80  }
0xcb: {  	[sflag:s18] =	ssyncset.done @!p3 $0x0  }
0xcc: {  	[sflag:s18] =	ssyncadd.s32 @!p3 $0xFFFFFF80  }
0xcd: {  	_ =	swait.ge @!p3 [sflag:s18], $0x80  }
0xce: {  	[sflag:s18] =	ssyncset.done @!p3 $0x0  }
0xcf: {  	[sflag:s18] =	ssyncadd.s32 @!p3 $0xFFFFFF80  }
0xd0: {  	_ =	swait.ge @!p3 [sflag:s18], $0x80  }
0xd1: {  	[sflag:s18] =	ssyncset.done @!p3 $0x0  }
0xd2: {  	[sflag:s18] =	ssyncadd.s32 @!p3 $0xFFFFFF80  }
.Ltmp3:
0xd3: {  	[bflag:$0x0] =	sbarrier.arrive $0xFFFF;
	(pc) =	sbr.rel @!p0 .LBB2_4-.Ltmp3, $4  }
0xd4: {  	[tilespmem:s15], [sflag:$0x2] =	stream.linear.gather [spmem:s7], $0x270, $0x38;
	[tilespmem:$0x2D78] =	vst v63  }
0xd5: {  	_ =	swait.ge [sflag:s14], $0x270  }
0xd6: {  	[sflag:s14] =	ssyncset.done $0x0  }
0xd7: {  	[sflag:s14] =	ssyncadd.s32 $0xFFFFFD90  }
0xd8: {  	[hbm4b:s11+s3] =	stream.linear.scatter [tilespmem:s15], [sflag:$0x2], $0x270, $0x38;
	[tilespmem:$0x2D78] =	vst v63  }
.Ltmp4:
0xd9: {  	_ = 	snop;
	(pc) =	sbr.rel @p1 .LBB2_7-.Ltmp4, $4  }
.Ltmp5:
0xda: {  	_ = 	snop;
	(pc) =	sbr.rel @!p1 .LBB2_6-.Ltmp5, $4  }
0xdb: {  	_ =	swait.ge [sflag:s14], $0x270  }
0xdc: {  	[sflag:s14] =	ssyncset.done $0x0  }
0xdd: {  	s18 =	smov.u32 s5;
	[sflag:s14] =	ssyncadd.s32 $0xFFFFFD90  }
0xde: {  	_ = 	snop  }
.LBB2_4:
0xdf: {  	[hbm4b:s10+s3] =	stream.linear.scatter [tilespmem:s15], [sflag:$0x2], $0x270, $0x38;
	[tilespmem:$0x2D78] =	vst v63  }
.Ltmp6:
0xe0: {  	_ = 	snop;
	(pc) =	sbr.rel @p2 .LBB2_6-.Ltmp6, $4  }
.Ltmp7:
0xe1: {  	_ = 	snop;
	(pc) =	sbr.rel @!p2 .LBB2_7-.Ltmp7, $4  }
0xe2: {  	_ =	swait.ge [sflag:s14], $0x270  }
0xe3: {  	[sflag:s14] =	ssyncset.done $0x0  }
0xe4: {  	s18 =	smov.u32 s4;
	[sflag:s14] =	ssyncadd.s32 $0xFFFFFD90  }
0xe5: {  	_ = 	snop  }
.LBB2_8:
0xe6: {  	_ =	sfence.sel $0x180000  }
0xe7: {  	[bflag:$0x0] =	sbarrier.arrive $0xFFFF  }
0xe8: {  	p0 =	sne.s32 s1, $0x0;
	_ =	strace $0x90000047  }
0xe9: {  	s0 =	sadd.s32 @!p0 $0x100000, s0;
	[bflag:$0x2] =	sbarrier.arrive $0xFFFF  }
0xea: {  	[sflag:s0] =	ssyncadd.tile.s32 @!p0 $0x1;
	_ =	shalt  }
.Lfunc_end2:
_tile_overlayer_lowered:
.L_overlay_start_2:
0xeb: {  	(tag) =	ssettag $0x2  }
0xec: {  	s0 =	rddreg [dreg:$0x0];
	s2 =	stileid.u32  }
0xed: {  	s1 =	rddreg [dreg:$0x1];
	p0 =	sne.s32 s2, $0x0  }
0xee: {  	s3 =	rddreg [dreg:$0x2];
	[bflag:$0x3] =	sbarrier.arrive $0xFFFF;
	s2 =	simm.s32 @!p0 $0x1C02  }
0xef: {  	[timem:s3], [sflag:s2] =	dma.local @!p0 [hbm:s0], s1  }
0xf0: {  	s0 =	simm.s32 @!p0 $0x2  }
0xf1: {  	_ =	swait.ge @!p0 [sflag:s0], s1  }
0xf2: {  	s1 =	ssub.s32 @!p0 $0x0, s1;
	[sflag:s0] =	ssyncset.done @!p0 $0x0  }
0xf3: {  	[sflag:s0] =	ssyncadd.s32 @!p0 s1  }
0xf4: {  	[bflag:$0x3] =	sbarrier.arrive $0xFFFF  }
0xf5: {  	_ =	shalt  }

// kernel: kernel.9.cloned.1.call-start
scs
__scs_entry_jumppad:
0x0: {  	(pc) =	sbr.rel $0x88, $3  }
0x1: {  	(tag) =	ssettag $0x0;
	lr =	simm.s32 $0x1  }
0x2: {  	[smem:$0x3F9D] =	sst lr;
	_ =	strace $0xD0000000  }
0x3: {  	_ = 	snop  }
0x4: {  	_ = 	snop  }
0x5: {  	_ = 	snop  }
0x6: {  	_ = 	snop  }
0x7: {  	_ = 	snop  }
__scs_overlays_trampoline_lowered:
0x8: {  	[smem:$0x3FAC] =	sst s0  }
0x9: {  	[smem:$0x3FAD] =	sst s1  }
0xa: {  	[smem:$0x3FAE] =	sst s2  }
0xb: {  	[smem:$0x3FAF] =	sst s3  }
0xc: {  	[smem:$0x3FB0] =	sst s4  }
0xd: {  	[smem:$0x3FB1] =	sst s5  }
0xe: {  	[smem:$0x3FB2] =	sst s6  }
0xf: {  	[smem:$0x3FB3] =	sst s7  }
0x10: {  	[smem:$0x3FB4] =	sst s8  }
0x11: {  	[smem:$0x3FB5] =	sst s9;
	s0 =	simm.s32 @!p0 $0x0  }
0x12: {  	s1 =	sld [smem:$0x3F9B];
	s0 =	simm.s32 @p0 $0x1  }
0x13: {  	[smem:$0x3FB6] =	sst s0;
	s0 =	simm.s32 @!p1 $0x0  }
0x14: {  	s2 =	sld [smem:$0x3F9A];
	s0 =	simm.s32 @p1 $0x1  }
0x15: {  	[smem:$0x3FB7] =	sst s0;
	s0 =	simm.s32 @!p2 $0x0  }
0x16: {  	s3 =	sld [smem:$0x3FDB];
	s0 =	simm.s32 @p2 $0x1  }
0x17: {  	s4 =	simm.s32 $0x1BF5;
	[smem:$0x3FB9] =	sst s0  }
0x18: {  	s0 =	sld [smem:$0x3F9C];
	_ =	swait.ge [sflag:s4], $0x0  }
0x19: {  	s7 =	sld [smem:$0x3F9D]  }
0x1a: {  	s8 =	sadd.s32 $0xFFFFE003, lr  }
0x1b: {  	s9 =	sadd.s32 $0xFFFFFEF7, lr;
	s5 =	simm.s32 $0xFFFFFFFF;
	p2 =	slt.u32 s8, $0xFFFFF086  }
0x1c: {  	p1 =	slt.u32 s9, $0xF7A;
	s5 =	simm.s32 @!p2 $0x0  }
0x1d: {  	s5 =	simm.s32 @p1 $0x1;
	p0 =	seq.s32 s7, s2  }
0x1e: {  	s7 =	smul.u32 @!p0 $0xF7A, s2;
	p2 =	seq.s32 @!p0 s5, $0x0  }
0x1f: {  	s9 =	smul.u32 $0xF7A, s1;
	s8 =	simm.s32 @!p0 $0x1BF5;
	p2 =	por !p2, p0  }
0x20: {  	[sflag:s8] =	ssyncset.s32 @!p0 $0xFFFFF086;
	s6 =	sadd.s32 @!p0 s3, s7;
	s7 =	simm.s32 @!p0 $0x108  }
0x21: {  	s3 =	sadd.s32 s3, s9;
	s6 =	sadd.s32 @!p0 $0x88, s6;
	s7 =	simm.s32 @p2 $0x1082  }
0x22: {  	[simem:s7], [sflag:s8] =	dma.local @!p0 [hbm:s6], $0xF7A  }
0x23: {  	s9 =	sor.u32 $0xD0000000, s2;
	s6 =	simm.s32 $0x108;
	_ =	swait.ge @!p0 [sflag:s8], $0x0  }
0x24: {  	s3 =	sadd.s32 $0x88, s3;
	s6 =	simm.s32 @!p1 $0x1082;
	[sflag:s4] =	ssyncset.s32 $0xFFFFF086  }
0x25: {  	[simem:s6], [sflag:s4] =	dma.local [hbm:s3], $0xF7A  }
0x26: {  	[smem:$0x3F9D] =	sst s1;
	(tag) =	ssettag s2;
	_ =	strace s9  }
0x27: {  	s1 =	sld [smem:$0x3FAD]  }
0x28: {  	s2 =	sld [smem:$0x3FAE]  }
0x29: {  	s4 =	sld [smem:$0x3FB0]  }
0x2a: {  	p0 =	seq.s32 s5, $0x0;
	s5 =	sld [smem:$0x3FB1]  }
0x2b: {  	s6 =	sld [smem:$0x3FB2]  }
0x2c: {  	s7 =	sld [smem:$0x3FB3]  }
0x2d: {  	s3 =	simm.s32 $0x108;
	s8 =	sld [smem:$0x3FB4]  }
0x2e: {  	s3 =	simm.s32 @!p0 $0x1082;
	s9 =	sld [smem:$0x3FB5]  }
0x2f: {  	lr =	sadd.s32 s0, s3;
	s0 =	sld [smem:$0x3FAC]  }
0x30: {  	s3 =	sld [smem:$0x3FAF]  }
0x31: {  	[smem:$0x3FB8] =	sst s10  }
0x32: {  	s10 =	sld [smem:$0x3FB6];
	_ =	sdelay $0x3  }
0x33: {  	p0 =	seq.s32 s10, $0x1;
	s10 =	sld [smem:$0x3FB8];
	_ =	sdelay $0x3  }
0x34: {  	[smem:$0x3FB8] =	sst s10  }
0x35: {  	s10 =	sld [smem:$0x3FB7];
	_ =	sdelay $0x3  }
0x36: {  	p1 =	seq.s32 s10, $0x1;
	s10 =	sld [smem:$0x3FB8];
	_ =	sdelay $0x3  }
0x37: {  	[smem:$0x3FB8] =	sst s10  }
0x38: {  	s10 =	sld [smem:$0x3FB9]  }
0x39: {  	_ = 	snop;
	(pc) =	sbr.ind lr, $3  }
0x3a: {  	_ = 	snop  }
0x3b: {  	_ = 	snop  }
0x3c: {  	p2 =	seq.s32 s10, $0x1;
	s10 =	sld [smem:$0x3FB8]  }
0x3d: {  	_ =	shalt  }
0x3e: {  	_ =	shalt  }
0x3f: {  	_ =	shalt  }
0x40: {  	_ =	shalt  }
0x41: {  	_ =	shalt  }
0x42: {  	_ =	shalt  }
0x43: {  	_ =	shalt  }
0x44: {  	_ =	shalt  }
0x45: {  	_ =	shalt  }
0x46: {  	_ =	shalt  }
0x47: {  	_ =	shalt  }
0x48: {  	_ =	shalt  }
0x49: {  	_ =	shalt  }
0x4a: {  	_ =	shalt  }
0x4b: {  	_ =	shalt  }
0x4c: {  	_ =	shalt  }
0x4d: {  	_ =	shalt  }
0x4e: {  	_ =	shalt  }
0x4f: {  	_ =	shalt  }
0x50: {  	_ =	shalt  }
0x51: {  	_ =	shalt  }
0x52: {  	_ =	shalt  }
0x53: {  	_ =	shalt  }
0x54: {  	_ =	shalt  }
0x55: {  	_ =	shalt  }
0x56: {  	_ =	shalt  }
0x57: {  	_ =	shalt  }
0x58: {  	_ =	shalt  }
0x59: {  	_ =	shalt  }
0x5a: {  	_ =	shalt  }
0x5b: {  	_ =	shalt  }
0x5c: {  	_ =	shalt  }
0x5d: {  	_ =	shalt  }
0x5e: {  	_ =	shalt  }
0x5f: {  	_ =	shalt  }
0x60: {  	_ =	shalt  }
0x61: {  	_ =	shalt  }
0x62: {  	_ =	shalt  }
0x63: {  	_ =	shalt  }
0x64: {  	_ =	shalt  }
0x65: {  	_ =	shalt  }
0x66: {  	_ =	shalt  }
0x67: {  	_ =	shalt  }
0x68: {  	_ =	shalt  }
0x69: {  	_ =	shalt  }
0x6a: {  	_ =	shalt  }
0x6b: {  	_ =	shalt  }
0x6c: {  	_ =	shalt  }
0x6d: {  	_ =	shalt  }
0x6e: {  	_ =	shalt  }
0x6f: {  	_ =	shalt  }
0x70: {  	_ =	shalt  }
0x71: {  	_ =	shalt  }
0x72: {  	_ =	shalt  }
0x73: {  	_ =	shalt  }
0x74: {  	_ =	shalt  }
0x75: {  	_ =	shalt  }
0x76: {  	_ =	shalt  }
0x77: {  	_ =	shalt  }
0x78: {  	_ =	shalt  }
0x79: {  	_ =	shalt  }
0x7a: {  	_ =	shalt  }
0x7b: {  	_ =	shalt  }
0x7c: {  	_ =	shalt  }
0x7d: {  	_ =	shalt  }
0x7e: {  	_ =	shalt  }
0x7f: {  	_ =	shalt  }
0x80: {  	_ =	shalt  }
0x81: {  	_ =	shalt  }
0x82: {  	_ =	shalt  }
0x83: {  	_ =	shalt  }
0x84: {  	_ =	shalt  }
0x85: {  	_ =	shalt  }
0x86: {  	_ =	shalt  }
0x87: {  	_ =	shalt  }
.Lfunc_end0:
.L_simem_size_0:
called_computation.1_lowered:
.L_overlay_start_0:
0x88: {  	s2 =	sld [smem:$0x3FD9]  }
0x89: {  	s3 =	sld [smem:$0x3FFE];
	_ =	sdelay $0x1  }
0x8a: {  	s1 =	srdreg.scid  }
0x8b: {  	s0 =	sand.u32 $0x1, s1  }
0x8c: {  	s17 =	sshll.u32 s0, $0xA;
	s2 =	sadd.s32 s3, s2  }
0x8d: {  	s2 =	sadd.s32 s2, s17  }
0x8e: {  	[smem:$0x3FC4] =	sst s2  }
0x8f: {  	_ = 	snop  }
0x90: {  	s2 =	sld [smem:$0x3FD0];
	(tm) =	ssettm $0x1  }
0x91: {  	s18 =	sld [smem:$0x3FFB];
	_ =	sdelay $0x3  }
0x92: {  	_ =	strace s18  }
0x93: {  	s3 =	sld [smem:$0x3FFC];
	_ =	sdelay $0x3  }
0x94: {  	_ =	strace s3  }
0x95: {  	s3 =	sld [smem:$0x3FFD];
	_ =	sdelay $0x3  }
0x96: {  	_ =	strace s3  }
0x97: {  	_ =	strace $0x8FFFFFFF  }
0x98: {  	s19 =	sld [smem:$0x3FDB];
	_ =	sdelay $0x1  }
0x99: {  	s4 =	simm.s32 $_scs_section_size  }
0x9a: {  	s5 =	simm.s32 $_size__tile_overlayer_lowered;
	s6 =	simm.s32 $_tile_overlayer_lowered  }
0x9b: {  	s22 =	simm.s32 $0x1BFF;
	s21 =	sshll.u32 s6, $0x1;
	s3 =	sadd.s32 s4, s19  }
0x9c: {  	s7 =	simm.s32 $0x0;
	s20 =	sshll.u32 s5, $0x1;
	s5 =	sadd.s32 s21, s3  }
0x9d: {  	[timem:s7], [sflag:s22] =	dma.local [hbm:s5], s20  }
0x9e: {  	_ =	swait.ge [sflag:s22], s20  }
0x9f: {  	s4 =	ssub.s32 $0x0, s20;
	[sflag:s22] =	ssyncset.done $0x0  }
0xa0: {  	[sflag:s22] =	ssyncadd.s32 s4;
	_ =	sdelay $0x1  }
0xa1: {  	s23 =	simm.s32 $0x1B8B  }
0xa2: {  	_ =	swait.ge [sflag:s23], $0x1  }
0xa3: {  	[sflag:s23] =	ssyncset.done $0x0  }
0xa4: {  	s25 =	simm.s32 $0x1B8E;
	s24 =	sld [smem:$0x3FFE];
	[sflag:s23] =	ssyncadd.s32 $0xFFFFFFFF  }
0xa5: {  	s26 =	simm.s32 $execute0_lowered;
	[smem:$0x3FD2] =	sst s25  }
0xa6: {  	s5 =	sshll.u32 s26, $0x1;
	_ =	strace $0x80000049;
	[dreg:$0x1] =	wrdreg $0xFFFFFFFF  }
0xa7: {  	s28 =	simm.s32 $_size_execute0_lowered;
	s3 =	sadd.s32 s3, s5;
	[dreg:$0x0] =	wrdreg $0x0  }
0xa8: {  	s5 =	sshll.u32 s28, $0x1;
	[dreg:$0x2] =	wrdreg s3  }
0xa9: {  	[dreg:$0x3] =	wrdreg s5  }
0xaa: {  	[dreg:$0x4] =	wrdreg $0xC0  }
0xab: {  	_ =	task [dreg:s7], $0x5FFFF  }
0xac: {  	[dreg:$0x1] =	wrdreg $0xFFFFFFFF  }
0xad: {  	[dreg:$0x0] =	wrdreg $0x60  }
0xae: {  	[dreg:$0x2] =	wrdreg s2  }
0xaf: {  	[dreg:$0x3] =	wrdreg s24  }
0xb0: {  	[dreg:$0x4] =	wrdreg $0x84000  }
0xb1: {  	[dreg:$0x5] =	wrdreg $0x9  }
0xb2: {  	_ =	task.clear_ibuf [dreg:s7], $0x6FFFF;
	_ =	strace $0x90000049  }
0xb3: {  	s29 =	simm.s32 $0x9;
	_ =	strace $0x8000004B  }
0xb4: {  	_ =	swait.ge [sflag:s29], $0x1  }
0xb5: {  	[sflag:s29] =	ssyncadd.s32 $0xFFFFFFFF  }
0xb6: {  	_ =	strace $0x9000004B  }
0xb7: {  	_ =	sfence  }
0xb8: {  	s30 =	sld [smem:$0x0];
	_ =	sdelay $0x2  }
0xb9: {  	s31 =	sshll.u32 s1, $0xD;
	s1 =	sshrl.u32 s1, $0x2  }
0xba: {  	s3 =	sand.u32 $0x4000, s31;
	s1 =	sadd.s32 s1, s30  }
0xbb: {  	s0 =	sor.u32 s3, s0;
	s1 =	sshll.u32 s1, $0x11  }
0xbc: {  	s0 =	sor.u32 s1, s0  }
0xbd: {  	s0 =	sadd.s32 $0x8F2B, s0  }
0xbe: {  	[sflag:s0] =	ssyncadd.remote.s32 $0x1  }
0xbf: {  	_ =	sfence.sel $0xFFFF  }
0xc0: {  	[dreg:$0x0] =	wrdreg $0xFFFFFFFF;
	(pc) =	sbr.abs _section_cstart, $3  }
0xc1: {  	[dreg:$0x1] =	wrdreg $0xFFFFFFFF  }
0xc2: {  	_ =	task.clear_ibuf [dreg:s7], $0x2FFFF;
	_ =	strace $0x9FFFFFFF  }
0xc3: {  	(tm) =	ssettm $0x7FFFFFFF  }
tec
execute0_lowered:
.L_overlay_start_1:
0x0: {  	(tag) =	ssettag $0x1  }
0x1: {  	s1 =	rddreg [dreg:$0x0]  }
0x2: {  	s0 =	rddreg [dreg:$0x1]  }
0x3: {  	s2 =	rddreg [dreg:$0x2];
	s3 =	simm.s32 $0x0  }
0x4: {  	s4 =	srdreg.scid;
	s14 =	stileid.u32;
	s28 =	simm.s32 $0x3  }
0x5: {  	s29 =	simm.s32 $0x0;
	[smem:$0x7FF] =	sst s3;
	s6 =	smul.u32 $0x4E000, s14  }
0x6: {  	s4 =	sand.u32 $0x1, s4;
	s7 =	sadd.s32 $0xC400, s0;
	s12 =	smul.u32 $0x2700, s14  }
0x7: {  	s9 =	sadd.s32 $0x1800, s0;
	s8 =	sadd.s32 $0xB800, s0;
	s26 =	smul.u32 $0x50, s14  }
0x8: {  	s31 =	smul.u32 $0x500, s14;
	p0 =	sne.s32 s14, $0xF;
	_ =	strace $0x8000004A  }
0x9: {  	s5 =	smul.u32 $0x27100, s4;
	[dreg:$0x4] =	wrdreg s8;
	s17 =	sshll.u32 s4, $0x4  }
0xa: {  	s18 =	ssub.s32 $0x2, s4;
	s8 =	sadd.s32 $0x138000, s2;
	s22 =	smul.u32 $0x5000, s4  }
0xb: {  	s23 =	smul.u32 $0x500, s4;
	s6 =	sshrl.u32 s6, $0x2;
	s10 =	sshrl.u32 s18, $0x1  }
0xc: {  	s0 =	sadd.s32 s5, s0;
	s5 =	sor.u32 s14, s17;
	s6 =	sadd.s32 s6, s2  }
0xd: {  	s10 =	ssub.s32 s18, s10;
	s5 =	smul.u32 $0x500, s5;
	s19 =	sadd.s32 $0x10000, s6  }
0xe: {  	s13 =	sadd.s32 $0x16400, s0;
	s24 =	smax.u32 s10, $0x1;
	[dreg:$0x5] =	wrdreg s19  }
0xf: {  	s25 =	sadd.s32 $0x4000, s6;
	s30 =	sadd.s32 $0x8000, s6;
	[dreg:$0xa] =	wrdreg s24  }
0x10: {  	s17 =	sadd.s32 $0xC000, s6;
	s0 =	sadd.s32 s26, s23;
	[dreg:$0xb] =	wrdreg s25  }
0x11: {  	[dreg:$0xc] =	wrdreg s30;
	s23 =	sor.u32 $0x3, s0;
	s11 =	sadd.s32 s7, s5  }
0x12: {  	s20 =	sor.u32 $0x10, s5;
	s5 =	sadd.s32 s9, s5;
	[dreg:$0x6] =	wrdreg s11  }
0x13: {  	s25 =	sadd.s32 s12, s13;
	[dreg:$0x7] =	wrdreg s5;
	s21 =	sadd.s32 s7, s20  }
0x14: {  	s11 =	sadd.s32 s9, s20;
	s9 =	sadd.s32 s22, s9;
	[dreg:$0x8] =	wrdreg s21  }
0x15: {  	s5 =	sadd.s32 s22, s7;
	s22 =	simm.s32 $0x8;
	[dreg:$0x9] =	wrdreg s11  }
0x16: {  	s18 =	sadd.s32 s31, s9;
	s19 =	sadd.s32 s31, s5;
	s21 =	simm.s32 $0x400  }
.LBB2_1:
0x17: {  	s0 =	rddreg [dreg:$0x4]  }
0x18: {  	[tilespmem:s21], [sflag:$0x8] =	stream.linear.gather [hbm4b:s0+s3], $0x4000, $0x38;
	[tilespmem:$0x1BCC0] =	vst v63  }
0x19: {  	_ =	swait.ge [sflag:s22], $0x4000  }
0x1a: {  	[sflag:s22] =	ssyncset.done $0x0  }
0x1b: {  	[sflag:s22] =	ssyncadd.s32 $0xFFFFC000  }
0x1c: {  	[spmem:s6] =	stream.linear.scatter [tilespmem:s21], [sflag:$0x8], $0x4000, $0x38;
	[tilespmem:$0x1BCC0] =	vst v63  }
0x1d: {  	_ =	swait.ge [sflag:s22], $0x4000  }
0x1e: {  	[sflag:s22] =	ssyncset.done $0x0  }
0x1f: {  	s10 =	rddreg [dreg:$0xb];
	[sflag:s22] =	ssyncadd.s32 $0xFFFFC000  }
0x20: {  	[spmem:s10] =	stream.linear.scatter [tilespmem:s21], [sflag:$0x8], $0x4000, $0x38;
	[tilespmem:$0x1BCC0] =	vst v63  }
0x21: {  	_ =	swait.ge [sflag:s22], $0x4000  }
0x22: {  	[sflag:s22] =	ssyncset.done $0x0  }
0x23: {  	s11 =	rddreg [dreg:$0xc];
	[sflag:s22] =	ssyncadd.s32 $0xFFFFC000  }
0x24: {  	[spmem:s11] =	stream.linear.scatter [tilespmem:s21], [sflag:$0x8], $0x4000, $0x38;
	[tilespmem:$0x1BCC0] =	vst v63  }
0x25: {  	_ =	swait.ge [sflag:s22], $0x4000  }
0x26: {  	[sflag:s22] =	ssyncset.done $0x0  }
0x27: {  	[sflag:s22] =	ssyncadd.s32 $0xFFFFC000  }
0x28: {  	[spmem:s17] =	stream.linear.scatter [tilespmem:s21], [sflag:$0x8], $0x4000, $0x38;
	[tilespmem:$0x1BCC0] =	vst v63  }
0x29: {  	_ =	swait.ge [sflag:s22], $0x4000  }
0x2a: {  	[sflag:s22] =	ssyncset.done $0x0  }
0x2b: {  	s12 =	rddreg [dreg:$0x5];
	[sflag:s22] =	ssyncadd.s32 $0xFFFFC000  }
0x2c: {  	[spmem:s12] =	stream.linear.scatter [tilespmem:s21], [sflag:$0x8], $0x3800, $0x38;
	[tilespmem:$0x1BCC0] =	vst v63  }
0x2d: {  	_ =	swait.ge [sflag:s22], $0x3800  }
0x2e: {  	[sflag:s22] =	ssyncset.done $0x0  }
0x2f: {  	s0 =	simm.s32 @!p0 $0x400;
	[sflag:s22] =	ssyncadd.s32 $0xFFFFC800  }
0x30: {  	[spmem:s8] =	stream.linear.scatter @!p0 [tilespmem:s0], [sflag:$0x8], $0xC00, $0x38;
	[tilespmem:$0x1BCC0] =	vst v63  }
0x31: {  	s0 =	simm.s32 @!p0 $0x8  }
0x32: {  	_ =	swait.ge @!p0 [sflag:s0], $0xC00  }
0x33: {  	[sflag:s0] =	ssyncset.done @!p0 $0x0  }
0x34: {  	s14 =	rddreg [dreg:$0x6];
	[sflag:s0] =	ssyncadd.s32 @!p0 $0xFFFFF400  }
0x35: {  	[tilespmem:s3], [sflag:$0x4] =	stream.linear.gather [hbm4b:s14+s3], $0x80, $0x38;
	[tilespmem:$0x1BCC0] =	vst v63  }
0x36: {  	s4 =	simm.s32 $0x200;
	s15 =	rddreg [dreg:$0x7]  }
0x37: {  	[tilespmem:s4], [sflag:$0x4] =	stream.linear.gather [hbm4b:s15+s3], $0x80, $0x38;
	[tilespmem:$0x1BCC0] =	vst v63  }
0x38: {  	s20 =	simm.s32 $0x80;
	s16 =	rddreg [dreg:$0x8];
	s0 =	sadd.s32 $0xFFFFFFFD, s23  }
0x39: {  	[tilespmem:s20], [sflag:$0x5] =	stream.linear.gather [hbm4b:s16+s3], $0x80, $0x38;
	[tilespmem:$0x1BCC0] =	vst v63  }
0x3a: {  	s26 =	simm.s32 $0x280;
	s24 =	rddreg [dreg:$0x9];
	p1 =	sgt.u32 s0, $0x9C3  }
0x3b: {  	[tilespmem:s26], [sflag:$0x5] =	stream.linear.gather [hbm4b:s24+s3], $0x80, $0x38;
	[tilespmem:$0x1BCC0] =	vst v63  }
0x3c: {  	s4 =	simm.s32 @!p1 $0x4;
	[bflag:$0x0] =	sbarrier.arrive $0xFFFF  }
0x3d: {  	_ =	swait.ge @!p1 [sflag:s4], $0x80  }
0x3e: {  	s30 =	simm.s32 $0x40;
	s31 =	simm.s32 $0x0;
	[sflag:s4] =	ssyncset.done @!p1 $0x0  }
0x3f: {  	s12 =	sadd.s32 $0xFFFFFFFE, s23;
	s5 =	simm.s32 @!p1 $0x400;
	[sflag:s4] =	ssyncadd.s32 @!p1 $0xFFFFFF80  }
0x40: {  	s7 =	simm.s32 @!p1 $0x1;
	s9 =	simm.s32 @!p1 $0x80;
	_ =	swait.ge @!p1 [sflag:s4], $0x80  }
0x41: {  	s10 =	simm.s32 @!p1 $0x0;
	p2 =	por @!p1 $0x1, $0x1;
	[sflag:s4] =	ssyncset.done @!p1 $0x0  }
0x42: {  	p3 =	sgt.u32 @!p1 s0, $0x9C1;
	s11 =	simm.s32 @!p1 $0x200;
	[sflag:s4] =	ssyncadd.s32 @!p1 $0xFFFFFF80  }
0x43: {  	[tilespmem:s5], [sflag:$0x1] =	stream.indirect.gather @!p1 [hbm4b:s1+s9], $0x80, s10, s9, $0xb8;
	[tilespmem:$0x1BCC0] =	vst v63  }
0x44: {  	p4 =	por p2, p1;
	p2 =	por p3, p1;
	_ =	swait.ge @!p1 [sflag:s7], $0x4000  }
0x45: {  	p3 =	sgt.u32 s12, $0x9C3;
	s0 =	simm.s32 @!p4 $0x3;
	[sflag:s7] =	ssyncset.done @!p1 $0x0  }
0x46: {  	s14 =	simm.s32 @!p3 $0x280;
	s20 =	smov.u32 s23;
	[sflag:s7] =	ssyncadd.s32 @!p1 $0xFFFFC000  }
0x47: {  	s24 =	simm.s32 $0x80;
	s4 =	sadd.s32 @!p2 $0x0, s19;
	_ =	swait.ge @!p4 [sflag:s0], $0x4000  }
0x48: {  	s10 =	sadd.s32 $0xFFFFFFFF, s23;
	s4 =	sadd.s32 @!p2 $0x20, s4;
	[sflag:s0] =	ssyncset.done @!p4 $0x0  }
0x49: {  	s7 =	sadd.s32 @!p2 $0x0, s18;
	[sflag:s0] =	ssyncadd.s32 @!p4 $0xFFFFC000;
	s0 =	simm.s32 @!p2 $0x100  }
0x4a: {  	[spmem:s2] =	stream.indirect.scatter.add.f32 @!p1 [tilespmem:s5], [sflag:$0x3], $0x80, s11, s9, $0xb8;
	[tilespmem:$0x1BCC0] =	vst v63  }
0x4b: {  	s5 =	simm.s32 @!p2 $0x0;
	s9 =	simm.s32 @!p3 $0x5;
	p1 =	sgt.u32 @!p3 s12, $0x9C1  }
0x4c: {  	[tilespmem:s0], [sflag:$0x6] =	stream.linear.gather @!p2 [hbm4b:s4+s5], $0x80, $0x38;
	[tilespmem:$0x1BCC0] =	vst v63  }
0x4d: {  	s11 =	simm.s32 @!p3 $0x2;
	s0 =	sadd.s32 @!p2 $0x20, s7;
	s4 =	simm.s32 @!p2 $0x300  }
0x4e: {  	[tilespmem:s4], [sflag:$0x6] =	stream.linear.gather @!p2 [hbm4b:s0+s5], $0x80, $0x38;
	[tilespmem:$0x1BCC0] =	vst v63  }
0x4f: {  	s12 =	simm.s32 @!p3 $0x4400;
	p4 =	por p1, p3;
	s4 =	simm.s32 @!p3 $0x3  }
0x50: {  	s5 =	simm.s32 @!p3 $0x80;
	p2 =	sgt.u32 s10, $0x9C3;
	_ =	swait.ge @!p3 [sflag:s9], $0x80  }
0x51: {  	s0 =	sadd.s32 @!p4 $0x0, s19;
	p1 =	por @!p2 $0x0, $0x0;
	[sflag:s9] =	ssyncset.done @!p3 $0x0  }
0x52: {  	s7 =	sadd.s32 @!p4 $0x30, s0;
	p5 =	por p1, p2;
	[sflag:s9] =	ssyncadd.s32 @!p3 $0xFFFFFF80  }
0x53: {  	s0 =	sadd.s32 @!p4 $0x0, s18;
	p5 =	sgt.u32 @!p5 s10, $0x9C1;
	_ =	swait.ge @!p3 [sflag:s9], $0x80  }
0x54: {  	s10 =	sadd.s32 @!p4 $0x30, s0;
	s0 =	smov.u32 s23;
	[sflag:s9] =	ssyncset.done @!p3 $0x0  }
0x55: {  	p5 =	por @!p2 p5, p1;
	[sflag:s9] =	ssyncadd.s32 @!p3 $0xFFFFFF80;
	s9 =	simm.s32 @!p4 $0x0  }
0x56: {  	[tilespmem:s12], [sflag:$0x2] =	stream.indirect.gather @!p3 [hbm4b:s1+s5], $0x80, s5, s5, $0xb8;
	[tilespmem:$0x1BCC0] =	vst v63  }
.LBB2_2:
0x57: {  	_ =	swait.ge @!p3 [sflag:s11], $0x4000;
	s26 =	smov.u32 s24;
	s24 =	sadd.s32 $0x40, s24  }
0x58: {  	p1 =	sne.s32 s24, $0x500;
	[sflag:s11] =	ssyncset.done @!p3 $0x0  }
0x59: {  	[sflag:s11] =	ssyncadd.s32 @!p3 $0xFFFFC000  }
0x5a: {  	_ =	swait.ge @!p3 [sflag:s4], $0x4000  }
0x5b: {  	s20 =	sadd.s32 $0x4, s20;
	[sflag:s4] =	ssyncset.done @!p3 $0x0  }
0x5c: {  	s11 =	simm.s32 @!p2 $0x6;
	[sflag:s4] =	ssyncadd.s32 @!p3 $0xFFFFC000;
	s4 =	simm.s32 @!p4 $0x380  }
0x5d: {  	[spmem:s2] =	stream.indirect.scatter.add.f32 @!p3 [tilespmem:s12], [sflag:$0x3], $0x80, s14, s5, $0xb8;
	[tilespmem:$0x1BCC0] =	vst v63  }
0x5e: {  	s5 =	simm.s32 @!p4 $0x180;
	s12 =	simm.s32 @!p2 $0x100;
	s14 =	simm.s32 @!p2 $0x3  }
0x5f: {  	[tilespmem:s5], [sflag:$0x7] =	stream.linear.gather @!p4 [hbm4b:s7+s9], $0x80, $0x38;
	[tilespmem:$0x1BCC0] =	vst v63  }
0x60: {  	p5 =	por p5, p2;
	s5 =	simm.s32 @!p2 $0x80  }
0x61: {  	s15 =	sadd.s32 @!p5 s31, s18;
	s7 =	sadd.s32 @!p5 s31, s19  }
0x62: {  	[tilespmem:s4], [sflag:$0x7] =	stream.linear.gather @!p4 [hbm4b:s10+s9], $0x80, $0x38;
	[tilespmem:$0x1BCC0] =	vst v63  }
0x63: {  	s4 =	sadd.s32 @!p5 $0x40, s7;
	s7 =	sadd.s32 @!p5 $0x40, s15;
	_ =	swait.ge @!p2 [sflag:s11], $0x80  }
0x64: {  	[sflag:s11] =	ssyncset.done @!p2 $0x0  }
0x65: {  	[sflag:s11] =	ssyncadd.s32 @!p2 $0xFFFFFF80  }
0x66: {  	_ =	swait.ge @!p2 [sflag:s11], $0x80  }
0x67: {  	s9 =	simm.s32 @!p2 $0x400;
	[sflag:s11] =	ssyncset.done @!p2 $0x0  }
0x68: {  	s10 =	simm.s32 @!p2 $0x1;
	[sflag:s11] =	ssyncadd.s32 @!p2 $0xFFFFFF80  }
0x69: {  	[tilespmem:s9], [sflag:$0x1] =	stream.indirect.gather @!p2 [hbm4b:s1+s5], $0x80, s12, s5, $0xb8;
	[tilespmem:$0x1BCC0] =	vst v63  }
0x6a: {  	_ =	swait.ge @!p2 [sflag:s10], $0x4000  }
0x6b: {  	[sflag:s10] =	ssyncset.done @!p2 $0x0  }
0x6c: {  	p3 =	sgt.u32 s0, $0x9C3;
	[sflag:s10] =	ssyncadd.s32 @!p2 $0xFFFFC000;
	s10 =	simm.s32 @!p5 $0x0  }
0x6d: {  	_ =	swait.ge @!p2 [sflag:s14], $0x4000  }
0x6e: {  	p4 =	seq.s32 @!p3 s31, $0x4C0;
	s11 =	simm.s32 @!p3 $0x7;
	[sflag:s14] =	ssyncset.done @!p2 $0x0  }
0x6f: {  	p6 =	por p4, p3;
	s12 =	simm.s32 @!p2 $0x300;
	[sflag:s14] =	ssyncadd.s32 @!p2 $0xFFFFC000  }
0x70: {  	[spmem:s2] =	stream.indirect.scatter.add.f32 @!p2 [tilespmem:s9], [sflag:$0x3], $0x80, s12, s5, $0xb8;
	[tilespmem:$0x1BCC0] =	vst v63  }
0x71: {  	s5 =	simm.s32 @!p5 $0x200  }
0x72: {  	[tilespmem:s10], [sflag:$0x4] =	stream.linear.gather @!p5 [hbm4b:s4+s10], $0x80, $0x38;
	[tilespmem:$0x1BCC0] =	vst v63  }
0x73: {  	p2 =	sgt.u32 @!p6 s0, $0x9C1;
	s0 =	smov.u32 s20;
	s4 =	simm.s32 @!p3 $0x2  }
0x74: {  	[tilespmem:s5], [sflag:$0x4] =	stream.linear.gather @!p5 [hbm4b:s7+s10], $0x80, $0x38;
	[tilespmem:$0x1BCC0] =	vst v63  }
0x75: {  	p6 =	por @!p3 p2, p4;
	s5 =	sadd.s32 $0xFFFFFFFD, s20;
	_ =	swait.ge @!p3 [sflag:s11], $0x80  }
0x76: {  	s7 =	simm.s32 @!p3 $0x4400;
	p2 =	sgt.u32 s5, $0x9C3;
	[sflag:s11] =	ssyncset.done @!p3 $0x0  }
0x77: {  	p4 =	seq.s32 @!p2 s30, $0x0;
	p5 =	sgt.u32 @!p2 s5, $0x9C1;
	[sflag:s11] =	ssyncadd.s32 @!p3 $0xFFFFFF80  }
0x78: {  	_ =	swait.ge @!p3 [sflag:s11], $0x80  }
0x79: {  	s5 =	simm.s32 @!p3 $0x3;
	[sflag:s11] =	ssyncset.done @!p3 $0x0  }
0x7a: {  	s9 =	simm.s32 @!p3 $0x80;
	s10 =	simm.s32 @!p3 $0x180;
	[sflag:s11] =	ssyncadd.s32 @!p3 $0xFFFFFF80  }
0x7b: {  	[tilespmem:s7], [sflag:$0x2] =	stream.indirect.gather @!p3 [hbm4b:s1+s9], $0x80, s10, s9, $0xb8;
	[tilespmem:$0x1BCC0] =	vst v63  }
0x7c: {  	_ =	swait.ge @!p3 [sflag:s4], $0x4000  }
0x7d: {  	[sflag:s4] =	ssyncset.done @!p3 $0x0  }
0x7e: {  	p6 =	por p6, p3;
	[sflag:s4] =	ssyncadd.s32 @!p3 $0xFFFFC000  }
0x7f: {  	s4 =	simm.s32 @!p3 $0x380;
	_ =	swait.ge @!p3 [sflag:s5], $0x4000  }
0x80: {  	s11 =	simm.s32 @!p6 $0x0;
	s10 =	sadd.s32 @!p6 s31, s19;
	[sflag:s5] =	ssyncset.done @!p3 $0x0  }
0x81: {  	[sflag:s5] =	ssyncadd.s32 @!p3 $0xFFFFC000;
	s5 =	sadd.s32 @!p6 $0x50, s10;
	s10 =	sadd.s32 @!p6 s31, s18  }
0x82: {  	[spmem:s2] =	stream.indirect.scatter.add.f32 @!p3 [tilespmem:s7], [sflag:$0x3], $0x80, s4, s9, $0xb8;
	[tilespmem:$0x1BCC0] =	vst v63  }
0x83: {  	s4 =	simm.s32 @!p6 $0x80;
	s7 =	sadd.s32 @!p6 $0x50, s10;
	s9 =	simm.s32 @!p6 $0x280  }
0x84: {  	[tilespmem:s4], [sflag:$0x5] =	stream.linear.gather @!p6 [hbm4b:s5+s11], $0x80, $0x38;
	[tilespmem:$0x1BCC0] =	vst v63  }
0x85: {  	s31 =	smov.u32 s30;
	s30 =	smov.u32 s26;
	s4 =	simm.s32 @!p2 $0x4  }
0x86: {  	[tilespmem:s9], [sflag:$0x5] =	stream.linear.gather @!p6 [hbm4b:s7+s11], $0x80, $0x38;
	[tilespmem:$0x1BCC0] =	vst v63  }
0x87: {  	_ =	swait.ge @!p2 [sflag:s4], $0x80  }
0x88: {  	[sflag:s4] =	ssyncset.done @!p2 $0x0  }
0x89: {  	s26 =	sadd.s32 $0xFFFFFFFF, s20;
	[sflag:s4] =	ssyncadd.s32 @!p2 $0xFFFFFF80  }
0x8a: {  	s5 =	simm.s32 @!p2 $0x400;
	s7 =	simm.s32 @!p2 $0x1;
	_ =	swait.ge @!p2 [sflag:s4], $0x80  }
0x8b: {  	s10 =	simm.s32 @!p2 $0x0;
	s9 =	simm.s32 @!p2 $0x80;
	[sflag:s4] =	ssyncset.done @!p2 $0x0  }
0x8c: {  	p4 =	por p4, p2;
	p5 =	por p5, p2;
	[sflag:s4] =	ssyncadd.s32 @!p2 $0xFFFFFF80  }
0x8d: {  	[tilespmem:s5], [sflag:$0x1] =	stream.indirect.gather @!p2 [hbm4b:s1+s9], $0x80, s10, s9, $0xb8;
	[tilespmem:$0x1BCC0] =	vst v63  }
0x8e: {  	s4 =	sadd.s32 @!p5 s31, s19;
	s10 =	sadd.s32 @!p5 s31, s18;
	_ =	swait.ge @!p2 [sflag:s7], $0x4000  }
0x8f: {  	s11 =	sadd.s32 @!p5 $0x20, s4;
	s10 =	sadd.s32 @!p5 $0x20, s10;
	[sflag:s7] =	ssyncset.done @!p2 $0x0  }
0x90: {  	s4 =	simm.s32 @!p4 $0x3;
	[sflag:s7] =	ssyncadd.s32 @!p2 $0xFFFFC000;
	s7 =	simm.s32 @!p5 $0x100  }
0x91: {  	s14 =	sadd.s32 $0xFFFFFFFE, s20;
	s12 =	simm.s32 @!p2 $0x200;
	_ =	swait.ge @!p4 [sflag:s4], $0x4000  }
0x92: {  	s15 =	simm.s32 @!p5 $0x0;
	p3 =	sgt.u32 s14, $0x9C3;
	[sflag:s4] =	ssyncset.done @!p4 $0x0  }
0x93: {  	s16 =	simm.s32 @!p3 $0x5;
	[sflag:s4] =	ssyncadd.s32 @!p4 $0xFFFFC000;
	p4 =	sgt.u32 @!p3 s14, $0x9C1  }
0x94: {  	[spmem:s2] =	stream.indirect.scatter.add.f32 @!p2 [tilespmem:s5], [sflag:$0x3], $0x80, s12, s9, $0xb8;
	[tilespmem:$0x1BCC0] =	vst v63  }
0x95: {  	s4 =	simm.s32 @!p3 $0x3;
	s9 =	simm.s32 @!p5 $0x300;
	p4 =	por p4, p3  }
0x96: {  	[tilespmem:s7], [sflag:$0x6] =	stream.linear.gather @!p5 [hbm4b:s11+s15], $0x80, $0x38;
	[tilespmem:$0x1BCC0] =	vst v63  }
0x97: {  	s5 =	simm.s32 @!p3 $0x80;
	p2 =	sgt.u32 s26, $0x9C3;
	s7 =	sadd.s32 @!p4 s31, s19  }
0x98: {  	[tilespmem:s9], [sflag:$0x6] =	stream.linear.gather @!p5 [hbm4b:s10+s15], $0x80, $0x38;
	[tilespmem:$0x1BCC0] =	vst v63  }
0x99: {  	s7 =	sadd.s32 @!p4 $0x30, s7;
	p5 =	seq.s32 @!p2 s31, $0x4C0;
	_ =	swait.ge @!p3 [sflag:s16], $0x80  }
0x9a: {  	s11 =	simm.s32 @!p3 $0x2;
	p6 =	por p5, p2;
	[sflag:s16] =	ssyncset.done @!p3 $0x0  }
.Ltmp0:
0x9b: {  	s10 =	sadd.s32 @!p4 s31, s18;
	[sflag:s16] =	ssyncadd.s32 @!p3 $0xFFFFFF80;
	(pc) =	sbr.rel @p1 .LBB2_2-.Ltmp0, $4  }
0x9c: {  	s9 =	simm.s32 @!p4 $0x0;
	p6 =	sgt.u32 @!p6 s26, $0x9C1;
	_ =	swait.ge @!p3 [sflag:s16], $0x80  }
0x9d: {  	s12 =	simm.s32 @!p3 $0x4400;
	p5 =	por @!p2 p6, p5;
	[sflag:s16] =	ssyncset.done @!p3 $0x0  }
0x9e: {  	s14 =	simm.s32 @!p3 $0x280;
	s10 =	sadd.s32 @!p4 $0x30, s10;
	[sflag:s16] =	ssyncadd.s32 @!p3 $0xFFFFFF80  }
0x9f: {  	[tilespmem:s12], [sflag:$0x2] =	stream.indirect.gather @!p3 [hbm4b:s1+s5], $0x80, s5, s5, $0xb8;
	[tilespmem:$0x1BCC0] =	vst v63  }
0xa0: {  	_ =	swait.ge @!p3 [sflag:s11], $0x4000  }
0xa1: {  	[sflag:s11] =	ssyncset.done @!p3 $0x0  }
0xa2: {  	[sflag:s11] =	ssyncadd.s32 @!p3 $0xFFFFC000  }
0xa3: {  	_ =	swait.ge @!p3 [sflag:s4], $0x4000  }
0xa4: {  	[sflag:s4] =	ssyncset.done @!p3 $0x0  }
0xa5: {  	[sflag:s4] =	ssyncadd.s32 @!p3 $0xFFFFC000  }
0xa6: {  	[spmem:s2] =	stream.indirect.scatter.add.f32 @!p3 [tilespmem:s12], [sflag:$0x3], $0x80, s14, s5, $0xb8;
	[tilespmem:$0x1BCC0] =	vst v63  }
0xa7: {  	s4 =	simm.s32 @!p4 $0x180  }
0xa8: {  	[tilespmem:s4], [sflag:$0x7] =	stream.linear.gather @!p4 [hbm4b:s7+s9], $0x80, $0x38;
	[tilespmem:$0x1BCC0] =	vst v63  }
0xa9: {  	s5 =	simm.s32 @!p2 $0x6;
	s4 =	simm.s32 @!p4 $0x380  }
0xaa: {  	[tilespmem:s4], [sflag:$0x7] =	stream.linear.gather @!p4 [hbm4b:s10+s9], $0x80, $0x38;
	[tilespmem:$0x1BCC0] =	vst v63  }
0xab: {  	_ =	swait.ge @!p2 [sflag:s5], $0x80  }
0xac: {  	[sflag:s5] =	ssyncset.done @!p2 $0x0  }
0xad: {  	[sflag:s5] =	ssyncadd.s32 @!p2 $0xFFFFFF80  }
0xae: {  	_ =	swait.ge @!p2 [sflag:s5], $0x80  }
0xaf: {  	s7 =	simm.s32 @!p2 $0x80;
	s4 =	simm.s32 @!p2 $0x100;
	[sflag:s5] =	ssyncset.done @!p2 $0x0  }
0xb0: {  	s9 =	simm.s32 @!p2 $0x400;
	[sflag:s5] =	ssyncadd.s32 @!p2 $0xFFFFFF80;
	s5 =	simm.s32 @!p2 $0x1  }
0xb1: {  	[tilespmem:s9], [sflag:$0x1] =	stream.indirect.gather @!p2 [hbm4b:s1+s7], $0x80, s4, s7, $0xb8;
	[tilespmem:$0x1BCC0] =	vst v63  }
0xb2: {  	_ =	swait.ge @!p2 [sflag:s5], $0x4000  }
0xb3: {  	[sflag:s5] =	ssyncset.done @!p2 $0x0  }
0xb4: {  	s4 =	simm.s32 @!p2 $0x3;
	[sflag:s5] =	ssyncadd.s32 @!p2 $0xFFFFC000  }
0xb5: {  	p1 =	por p5, p2;
	_ =	swait.ge @!p2 [sflag:s4], $0x4000  }
0xb6: {  	s10 =	sadd.s32 @!p1 s31, s18;
	[sflag:s4] =	ssyncset.done @!p2 $0x0  }
0xb7: {  	s5 =	sadd.s32 @!p1 s31, s19;
	[sflag:s4] =	ssyncadd.s32 @!p2 $0xFFFFC000;
	s4 =	simm.s32 @!p2 $0x300  }
0xb8: {  	[spmem:s2] =	stream.indirect.scatter.add.f32 @!p2 [tilespmem:s9], [sflag:$0x3], $0x80, s4, s7, $0xb8;
	[tilespmem:$0x1BCC0] =	vst v63  }
0xb9: {  	s4 =	sadd.s32 @!p1 $0x40, s5;
	s5 =	simm.s32 @!p1 $0x0;
	p2 =	sgt.u32 s0, $0x9C3  }
0xba: {  	[tilespmem:s5], [sflag:$0x4] =	stream.linear.gather @!p1 [hbm4b:s4+s5], $0x80, $0x38;
	[tilespmem:$0x1BCC0] =	vst v63  }
0xbb: {  	s9 =	simm.s32 @!p1 $0x200;
	s7 =	simm.s32 @!p2 $0x7;
	s4 =	sadd.s32 @!p1 $0x40, s10  }
0xbc: {  	[tilespmem:s9], [sflag:$0x4] =	stream.linear.gather @!p1 [hbm4b:s4+s5], $0x80, $0x38;
	[tilespmem:$0x1BCC0] =	vst v63  }
0xbd: {  	_ =	swait.ge @!p2 [sflag:s7], $0x80  }
0xbe: {  	[sflag:s7] =	ssyncset.done @!p2 $0x0  }
0xbf: {  	[sflag:s7] =	ssyncadd.s32 @!p2 $0xFFFFFF80  }
0xc0: {  	p1 =	seq.s32 @!p2 s31, $0x4C0;
	_ =	swait.ge @!p2 [sflag:s7], $0x80  }
0xc1: {  	s4 =	simm.s32 @!p2 $0x2;
	s5 =	simm.s32 @!p2 $0x4400;
	[sflag:s7] =	ssyncset.done @!p2 $0x0  }
0xc2: {  	s9 =	simm.s32 @!p2 $0x180;
	[sflag:s7] =	ssyncadd.s32 @!p2 $0xFFFFFF80;
	s7 =	simm.s32 @!p2 $0x80  }
0xc3: {  	[tilespmem:s5], [sflag:$0x2] =	stream.indirect.gather @!p2 [hbm4b:s1+s7], $0x80, s9, s7, $0xb8;
	[tilespmem:$0x1BCC0] =	vst v63  }
0xc4: {  	p3 =	por p1, p2;
	_ =	swait.ge @!p2 [sflag:s4], $0x4000  }
0xc5: {  	s20 =	sadd.s32 $0x4, s20;
	p3 =	sgt.u32 @!p3 s0, $0x9C1;
	[sflag:s4] =	ssyncset.done @!p2 $0x0  }
0xc6: {  	p3 =	por @!p2 p3, p1;
	s9 =	simm.s32 @!p2 $0x3;
	[sflag:s4] =	ssyncadd.s32 @!p2 $0xFFFFC000  }
0xc7: {  	s0 =	sadd.s32 $0xFFFFFFFD, s20;
	p3 =	por p3, p2;
	_ =	swait.ge @!p2 [sflag:s9], $0x4000  }
0xc8: {  	p1 =	sgt.u32 s0, $0x9C3;
	s10 =	sadd.s32 @!p3 s31, s19;
	[sflag:s9] =	ssyncset.done @!p2 $0x0  }
0xc9: {  	s11 =	simm.s32 @!p3 $0x0;
	s4 =	simm.s32 @!p2 $0x380;
	[sflag:s9] =	ssyncadd.s32 @!p2 $0xFFFFC000  }
0xca: {  	[spmem:s2] =	stream.indirect.scatter.add.f32 @!p2 [tilespmem:s5], [sflag:$0x3], $0x80, s4, s7, $0xb8;
	[tilespmem:$0x1BCC0] =	vst v63  }
0xcb: {  	s4 =	sadd.s32 @!p3 $0x50, s10;
	s5 =	sadd.s32 @!p3 s31, s18;
	s7 =	simm.s32 @!p3 $0x80  }
0xcc: {  	[tilespmem:s7], [sflag:$0x5] =	stream.linear.gather @!p3 [hbm4b:s4+s11], $0x80, $0x38;
	[tilespmem:$0x1BCC0] =	vst v63  }
0xcd: {  	s4 =	sadd.s32 @!p3 $0x50, s5;
	s5 =	simm.s32 @!p3 $0x280;
	s7 =	simm.s32 @!p1 $0x4  }
0xce: {  	[tilespmem:s5], [sflag:$0x5] =	stream.linear.gather @!p3 [hbm4b:s4+s11], $0x80, $0x38;
	[tilespmem:$0x1BCC0] =	vst v63  }
0xcf: {  	_ =	swait.ge @!p1 [sflag:s7], $0x80  }
0xd0: {  	[sflag:s7] =	ssyncset.done @!p1 $0x0  }
0xd1: {  	[sflag:s7] =	ssyncadd.s32 @!p1 $0xFFFFFF80  }
0xd2: {  	_ =	swait.ge @!p1 [sflag:s7], $0x80  }
0xd3: {  	s9 =	simm.s32 @!p1 $0x80;
	s10 =	simm.s32 @!p1 $0x0;
	[sflag:s7] =	ssyncset.done @!p1 $0x0  }
0xd4: {  	s4 =	simm.s32 @!p1 $0x400;
	s5 =	simm.s32 @!p1 $0x1;
	[sflag:s7] =	ssyncadd.s32 @!p1 $0xFFFFFF80  }
0xd5: {  	[tilespmem:s4], [sflag:$0x1] =	stream.indirect.gather @!p1 [hbm4b:s1+s9], $0x80, s10, s9, $0xb8;
	[tilespmem:$0x1BCC0] =	vst v63  }
0xd6: {  	p2 =	seq.s32 @!p1 s30, $0x0;
	_ =	swait.ge @!p1 [sflag:s5], $0x4000  }
0xd7: {  	p2 =	por p2, p1;
	[sflag:s5] =	ssyncset.done @!p1 $0x0  }
0xd8: {  	p3 =	sgt.u32 @!p1 s0, $0x9C1;
	s0 =	simm.s32 @!p2 $0x3;
	[sflag:s5] =	ssyncadd.s32 @!p1 $0xFFFFC000  }
0xd9: {  	s11 =	sadd.s32 $0xFFFFFFFE, s20;
	p3 =	por p3, p1;
	_ =	swait.ge @!p2 [sflag:s0], $0x4000  }
0xda: {  	s7 =	sadd.s32 @!p3 s30, s18;
	s5 =	sadd.s32 @!p3 s30, s19;
	[sflag:s0] =	ssyncset.done @!p2 $0x0  }
0xdb: {  	s10 =	simm.s32 @!p1 $0x200;
	s5 =	sadd.s32 @!p3 $0x20, s5;
	[sflag:s0] =	ssyncadd.s32 @!p2 $0xFFFFC000  }
0xdc: {  	[spmem:s2] =	stream.indirect.scatter.add.f32 @!p1 [tilespmem:s4], [sflag:$0x3], $0x80, s10, s9, $0xb8;
	[tilespmem:$0x1BCC0] =	vst v63  }
0xdd: {  	s0 =	simm.s32 @!p3 $0x100;
	p2 =	sgt.u32 s11, $0x9C3;
	s4 =	simm.s32 @!p3 $0x0  }
0xde: {  	[tilespmem:s0], [sflag:$0x6] =	stream.linear.gather @!p3 [hbm4b:s5+s4], $0x80, $0x38;
	[tilespmem:$0x1BCC0] =	vst v63  }
0xdf: {  	s0 =	sadd.s32 @!p3 $0x20, s7;
	s5 =	simm.s32 @!p2 $0x5;
	s7 =	simm.s32 @!p3 $0x300  }
0xe0: {  	[tilespmem:s7], [sflag:$0x6] =	stream.linear.gather @!p3 [hbm4b:s0+s4], $0x80, $0x38;
	[tilespmem:$0x1BCC0] =	vst v63  }
0xe1: {  	_ =	swait.ge @!p2 [sflag:s5], $0x80  }
0xe2: {  	[sflag:s5] =	ssyncset.done @!p2 $0x0  }
0xe3: {  	[sflag:s5] =	ssyncadd.s32 @!p2 $0xFFFFFF80  }
0xe4: {  	_ =	swait.ge @!p2 [sflag:s5], $0x80  }
0xe5: {  	s0 =	simm.s32 @!p2 $0x80;
	[sflag:s5] =	ssyncset.done @!p2 $0x0  }
0xe6: {  	s4 =	simm.s32 @!p2 $0x2;
	s7 =	simm.s32 @!p2 $0x4400;
	[sflag:s5] =	ssyncadd.s32 @!p2 $0xFFFFFF80  }
0xe7: {  	[tilespmem:s7], [sflag:$0x2] =	stream.indirect.gather @!p2 [hbm4b:s1+s0], $0x80, s0, s0, $0xb8;
	[tilespmem:$0x1BCC0] =	vst v63  }
0xe8: {  	_ =	swait.ge @!p2 [sflag:s4], $0x4000  }
0xe9: {  	[sflag:s4] =	ssyncset.done @!p2 $0x0  }
0xea: {  	p1 =	sgt.u32 @!p2 s11, $0x9C1;
	s5 =	simm.s32 @!p2 $0x3;
	[sflag:s4] =	ssyncadd.s32 @!p2 $0xFFFFC000  }
0xeb: {  	s10 =	simm.s32 @!p2 $0x280;
	p3 =	por p1, p2;
	_ =	swait.ge @!p2 [sflag:s5], $0x4000  }
0xec: {  	s9 =	sadd.s32 @!p3 s30, s19;
	s4 =	sadd.s32 $0xFFFFFFFF, s20;
	[sflag:s5] =	ssyncset.done @!p2 $0x0  }
0xed: {  	s9 =	sadd.s32 @!p3 $0x30, s9;
	p1 =	sgt.u32 s4, $0x9C3;
	[sflag:s5] =	ssyncadd.s32 @!p2 $0xFFFFC000  }
0xee: {  	[spmem:s2] =	stream.indirect.scatter.add.f32 @!p2 [tilespmem:s7], [sflag:$0x3], $0x80, s10, s0, $0xb8;
	[tilespmem:$0x1BCC0] =	vst v63  }
0xef: {  	s5 =	simm.s32 @!p3 $0x0;
	s0 =	sadd.s32 @!p3 s30, s18;
	s7 =	simm.s32 @!p3 $0x180  }
0xf0: {  	[tilespmem:s7], [sflag:$0x7] =	stream.linear.gather @!p3 [hbm4b:s9+s5], $0x80, $0x38;
	[tilespmem:$0x1BCC0] =	vst v63  }
0xf1: {  	s0 =	sadd.s32 @!p3 $0x30, s0;
	s7 =	simm.s32 @!p3 $0x380;
	s9 =	simm.s32 @!p1 $0x6  }
0xf2: {  	[tilespmem:s7], [sflag:$0x7] =	stream.linear.gather @!p3 [hbm4b:s0+s5], $0x80, $0x38;
	[tilespmem:$0x1BCC0] =	vst v63  }
0xf3: {  	_ =	swait.ge @!p1 [sflag:s9], $0x80  }
0xf4: {  	[sflag:s9] =	ssyncset.done @!p1 $0x0  }
0xf5: {  	[sflag:s9] =	ssyncadd.s32 @!p1 $0xFFFFFF80  }
0xf6: {  	p2 =	seq.s32 @!p1 s30, $0x4C0;
	_ =	swait.ge @!p1 [sflag:s9], $0x80  }
0xf7: {  	s0 =	simm.s32 @!p1 $0x100;
	s5 =	simm.s32 @!p1 $0x80;
	[sflag:s9] =	ssyncset.done @!p1 $0x0  }
0xf8: {  	s7 =	simm.s32 @!p1 $0x400;
	[sflag:s9] =	ssyncadd.s32 @!p1 $0xFFFFFF80;
	s9 =	simm.s32 @!p1 $0x1  }
0xf9: {  	[tilespmem:s7], [sflag:$0x1] =	stream.indirect.gather @!p1 [hbm4b:s1+s5], $0x80, s0, s5, $0xb8;
	[tilespmem:$0x1BCC0] =	vst v63  }
0xfa: {  	p3 =	por p2, p1;
	_ =	swait.ge @!p1 [sflag:s9], $0x4000  }
0xfb: {  	p3 =	sgt.u32 @!p3 s4, $0x9C1;
	[sflag:s9] =	ssyncset.done @!p1 $0x0  }
0xfc: {  	p2 =	por @!p1 p3, p2;
	s0 =	simm.s32 @!p1 $0x3;
	[sflag:s9] =	ssyncadd.s32 @!p1 $0xFFFFC000  }
0xfd: {  	p2 =	por p2, p1;
	_ =	swait.ge @!p1 [sflag:s0], $0x4000  }
0xfe: {  	s4 =	sadd.s32 @!p2 s30, s19;
	[sflag:s0] =	ssyncset.done @!p1 $0x0  }
0xff: {  	s9 =	sadd.s32 @!p2 s30, s18;
	[sflag:s0] =	ssyncadd.s32 @!p1 $0xFFFFC000;
	s0 =	simm.s32 @!p1 $0x300  }
0x100: {  	[spmem:s2] =	stream.indirect.scatter.add.f32 @!p1 [tilespmem:s7], [sflag:$0x3], $0x80, s0, s5, $0xb8;
	[tilespmem:$0x1BCC0] =	vst v63  }
0x101: {  	s0 =	sadd.s32 @!p2 $0x40, s4;
	s4 =	simm.s32 @!p2 $0x0;
	p1 =	sgt.u32 s20, $0x9C3  }
0x102: {  	[tilespmem:s4], [sflag:$0x4] =	stream.linear.gather @!p2 [hbm4b:s0+s4], $0x80, $0x38;
	[tilespmem:$0x1BCC0] =	vst v63  }
0x103: {  	s7 =	simm.s32 @!p2 $0x200;
	s5 =	simm.s32 @!p1 $0x7;
	s0 =	sadd.s32 @!p2 $0x40, s9  }
0x104: {  	[tilespmem:s7], [sflag:$0x4] =	stream.linear.gather @!p2 [hbm4b:s0+s4], $0x80, $0x38;
	[tilespmem:$0x1BCC0] =	vst v63  }
0x105: {  	_ =	swait.ge @!p1 [sflag:s5], $0x80  }
0x106: {  	[sflag:s5] =	ssyncset.done @!p1 $0x0  }
0x107: {  	[sflag:s5] =	ssyncadd.s32 @!p1 $0xFFFFFF80  }
0x108: {  	s0 =	simm.s32 @!p1 $0x2;
	_ =	swait.ge @!p1 [sflag:s5], $0x80  }
0x109: {  	s4 =	simm.s32 @!p1 $0x4400;
	s7 =	simm.s32 @!p1 $0x180;
	[sflag:s5] =	ssyncset.done @!p1 $0x0  }
0x10a: {  	p2 =	seq.s32 @!p1 s30, $0x4C0;
	[sflag:s5] =	ssyncadd.s32 @!p1 $0xFFFFFF80;
	s5 =	simm.s32 @!p1 $0x80  }
0x10b: {  	[tilespmem:s4], [sflag:$0x2] =	stream.indirect.gather @!p1 [hbm4b:s1+s5], $0x80, s7, s5, $0xb8;
	[tilespmem:$0x1BCC0] =	vst v63  }
0x10c: {  	p3 =	por p2, p1;
	_ =	swait.ge @!p1 [sflag:s0], $0x4000  }
0x10d: {  	p3 =	sgt.u32 @!p3 s20, $0x9C1;
	[sflag:s0] =	ssyncset.done @!p1 $0x0  }
0x10e: {  	p2 =	por @!p1 p3, p2;
	s7 =	simm.s32 @!p1 $0x3;
	[sflag:s0] =	ssyncadd.s32 @!p1 $0xFFFFC000  }
0x10f: {  	p2 =	por p2, p1;
	_ =	swait.ge @!p1 [sflag:s7], $0x4000  }
0x110: {  	s9 =	sadd.s32 @!p2 s30, s19;
	[sflag:s7] =	ssyncset.done @!p1 $0x0  }
0x111: {  	s10 =	simm.s32 @!p2 $0x0;
	s0 =	simm.s32 @!p1 $0x380;
	[sflag:s7] =	ssyncadd.s32 @!p1 $0xFFFFC000  }
0x112: {  	[spmem:s2] =	stream.indirect.scatter.add.f32 @!p1 [tilespmem:s4], [sflag:$0x3], $0x80, s0, s5, $0xb8;
	[tilespmem:$0x1BCC0] =	vst v63  }
0x113: {  	s0 =	sadd.s32 @!p2 $0x50, s9;
	s4 =	sadd.s32 @!p2 s30, s18;
	s5 =	simm.s32 @!p2 $0x80  }
0x114: {  	[tilespmem:s5], [sflag:$0x5] =	stream.linear.gather @!p2 [hbm4b:s0+s10], $0x80, $0x38;
	[tilespmem:$0x1BCC0] =	vst v63  }
0x115: {  	s0 =	sadd.s32 @!p2 $0x50, s4;
	s4 =	simm.s32 @!p2 $0x280  }
0x116: {  	[tilespmem:s4], [sflag:$0x5] =	stream.linear.gather @!p2 [hbm4b:s0+s10], $0x80, $0x38;
	[tilespmem:$0x1BCC0] =	vst v63  }
0x117: {  	_ =	swait.ge [sflag:s28], $0x4000  }
0x118: {  	s26 =	stileid.u32;
	[sflag:s28] =	ssyncset.done $0x0  }
0x119: {  	s0 =	sshll.u32 s26, $0x6;
	[sflag:s28] =	ssyncadd.s32 $0xFFFFC000  }
0x11a: {  	s30 =	sshrl.u32 s6, $0x3;
	s0 =	sor.u32 $0x1C08, s0;
	[bflag:$0x0] =	sbarrier.arrive $0xFFFF  }
0x11b: {  	[hbm:s25], [sflag:s0] =	dma.local [spmem:s30], $0x2700  }
0x11c: {  	_ =	swait.ge [sflag:s22], $0x2700  }
0x11d: {  	[sflag:s22] =	ssyncset.done $0x0  }
0x11e: {  	s5 =	sshrl.u32 @!p0 s8, $0x3;
	s4 =	sadd.s32 @!p0 $0x27000, s13;
	[sflag:s22] =	ssyncadd.s32 $0xFFFFD900  }
0x11f: {  	[hbm:s4], [sflag:s0] =	dma.local @!p0 [spmem:s5], $0x100  }
0x120: {  	s0 =	simm.s32 @!p0 $0x8  }
0x121: {  	_ =	swait.ge @!p0 [sflag:s0], $0x100  }
0x122: {  	s29 =	sadd.s32 $0x1, s29;
	s31 =	rddreg [dreg:$0xa]  }
0x123: {  	p1 =	sne.s32 s29, s31  }
.Ltmp1:
0x124: {  	_ = 	snop;
	(pc) =	sbr.rel @p1 .LBB2_1-.Ltmp1, $3  }
0x125: {  	_ =	sdelay $0x1  }
0x126: {  	[sflag:s0] =	ssyncset.done @!p0 $0x0  }
0x127: {  	[sflag:s0] =	ssyncadd.s32 @!p0 $0xFFFFFF00  }
0x128: {  	_ =	sfence.sel $0x180000  }
0x129: {  	[bflag:$0x0] =	sbarrier.arrive $0xFFFF  }
0x12a: {  	_ =	strace $0x9000004A  }
0x12b: {  	s0 =	stileid.u32;
	[bflag:$0x2] =	sbarrier.arrive $0xFFFF  }
0x12c: {  	p0 =	sne.s32 s0, $0x0;
	s0 =	rddreg [dreg:$0x3]  }
0x12d: {  	s0 =	sadd.s32 @!p0 $0x100000, s0  }
0x12e: {  	[sflag:s0] =	ssyncadd.tile.s32 @!p0 $0x1;
	_ =	shalt  }
.Lfunc_end2:
_tile_overlayer_lowered:
.L_overlay_start_2:
0x12f: {  	(tag) =	ssettag $0x2  }
0x130: {  	s0 =	rddreg [dreg:$0x0];
	s2 =	stileid.u32  }
0x131: {  	s1 =	rddreg [dreg:$0x1];
	p0 =	sne.s32 s2, $0x0  }
0x132: {  	s3 =	rddreg [dreg:$0x2];
	[bflag:$0x3] =	sbarrier.arrive $0xFFFF;
	s2 =	simm.s32 @!p0 $0x1C08  }
0x133: {  	[timem:s3], [sflag:s2] =	dma.local @!p0 [hbm:s0], s1  }
0x134: {  	s0 =	simm.s32 @!p0 $0x8  }
0x135: {  	_ =	swait.ge @!p0 [sflag:s0], s1  }
0x136: {  	s1 =	ssub.s32 @!p0 $0x0, s1;
	[sflag:s0] =	ssyncset.done @!p0 $0x0  }
0x137: {  	[sflag:s0] =	ssyncadd.s32 @!p0 s1  }
0x138: {  	[bflag:$0x3] =	sbarrier.arrive $0xFFFF  }
0x139: {  	_ =	shalt  }

</sc_bundles>
